<compile_context>
chip_gen: v7x
topology: tpu7x:2x2x1
jax: 0.10.2.dev20260603
libtpu: 0.0.44.dev20260713+nightly
codegen_flags: <defaults>
</compile_context>

<pallas_src>
import functools

import jax
import jax.numpy as jnp
from jax import lax
from jax.experimental import pallas as pl
from jax.experimental.pallas import tpu as pltpu
from jax.experimental.pallas import tpu_sc as plsc

_ROWS = 128
_N = 32768
_K = 328
_L = 16
_NC = 2
_NS = 16
_NW = _NC * _NS
_ROWS_PER_W = _ROWS // _NW
_NCHUNK = _N // _L
_NSLOT = 7
_UNROLL = 7
_HWORDS = 256 * _L

_mesh = plsc.VectorSubcoreMesh(core_axis_name="c", subcore_axis_name="s")


@functools.partial(
    pl.kernel,
    mesh=_mesh,
    out_type=jax.ShapeDtypeStruct((_ROWS, _N), jnp.float32),
    compiler_params=pltpu.CompilerParams(needs_layout_passes=False),
    scratch_types=[
        pltpu.VMEM((_L,), jnp.float32),
        pltpu.VMEM((_N,), jnp.float32),
        pltpu.VMEM((_N,), jnp.float32),
        pltpu.VMEM((_N,), jnp.int32),
        pltpu.VMEM((_NSLOT * _HWORDS,), jnp.int32),
        pltpu.SMEM((256,), jnp.int32),
    ],
)
def _sc_kwinner(
    td_hbm, duty_hbm, x_hbm, out_hbm, td_v, duty_v, x_v, v_v, hist_v, tot_s
):
    wid = lax.axis_index("s") * _NC + lax.axis_index("c")
    pltpu.sync_copy(td_hbm, td_v)
    pltpu.sync_copy(duty_hbm, duty_v)
    td = td_v[...]
    lane = lax.iota(jnp.int32, _L)
    ones = jnp.full((_L,), 1, jnp.int32)
    zeros16 = jnp.zeros((_L,), jnp.int32)

    @plsc.parallel_loop(0, _NSLOT * 256, unroll=8)
    def _zero(j):
        hist_v[pl.ds(j * _L, _L)] = zeros16

    @plsc.parallel_loop(0, _NCHUNK, unroll=8)
    def _bf(i):
        sl = pl.ds(i * _L, _L)
        duty_v[sl] = jnp.exp(td - duty_v[sl])

    def scan_bins(rank):
        @plsc.parallel_loop(
            0, 256, unroll=8, carry=jnp.zeros((_L,), jnp.int32)
        )
        def sup(j, sup_acc):
            sls = [pl.ds(s * _HWORDS + j * _L, _L) for s in range(_NSLOT)]
            acc = hist_v[sls[0]]
            for sl in sls[1:]:
                acc = acc + hist_v[sl]
            t = jnp.sum(acc)
            tot_s[j] = t
            for sl in sls:
                hist_v[sl] = zeros16
            tsplat = jnp.full((_L,), t, jnp.int32)
            sel = lane == lax.shift_right_logical(j, 4)
            return sup_acc + jnp.where(sel, tsplat, 0)

        rev = lax.rev(sup, (0,))
        cs = plsc.cumsum(rev)
        ge = cs >= jnp.full((_L,), rank, jnp.int32)
        pc = plsc.all_reduce_population_count(ge)
        super_bin = jnp.max(pc) - 1
        isel = lane == (jnp.full((_L,), 16, jnp.int32) - pc)
        above = jnp.sum(jnp.where(isel, cs - rev, 0))
        rem0 = rank - above

        def sb(jj, carry):
            found, rem = carry
            j = super_bin * 16 + (jnp.int32(15) - jj)
            cnt = tot_s[j]
            miss = found < 0
            hit = miss & (rem <= cnt)
            found = jnp.where(hit, j, found)
            rem = jnp.where(miss & jnp.logical_not(hit), rem - cnt, rem)
            return found, rem

        return lax.fori_loop(0, 16, sb, (jnp.int32(-1), rem0))

    def row_body(r, c0):
        row = wid * _ROWS_PER_W + r
        pltpu.sync_copy(x_hbm.at[row], x_v)

        @plsc.parallel_loop(0, _NCHUNK, unroll=_UNROLL)
        def _p1(i):
            sl = pl.ds(i * _L, _L)
            xv = x_v[sl]
            b = xv * duty_v[sl] + 0.0
            s = lax.bitcast_convert_type(b, jnp.int32)
            v = s ^ (lax.shift_right_arithmetic(s, 31) & jnp.int32(0x7FFFFFFF))
            v_v[sl] = v
            digit = lax.shift_right_logical(v, 24) ^ 128
            hidx = (lax.rem(i, _NSLOT) * _HWORDS) + ((digit << 4) | lane)
            plsc.addupdate_scatter(hist_v, [hidx], ones)

        d1, rank = scan_bins(jnp.int32(_K))
        t_hi = (d1 ^ 128) << 24

        def radix_pass(shift, t_hi, rank):
            pshift = shift + 8
            tp = lax.shift_right_logical(t_hi, pshift)

            @plsc.parallel_loop(0, _NCHUNK, unroll=_UNROLL)
            def _pp(i):
                v = v_v[pl.ds(i * _L, _L)]
                match = lax.shift_right_logical(v, pshift) == tp
                digit = lax.shift_right_logical(v, shift) & 255
                hidx = (lax.rem(i, _NSLOT) * _HWORDS) + ((digit << 4) | lane)
                plsc.addupdate_scatter(hist_v, [hidx], ones, mask=match)

            d, rank2 = scan_bins(rank)
            return t_hi | (d << shift), rank2

        t_hi, rank = radix_pass(16, t_hi, rank)
        t_hi, rank = radix_pass(8, t_hi, rank)
        t_hi, rank = radix_pass(0, t_hi, rank)
        tv = jnp.full((_L,), t_hi, jnp.int32)

        @plsc.parallel_loop(0, _NCHUNK, unroll=16)
        def _pmask(i):
            sl = pl.ds(i * _L, _L)
            x_v[sl] = jnp.where(v_v[sl] >= tv, x_v[sl], jnp.float32(0.0))

        pltpu.sync_copy(x_v, out_hbm.at[row])
        return c0

    lax.fori_loop(0, _ROWS_PER_W, row_body, jnp.int32(0))


def kernel(x, dutyCycles, k):
    td = jnp.full((_L,), jnp.float32(k) / jnp.float32(x.shape[1]), jnp.float32)
    return _sc_kwinner(td, dutyCycles, x)

# --- scband reference (transcript-rebuilt; emitter-appended) ---
"""Pipeline reference for scband-kwinner-44538810859565 (READ-ONLY COPY).

The authoritative reference and input builder live on the scoring server;
editing this copy changes nothing except your own understanding.
"""

import jax, jax.numpy as jnp
import numpy as np


def setup_inputs(seed: int = 0) -> dict:
    key = jax.random.key(seed)
    k1, k2 = jax.random.split(key)
    x = jax.random.normal(k1, (128, 32768), dtype=jnp.float32)
    dutyCycles = jax.random.uniform(k2, (32768,), dtype=jnp.float32)
    return {"x": x, "dutyCycles": dutyCycles, "k": 328}


def reference(x, dutyCycles, k):
    # compute_kwinners, inference path (k != n so the k-winner branch runs)
    boostStrength = jnp.maximum(jnp.float32(1.0), jnp.float32(0.0))
    n = x.shape[1]
    k_static = 328
    targetDensity = jnp.float32(k) / jnp.float32(n)
    boostFactors = jnp.exp((targetDensity - dutyCycles) * boostStrength)
    boosted = x * boostFactors
    topk_vals, _ = jax.lax.top_k(boosted, k_static)
    bottom = jnp.min(topk_vals, axis=1, keepdims=True)
    mask = (boosted >= bottom).astype(x.dtype)
    return x * mask

if __name__ == "__main__":
    import jax
    _d = setup_inputs()
    print(jax.jit(kernel)(*tuple(_d.values())))

</pallas_src>

<mosaic_0001>
#map = affine_map<(d0, d1) -> (0)>
#map1 = affine_map<(d0, d1) -> (0, 0)>
module attributes {stable_mosaic.version = 14 : i64} {
  func.func @_sc_kwinner(%arg0: i32, %arg1: i32, %arg2: memref<16xf32, #tpu.memory_space<hbm>>, %arg3: memref<32768xf32, #tpu.memory_space<hbm>>, %arg4: memref<128x32768xf32, #tpu.memory_space<hbm>>, %arg5: memref<128x32768xf32, #tpu.memory_space<hbm>>, %arg6: memref<16xf32, #tpu.memory_space<vmem>>, %arg7: memref<32768xf32, #tpu.memory_space<vmem>>, %arg8: memref<32768xf32, #tpu.memory_space<vmem>>, %arg9: memref<32768xi32, #tpu.memory_space<vmem>>, %arg10: memref<28672xi32, #tpu.memory_space<vmem>>, %arg11: memref<256xi32, #tpu.memory_space<smem>>) attributes {dimension_semantics = [#tpu.dimension_semantics<core_parallel>, #tpu.dimension_semantics<subcore_parallel>], iteration_bounds = array<i64: 2, 16>, scalar_prefetch = 0 : i64, scratch_operands = 6 : i64, tpu.core_type = #tpu.core_type<sc_vector_subcore>, window_params = [{transform_indices = #map}, {transform_indices = #map}, {transform_indices = #map1}, {transform_indices = #map1}]} {
    %mul3A = arith.constant 2 : i32
    %mul3A_0 = arith.muli %arg1, %mul3A : i32
    %add3A = arith.addi %mul3A_0, %arg0 : i32
    "tpu.region"() ({
      %run_scoped3A = tpu.sem_alloc : memref<!tpu.dma_semaphore, #tpu.memory_space<semaphore_mem>>
      tpu.enqueue_dma source(%arg2 : memref<16xf32, #tpu.memory_space<hbm>>) target(%arg6 : memref<16xf32, #tpu.memory_space<vmem>>) target_semaphore(%run_scoped3A : memref<!tpu.dma_semaphore, #tpu.memory_space<semaphore_mem>>)
      tpu.wait_dma2 semaphore(%run_scoped3A : memref<!tpu.dma_semaphore, #tpu.memory_space<semaphore_mem>>) src(%arg2 : memref<16xf32, #tpu.memory_space<hbm>>) dst(%arg6 : memref<16xf32, #tpu.memory_space<vmem>>)
      tpu.yield
    }) : () -> ()
    "tpu.region"() ({
      %run_scoped3A = tpu.sem_alloc : memref<!tpu.dma_semaphore, #tpu.memory_space<semaphore_mem>>
      tpu.enqueue_dma source(%arg3 : memref<32768xf32, #tpu.memory_space<hbm>>) target(%arg7 : memref<32768xf32, #tpu.memory_space<vmem>>) target_semaphore(%run_scoped3A : memref<!tpu.dma_semaphore, #tpu.memory_space<semaphore_mem>>)
      tpu.wait_dma2 semaphore(%run_scoped3A : memref<!tpu.dma_semaphore, #tpu.memory_space<semaphore_mem>>) src(%arg3 : memref<32768xf32, #tpu.memory_space<hbm>>) dst(%arg7 : memref<32768xf32, #tpu.memory_space<vmem>>)
      tpu.yield
    }) : () -> ()
    %get3A = arith.constant 0 : index
    %get3A_1 = tpu.vector_load %arg6[%get3A] {strides = array<i32>} : memref<16xf32, #tpu.memory_space<vmem>>, vector<16xf32>,
    %iota3A = tpu.iota {dimensions = array<i32: 0>} : vector<16xi32>
    %broadcast_in_dim3A = arith.constant 1 : i32
    %broadcast_in_dim3A_2 = vector.broadcast %broadcast_in_dim3A : i32 to vector<16xi32>
    %broadcast_in_dim3A_3 = arith.constant 0 : i32
    %broadcast_in_dim3A_4 = vector.broadcast %broadcast_in_dim3A_3 : i32 to vector<16xi32>
    %parallel_loop3A = arith.constant 0 : i32
    %parallel_loop3A_5 = arith.constant 1792 : i32
    %parallel_loop3A_6 = arith.constant 1 : i32
    scf.for %parallel_loop3A_15 = %parallel_loop3A to %parallel_loop3A_5 step %parallel_loop3A_6  : i32 {
      %parallel_loop3A_16 = arith.constant 16 : i32
      %parallel_loop3A_17 = arith.muli %parallel_loop3A_15, %parallel_loop3A_16 : i32
      %parallel_loop3A_18 = arith.index_cast %parallel_loop3A_17 : i32 to index
      %parallel_loop3A_19 = tpu.vector_load %arg10[%parallel_loop3A_18] {strides = array<i32>} : memref<28672xi32, #tpu.memory_space<vmem>>, vector<16xi32>,
      tpu.vector_store %arg10[%parallel_loop3A_18], %broadcast_in_dim3A_4 {strides = array<i32>} : memref<28672xi32, #tpu.memory_space<vmem>>, vector<16xi32>,
    } {sc.loop_unroll_factor = 8 : i64, sc.parallel_access}
    %parallel_loop3A_7 = arith.constant 0 : i32
    %parallel_loop3A_8 = arith.constant 2048 : i32
    %parallel_loop3A_9 = arith.constant 1 : i32
    scf.for %parallel_loop3A_15 = %parallel_loop3A_7 to %parallel_loop3A_8 step %parallel_loop3A_9  : i32 {
      %parallel_loop3A_16 = arith.constant 16 : i32
      %parallel_loop3A_17 = arith.muli %parallel_loop3A_15, %parallel_loop3A_16 : i32
      %parallel_loop3A_18 = arith.index_cast %parallel_loop3A_17 : i32 to index
      %parallel_loop3A_19 = tpu.vector_load %arg7[%parallel_loop3A_18] {strides = array<i32>} : memref<32768xf32, #tpu.memory_space<vmem>>, vector<16xf32>,
      %parallel_loop3A_20 = arith.subf %get3A_1, %parallel_loop3A_19 : vector<16xf32>
      %parallel_loop3A_21 = math.exp %parallel_loop3A_20 : vector<16xf32>
      %parallel_loop3A_22 = arith.index_cast %parallel_loop3A_17 : i32 to index
      %parallel_loop3A_23 = tpu.vector_load %arg7[%parallel_loop3A_22] {strides = array<i32>} : memref<32768xf32, #tpu.memory_space<vmem>>, vector<16xf32>,
      tpu.vector_store %arg7[%parallel_loop3A_22], %parallel_loop3A_21 {strides = array<i32>} : memref<32768xf32, #tpu.memory_space<vmem>>, vector<16xf32>,
    } {sc.loop_unroll_factor = 8 : i64, sc.parallel_access}
    %scan3A = arith.constant 0 : i32
    %scan3A_10 = arith.constant 0 : i32
    %scan3A_11 = arith.constant 4 : i32
    %scan3A_12 = arith.addi %scan3A_10, %scan3A_11 : i32
    %scan3A_13 = arith.constant 1 : i32
    scf.for %scan3A_15 = %scan3A_10 to %scan3A_12 step %scan3A_13  : i32 {
      %mul3A_16 = arith.constant 4 : i32
      %mul3A_17 = arith.muli %add3A, %mul3A_16 : i32
      %add3A_18 = arith.addi %mul3A_17, %scan3A_15 : i32
      "tpu.region"() ({
        %run_scoped3A = tpu.sem_alloc : memref<!tpu.dma_semaphore, #tpu.memory_space<semaphore_mem>>
        %dma_start3A = arith.constant 0 : i32
        %dma_start3A_230 = tpu.memref_slice %arg4[%add3A_18, %dma_start3A] : memref<128x32768xf32, #tpu.memory_space<hbm>> -> memref<1x32768xf32, #tpu.memory_space<hbm>>
        %dma_start3A_231 = tpu.memref_squeeze %dma_start3A_230 : memref<1x32768xf32, #tpu.memory_space<hbm>> -> memref<32768xf32, #tpu.memory_space<hbm>>
        %dma_start3A_232 = arith.constant 0 : i32
        %dma_start3A_233 = tpu.memref_slice %arg4[%add3A_18, %dma_start3A_232] : memref<128x32768xf32, #tpu.memory_space<hbm>> -> memref<1x32768xf32, #tpu.memory_space<hbm>>
        %dma_start3A_234 = tpu.memref_squeeze %dma_start3A_233 : memref<1x32768xf32, #tpu.memory_space<hbm>> -> memref<32768xf32, #tpu.memory_space<hbm>>
        tpu.enqueue_dma source(%dma_start3A_234 : memref<32768xf32, #tpu.memory_space<hbm>>) target(%arg8 : memref<32768xf32, #tpu.memory_space<vmem>>) target_semaphore(%run_scoped3A : memref<!tpu.dma_semaphore, #tpu.memory_space<semaphore_mem>>)
        %dma_wait3A = arith.constant 0 : i32
        %dma_wait3A_235 = tpu.memref_slice %arg4[%add3A_18, %dma_wait3A] : memref<128x32768xf32, #tpu.memory_space<hbm>> -> memref<1x32768xf32, #tpu.memory_space<hbm>>
        %dma_wait3A_236 = tpu.memref_squeeze %dma_wait3A_235 : memref<1x32768xf32, #tpu.memory_space<hbm>> -> memref<32768xf32, #tpu.memory_space<hbm>>
        %dma_wait3A_237 = arith.constant 0 : i32
        %dma_wait3A_238 = tpu.memref_slice %arg4[%add3A_18, %dma_wait3A_237] : memref<128x32768xf32, #tpu.memory_space<hbm>> -> memref<1x32768xf32, #tpu.memory_space<hbm>>
        %dma_wait3A_239 = tpu.memref_squeeze %dma_wait3A_238 : memref<1x32768xf32, #tpu.memory_space<hbm>> -> memref<32768xf32, #tpu.memory_space<hbm>>
        tpu.wait_dma2 semaphore(%run_scoped3A : memref<!tpu.dma_semaphore, #tpu.memory_space<semaphore_mem>>) src(%dma_wait3A_239 : memref<32768xf32, #tpu.memory_space<hbm>>) dst(%arg8 : memref<32768xf32, #tpu.memory_space<vmem>>)
        tpu.yield
      }) : () -> ()
      %parallel_loop3A_19 = arith.constant 0 : i32
      %parallel_loop3A_20 = arith.constant 2048 : i32
      %parallel_loop3A_21 = arith.constant 1 : i32
      scf.for %parallel_loop3A_230 = %parallel_loop3A_19 to %parallel_loop3A_20 step %parallel_loop3A_21  : i32 {
        %parallel_loop3A_231 = arith.constant 16 : i32
        %parallel_loop3A_232 = arith.muli %parallel_loop3A_230, %parallel_loop3A_231 : i32
        %parallel_loop3A_233 = arith.index_cast %parallel_loop3A_232 : i32 to index
        %parallel_loop3A_234 = tpu.vector_load %arg8[%parallel_loop3A_233] {strides = array<i32>} : memref<32768xf32, #tpu.memory_space<vmem>>, vector<16xf32>,
        %parallel_loop3A_235 = arith.index_cast %parallel_loop3A_232 : i32 to index
        %parallel_loop3A_236 = tpu.vector_load %arg7[%parallel_loop3A_235] {strides = array<i32>} : memref<32768xf32, #tpu.memory_space<vmem>>, vector<16xf32>,
        %parallel_loop3A_237 = arith.mulf %parallel_loop3A_234, %parallel_loop3A_236 : vector<16xf32>
        %parallel_loop3A_238 = arith.constant 0.000000e+00 : f32
        %parallel_loop3A_239 = vector.broadcast %parallel_loop3A_238 : f32 to vector<16xf32>
        %parallel_loop3A_240 = arith.addf %parallel_loop3A_237, %parallel_loop3A_239 : vector<16xf32>
        %parallel_loop3A_241 = tpu.bitcast %parallel_loop3A_240 : vector<16xf32> -> vector<16xi32>
        %parallel_loop3A_242 = arith.constant 31 : i32
        %parallel_loop3A_243 = vector.broadcast %parallel_loop3A_242 : i32 to vector<16xi32>
        %parallel_loop3A_244 = arith.shrsi %parallel_loop3A_241, %parallel_loop3A_243 : vector<16xi32>
        %parallel_loop3A_245 = arith.constant 2147483647 : i32
        %parallel_loop3A_246 = vector.broadcast %parallel_loop3A_245 : i32 to vector<16xi32>
        %parallel_loop3A_247 = arith.andi %parallel_loop3A_244, %parallel_loop3A_246 : vector<16xi32>
        %parallel_loop3A_248 = arith.xori %parallel_loop3A_241, %parallel_loop3A_247 : vector<16xi32>
        %parallel_loop3A_249 = arith.index_cast %parallel_loop3A_232 : i32 to index
        %parallel_loop3A_250 = tpu.vector_load %arg9[%parallel_loop3A_249] {strides = array<i32>} : memref<32768xi32, #tpu.memory_space<vmem>>, vector<16xi32>,
        tpu.vector_store %arg9[%parallel_loop3A_249], %parallel_loop3A_248 {strides = array<i32>} : memref<32768xi32, #tpu.memory_space<vmem>>, vector<16xi32>,
        %parallel_loop3A_251 = arith.constant 24 : i32
        %parallel_loop3A_252 = vector.broadcast %parallel_loop3A_251 : i32 to vector<16xi32>
        %parallel_loop3A_253 = arith.shrui %parallel_loop3A_248, %parallel_loop3A_252 : vector<16xi32>
        %parallel_loop3A_254 = arith.constant 128 : i32
        %parallel_loop3A_255 = vector.broadcast %parallel_loop3A_254 : i32 to vector<16xi32>
        %parallel_loop3A_256 = arith.xori %parallel_loop3A_253, %parallel_loop3A_255 : vector<16xi32>
        %parallel_loop3A_257 = arith.constant 7 : i32
        %parallel_loop3A_258 = arith.remsi %parallel_loop3A_230, %parallel_loop3A_257 : i32
        %parallel_loop3A_259 = arith.constant 4096 : i32
        %parallel_loop3A_260 = arith.muli %parallel_loop3A_258, %parallel_loop3A_259 : i32
        %parallel_loop3A_261 = arith.constant 4 : i32
        %parallel_loop3A_262 = vector.broadcast %parallel_loop3A_261 : i32 to vector<16xi32>
        %parallel_loop3A_263 = arith.shli %parallel_loop3A_256, %parallel_loop3A_262 : vector<16xi32>
        %parallel_loop3A_264 = arith.ori %parallel_loop3A_263, %iota3A : vector<16xi32>
        %parallel_loop3A_265 = vector.broadcast %parallel_loop3A_260 : i32 to vector<16xi32>
        %parallel_loop3A_266 = arith.addi %parallel_loop3A_265, %parallel_loop3A_264 : vector<16xi32>
        tpu.vector_store_idx %arg10[%parallel_loop3A_266], %broadcast_in_dim3A_2 {add = true} : memref<28672xi32, #tpu.memory_space<vmem>>[vector<16xi32>], vector<16xi32>,
      } {sc.loop_unroll_factor = 7 : i64, sc.parallel_access}
      %broadcast_in_dim3A_22 = arith.constant 0 : i32
      %broadcast_in_dim3A_23 = vector.broadcast %broadcast_in_dim3A_22 : i32 to vector<16xi32>
      %parallel_loop3A_24 = arith.constant 0 : i32
      %parallel_loop3A_25 = arith.constant 256 : i32
      %parallel_loop3A_26 = arith.constant 1 : i32
      %parallel_loop3A_27 = scf.for %parallel_loop3A_230 = %parallel_loop3A_24 to %parallel_loop3A_25 step %parallel_loop3A_26 iter_args(%parallel_loop3A_231 = %broadcast_in_dim3A_23) -> (vector<16xi32>)  : i32 {
        %parallel_loop3A_232 = arith.constant 16 : i32
        %parallel_loop3A_233 = arith.muli %parallel_loop3A_230, %parallel_loop3A_232 : i32
        %parallel_loop3A_234 = arith.constant 0 : i32
        %parallel_loop3A_235 = arith.addi %parallel_loop3A_234, %parallel_loop3A_233 : i32
        %parallel_loop3A_236 = arith.constant 16 : i32
        %parallel_loop3A_237 = arith.muli %parallel_loop3A_230, %parallel_loop3A_236 : i32
        %parallel_loop3A_238 = arith.constant 4096 : i32
        %parallel_loop3A_239 = arith.addi %parallel_loop3A_238, %parallel_loop3A_237 : i32
        %parallel_loop3A_240 = arith.constant 16 : i32
        %parallel_loop3A_241 = arith.muli %parallel_loop3A_230, %parallel_loop3A_240 : i32
        %parallel_loop3A_242 = arith.constant 8192 : i32
        %parallel_loop3A_243 = arith.addi %parallel_loop3A_242, %parallel_loop3A_241 : i32
        %parallel_loop3A_244 = arith.constant 16 : i32
        %parallel_loop3A_245 = arith.muli %parallel_loop3A_230, %parallel_loop3A_244 : i32
        %parallel_loop3A_246 = arith.constant 12288 : i32
        %parallel_loop3A_247 = arith.addi %parallel_loop3A_246, %parallel_loop3A_245 : i32
        %parallel_loop3A_248 = arith.constant 16 : i32
        %parallel_loop3A_249 = arith.muli %parallel_loop3A_230, %parallel_loop3A_248 : i32
        %parallel_loop3A_250 = arith.constant 16384 : i32
        %parallel_loop3A_251 = arith.addi %parallel_loop3A_250, %parallel_loop3A_249 : i32
        %parallel_loop3A_252 = arith.constant 16 : i32
        %parallel_loop3A_253 = arith.muli %parallel_loop3A_230, %parallel_loop3A_252 : i32
        %parallel_loop3A_254 = arith.constant 20480 : i32
        %parallel_loop3A_255 = arith.addi %parallel_loop3A_254, %parallel_loop3A_253 : i32
        %parallel_loop3A_256 = arith.constant 16 : i32
        %parallel_loop3A_257 = arith.muli %parallel_loop3A_230, %parallel_loop3A_256 : i32
        %parallel_loop3A_258 = arith.constant 24576 : i32
        %parallel_loop3A_259 = arith.addi %parallel_loop3A_258, %parallel_loop3A_257 : i32
        %parallel_loop3A_260 = arith.index_cast %parallel_loop3A_235 : i32 to index
        %parallel_loop3A_261 = tpu.vector_load %arg10[%parallel_loop3A_260] {strides = array<i32>} : memref<28672xi32, #tpu.memory_space<vmem>>, vector<16xi32>,
        %parallel_loop3A_262 = arith.index_cast %parallel_loop3A_239 : i32 to index
        %parallel_loop3A_263 = tpu.vector_load %arg10[%parallel_loop3A_262] {strides = array<i32>} : memref<28672xi32, #tpu.memory_space<vmem>>, vector<16xi32>,
        %parallel_loop3A_264 = arith.addi %parallel_loop3A_261, %parallel_loop3A_263 : vector<16xi32>
        %parallel_loop3A_265 = arith.index_cast %parallel_loop3A_243 : i32 to index
        %parallel_loop3A_266 = tpu.vector_load %arg10[%parallel_loop3A_265] {strides = array<i32>} : memref<28672xi32, #tpu.memory_space<vmem>>, vector<16xi32>,
        %parallel_loop3A_267 = arith.addi %parallel_loop3A_264, %parallel_loop3A_266 : vector<16xi32>
        %parallel_loop3A_268 = arith.index_cast %parallel_loop3A_247 : i32 to index
        %parallel_loop3A_269 = tpu.vector_load %arg10[%parallel_loop3A_268] {strides = array<i32>} : memref<28672xi32, #tpu.memory_space<vmem>>, vector<16xi32>,
        %parallel_loop3A_270 = arith.addi %parallel_loop3A_267, %parallel_loop3A_269 : vector<16xi32>
        %parallel_loop3A_271 = arith.index_cast %parallel_loop3A_251 : i32 to index
        %parallel_loop3A_272 = tpu.vector_load %arg10[%parallel_loop3A_271] {strides = array<i32>} : memref<28672xi32, #tpu.memory_space<vmem>>, vector<16xi32>,
        %parallel_loop3A_273 = arith.addi %parallel_loop3A_270, %parallel_loop3A_272 : vector<16xi32>
        %parallel_loop3A_274 = arith.index_cast %parallel_loop3A_255 : i32 to index
        %parallel_loop3A_275 = tpu.vector_load %arg10[%parallel_loop3A_274] {strides = array<i32>} : memref<28672xi32, #tpu.memory_space<vmem>>, vector<16xi32>,
        %parallel_loop3A_276 = arith.addi %parallel_loop3A_273, %parallel_loop3A_275 : vector<16xi32>
        %parallel_loop3A_277 = arith.index_cast %parallel_loop3A_259 : i32 to index
        %parallel_loop3A_278 = tpu.vector_load %arg10[%parallel_loop3A_277] {strides = array<i32>} : memref<28672xi32, #tpu.memory_space<vmem>>, vector<16xi32>,
        %parallel_loop3A_279 = arith.addi %parallel_loop3A_276, %parallel_loop3A_278 : vector<16xi32>
        %parallel_loop3A_280 = arith.constant true
        %parallel_loop3A_281 = vector.broadcast %parallel_loop3A_280 : i1 to vector<16xi1>
        %parallel_loop3A_282 = tpu.scan <sum>, %parallel_loop3A_279 masked %parallel_loop3A_281 : vector<16xi32>, vector<16xi1> -> vector<16xi32>
        %parallel_loop3A_283 = vector.extract %parallel_loop3A_282[15] : i32 from vector<16xi32>
        %parallel_loop3A_284 = arith.index_cast %parallel_loop3A_230 : i32 to index
        %parallel_loop3A_285 = memref.load %arg11[%parallel_loop3A_284] : memref<256xi32, #tpu.memory_space<smem>>
        memref.store %parallel_loop3A_283, %arg11[%parallel_loop3A_284] : memref<256xi32, #tpu.memory_space<smem>>
        %parallel_loop3A_286 = arith.index_cast %parallel_loop3A_235 : i32 to index
        %parallel_loop3A_287 = tpu.vector_load %arg10[%parallel_loop3A_286] {strides = array<i32>} : memref<28672xi32, #tpu.memory_space<vmem>>, vector<16xi32>,
        tpu.vector_store %arg10[%parallel_loop3A_286], %broadcast_in_dim3A_4 {strides = array<i32>} : memref<28672xi32, #tpu.memory_space<vmem>>, vector<16xi32>,
        %parallel_loop3A_288 = arith.index_cast %parallel_loop3A_239 : i32 to index
        %parallel_loop3A_289 = tpu.vector_load %arg10[%parallel_loop3A_288] {strides = array<i32>} : memref<28672xi32, #tpu.memory_space<vmem>>, vector<16xi32>,
        tpu.vector_store %arg10[%parallel_loop3A_288], %broadcast_in_dim3A_4 {strides = array<i32>} : memref<28672xi32, #tpu.memory_space<vmem>>, vector<16xi32>,
        %parallel_loop3A_290 = arith.index_cast %parallel_loop3A_243 : i32 to index
        %parallel_loop3A_291 = tpu.vector_load %arg10[%parallel_loop3A_290] {strides = array<i32>} : memref<28672xi32, #tpu.memory_space<vmem>>, vector<16xi32>,
        tpu.vector_store %arg10[%parallel_loop3A_290], %broadcast_in_dim3A_4 {strides = array<i32>} : memref<28672xi32, #tpu.memory_space<vmem>>, vector<16xi32>,
        %parallel_loop3A_292 = arith.index_cast %parallel_loop3A_247 : i32 to index
        %parallel_loop3A_293 = tpu.vector_load %arg10[%parallel_loop3A_292] {strides = array<i32>} : memref<28672xi32, #tpu.memory_space<vmem>>, vector<16xi32>,
        tpu.vector_store %arg10[%parallel_loop3A_292], %broadcast_in_dim3A_4 {strides = array<i32>} : memref<28672xi32, #tpu.memory_space<vmem>>, vector<16xi32>,
        %parallel_loop3A_294 = arith.index_cast %parallel_loop3A_251 : i32 to index
        %parallel_loop3A_295 = tpu.vector_load %arg10[%parallel_loop3A_294] {strides = array<i32>} : memref<28672xi32, #tpu.memory_space<vmem>>, vector<16xi32>,
        tpu.vector_store %arg10[%parallel_loop3A_294], %broadcast_in_dim3A_4 {strides = array<i32>} : memref<28672xi32, #tpu.memory_space<vmem>>, vector<16xi32>,
        %parallel_loop3A_296 = arith.index_cast %parallel_loop3A_255 : i32 to index
        %parallel_loop3A_297 = tpu.vector_load %arg10[%parallel_loop3A_296] {strides = array<i32>} : memref<28672xi32, #tpu.memory_space<vmem>>, vector<16xi32>,
        tpu.vector_store %arg10[%parallel_loop3A_296], %broadcast_in_dim3A_4 {strides = array<i32>} : memref<28672xi32, #tpu.memory_space<vmem>>, vector<16xi32>,
        %parallel_loop3A_298 = arith.index_cast %parallel_loop3A_259 : i32 to index
        %parallel_loop3A_299 = tpu.vector_load %arg10[%parallel_loop3A_298] {strides = array<i32>} : memref<28672xi32, #tpu.memory_space<vmem>>, vector<16xi32>,
        tpu.vector_store %arg10[%parallel_loop3A_298], %broadcast_in_dim3A_4 {strides = array<i32>} : memref<28672xi32, #tpu.memory_space<vmem>>, vector<16xi32>,
        %parallel_loop3A_300 = vector.broadcast %parallel_loop3A_283 : i32 to vector<16xi32>
        %parallel_loop3A_301 = arith.constant 4 : i32
        %parallel_loop3A_302 = arith.shrui %parallel_loop3A_230, %parallel_loop3A_301 : i32
        %parallel_loop3A_303 = vector.broadcast %parallel_loop3A_302 : i32 to vector<16xi32>
        %parallel_loop3A_304 = arith.cmpi eq, %iota3A, %parallel_loop3A_303 : vector<16xi32>
        %parallel_loop3A_305 = arith.constant 0 : i32
        %parallel_loop3A_306 = vector.broadcast %parallel_loop3A_305 : i32 to vector<16xi32>
        %parallel_loop3A_307 = arith.select %parallel_loop3A_304, %parallel_loop3A_300, %parallel_loop3A_306 : vector<16xi1>, vector<16xi32>
        %parallel_loop3A_308 = arith.addi %parallel_loop3A_231, %parallel_loop3A_307 : vector<16xi32>
        scf.yield %parallel_loop3A_308 : vector<16xi32>
      } {sc.loop_unroll_factor = 8 : i64, sc.parallel_access}
      %rev3A = arith.constant 15 : i32
      %rev3A_28 = vector.broadcast %rev3A : i32 to vector<16xi32>
      %rev3A_29 = tpu.iota {dimensions = array<i32: 0>} : vector<16xi32>
      %rev3A_30 = arith.subi %rev3A_28, %rev3A_29 : vector<16xi32>
      %rev3A_31 = tpu.dynamic_gather %parallel_loop3A_27[%rev3A_30] in [0] : vector<16xi32>, vector<16xi32> -> vector<16xi32>
      %broadcast_in_dim3A_32 = arith.constant true
      %broadcast_in_dim3A_33 = vector.broadcast %broadcast_in_dim3A_32 : i1 to vector<16xi1>
      %masked_cumsum3A = tpu.scan <sum>, %rev3A_31 masked %broadcast_in_dim3A_33 : vector<16xi32>, vector<16xi1> -> vector<16xi32>
      %broadcast_in_dim3A_34 = arith.constant 328 : i32
      %broadcast_in_dim3A_35 = vector.broadcast %broadcast_in_dim3A_34 : i32 to vector<16xi32>
      %ge3A = arith.cmpi sge, %masked_cumsum3A, %broadcast_in_dim3A_35 : vector<16xi32>
      %all_reduce_population_count3A = tpu.all_reduce %ge3A {dim = 0 : i64, kind = #tpu.reduction_kind<sum>} : vector<16xi1> -> vector<16xi32>
      %reduce_max3A = arith.constant true
      %reduce_max3A_36 = vector.broadcast %reduce_max3A : i1 to vector<16xi1>
      %reduce_max3A_37 = arith.constant -2147483648 : i32
      %reduce_max3A_38 = vector.broadcast %reduce_max3A_37 : i32 to vector<16xi32>
      %reduce_max3A_39 = arith.xori %all_reduce_population_count3A, %reduce_max3A_38 : vector<16xi32>
      %reduce_max3A_40 = tpu.scan <max>, %reduce_max3A_39 masked %reduce_max3A_36 : vector<16xi32>, vector<16xi1> -> vector<16xi32>
      %reduce_max3A_41 = arith.xori %reduce_max3A_40, %reduce_max3A_38 : vector<16xi32>
      %reduce_max3A_42 = vector.extract %reduce_max3A_41[15] : i32 from vector<16xi32>
      %sub3A = arith.constant 1 : i32
      %sub3A_43 = arith.subi %reduce_max3A_42, %sub3A : i32
      %broadcast_in_dim3A_44 = arith.constant 16 : i32
      %broadcast_in_dim3A_45 = vector.broadcast %broadcast_in_dim3A_44 : i32 to vector<16xi32>
      %sub3A_46 = arith.subi %broadcast_in_dim3A_45, %all_reduce_population_count3A : vector<16xi32>
      %eq3A = arith.cmpi eq, %iota3A, %sub3A_46 : vector<16xi32>
      %sub3A_47 = arith.subi %masked_cumsum3A, %rev3A_31 : vector<16xi32>
      %jit3A = arith.constant 0 : i32
      %broadcast_in_dim3A_48 = vector.broadcast %jit3A : i32 to vector<16xi32>
      %select_n3A = arith.select %eq3A, %sub3A_47, %broadcast_in_dim3A_48 : vector<16xi1>, vector<16xi32>
      %reduce_sum3A = arith.constant true
      %reduce_sum3A_49 = vector.broadcast %reduce_sum3A : i1 to vector<16xi1>
      %reduce_sum3A_50 = tpu.scan <sum>, %select_n3A masked %reduce_sum3A_49 : vector<16xi32>, vector<16xi1> -> vector<16xi32>
      %reduce_sum3A_51 = vector.extract %reduce_sum3A_50[15] : i32 from vector<16xi32>
      %sub3A_52 = arith.constant 328 : i32
      %sub3A_53 = arith.subi %sub3A_52, %reduce_sum3A_51 : i32
      %scan3A_54 = arith.constant -1 : i32
      %scan3A_55 = arith.constant 0 : i32
      %scan3A_56 = arith.constant 16 : i32
      %scan3A_57 = arith.addi %scan3A_55, %scan3A_56 : i32
      %scan3A_58 = arith.constant 1 : i32
      %scan3A_59:2 = scf.for %scan3A_230 = %scan3A_55 to %scan3A_57 step %scan3A_58 iter_args(%scan3A_231 = %scan3A_54, %scan3A_232 = %sub3A_53) -> (i32, i32)  : i32 {
        %mul3A_233 = arith.constant 16 : i32
        %mul3A_234 = arith.muli %sub3A_43, %mul3A_233 : i32
        %sub3A_235 = arith.constant 15 : i32
        %sub3A_236 = arith.subi %sub3A_235, %scan3A_230 : i32
        %add3A_237 = arith.addi %mul3A_234, %sub3A_236 : i32
        %get3A_238 = arith.index_cast %add3A_237 : i32 to index
        %get3A_239 = memref.load %arg11[%get3A_238] : memref<256xi32, #tpu.memory_space<smem>>
        %lt3A = arith.constant 0 : i32
        %lt3A_240 = arith.cmpi slt, %scan3A_231, %lt3A : i32
        %le3A = arith.cmpi sle, %scan3A_232, %get3A_239 : i32
        %and3A = arith.andi %lt3A_240, %le3A : i1
        %select_n3A_241 = arith.select %and3A, %add3A_237, %scan3A_231 : i32
        %not3A = arith.constant true
        %not3A_242 = arith.xori %and3A, %not3A : i1
        %and3A_243 = arith.andi %lt3A_240, %not3A_242 : i1
        %sub3A_244 = arith.subi %scan3A_232, %get3A_239 : i32
        %select_n3A_245 = arith.select %and3A_243, %sub3A_244, %scan3A_232 : i32
        scf.yield %select_n3A_241, %select_n3A_245 : i32, i32
      }
      %scan3A_60 = arith.constant 16 : i32
      %xor3A = arith.constant 128 : i32
      %xor3A_61 = arith.xori %scan3A_59#0, %xor3A : i32
      %shift_left3A = arith.constant 24 : i32
      %shift_left3A_62 = arith.shli %xor3A_61, %shift_left3A : i32
      %shift_right_logical3A = arith.constant 24 : i32
      %shift_right_logical3A_63 = arith.shrui %shift_left3A_62, %shift_right_logical3A : i32
      %parallel_loop3A_64 = arith.constant 0 : i32
      %parallel_loop3A_65 = arith.constant 2048 : i32
      %parallel_loop3A_66 = arith.constant 1 : i32
      scf.for %parallel_loop3A_230 = %parallel_loop3A_64 to %parallel_loop3A_65 step %parallel_loop3A_66  : i32 {
        %parallel_loop3A_231 = arith.constant 16 : i32
        %parallel_loop3A_232 = arith.muli %parallel_loop3A_230, %parallel_loop3A_231 : i32
        %parallel_loop3A_233 = arith.index_cast %parallel_loop3A_232 : i32 to index
        %parallel_loop3A_234 = tpu.vector_load %arg9[%parallel_loop3A_233] {strides = array<i32>} : memref<32768xi32, #tpu.memory_space<vmem>>, vector<16xi32>,
        %parallel_loop3A_235 = arith.constant 24 : i32
        %parallel_loop3A_236 = vector.broadcast %parallel_loop3A_235 : i32 to vector<16xi32>
        %parallel_loop3A_237 = arith.shrui %parallel_loop3A_234, %parallel_loop3A_236 : vector<16xi32>
        %parallel_loop3A_238 = vector.broadcast %shift_right_logical3A_63 : i32 to vector<16xi32>
        %parallel_loop3A_239 = arith.cmpi eq, %parallel_loop3A_237, %parallel_loop3A_238 : vector<16xi32>
        %parallel_loop3A_240 = arith.constant 16 : i32
        %parallel_loop3A_241 = vector.broadcast %parallel_loop3A_240 : i32 to vector<16xi32>
        %parallel_loop3A_242 = arith.shrui %parallel_loop3A_234, %parallel_loop3A_241 : vector<16xi32>
        %parallel_loop3A_243 = arith.constant 255 : i32
        %parallel_loop3A_244 = vector.broadcast %parallel_loop3A_243 : i32 to vector<16xi32>
        %parallel_loop3A_245 = arith.andi %parallel_loop3A_242, %parallel_loop3A_244 : vector<16xi32>
        %parallel_loop3A_246 = arith.constant 7 : i32
        %parallel_loop3A_247 = arith.remsi %parallel_loop3A_230, %parallel_loop3A_246 : i32
        %parallel_loop3A_248 = arith.constant 4096 : i32
        %parallel_loop3A_249 = arith.muli %parallel_loop3A_247, %parallel_loop3A_248 : i32
        %parallel_loop3A_250 = arith.constant 4 : i32
        %parallel_loop3A_251 = vector.broadcast %parallel_loop3A_250 : i32 to vector<16xi32>
        %parallel_loop3A_252 = arith.shli %parallel_loop3A_245, %parallel_loop3A_251 : vector<16xi32>
        %parallel_loop3A_253 = arith.ori %parallel_loop3A_252, %iota3A : vector<16xi32>
        %parallel_loop3A_254 = vector.broadcast %parallel_loop3A_249 : i32 to vector<16xi32>
        %parallel_loop3A_255 = arith.addi %parallel_loop3A_254, %parallel_loop3A_253 : vector<16xi32>
        tpu.vector_store_idx %arg10[%parallel_loop3A_255], %broadcast_in_dim3A_2 masked %parallel_loop3A_239 {add = true} : memref<28672xi32, #tpu.memory_space<vmem>>[vector<16xi32>], vector<16xi32>, vector<16xi1>
      } {sc.loop_unroll_factor = 7 : i64, sc.parallel_access}
      %broadcast_in_dim3A_67 = arith.constant 0 : i32
      %broadcast_in_dim3A_68 = vector.broadcast %broadcast_in_dim3A_67 : i32 to vector<16xi32>
      %parallel_loop3A_69 = arith.constant 0 : i32
      %parallel_loop3A_70 = arith.constant 256 : i32
      %parallel_loop3A_71 = arith.constant 1 : i32
      %parallel_loop3A_72 = scf.for %parallel_loop3A_230 = %parallel_loop3A_69 to %parallel_loop3A_70 step %parallel_loop3A_71 iter_args(%parallel_loop3A_231 = %broadcast_in_dim3A_68) -> (vector<16xi32>)  : i32 {
        %parallel_loop3A_232 = arith.constant 16 : i32
        %parallel_loop3A_233 = arith.muli %parallel_loop3A_230, %parallel_loop3A_232 : i32
        %parallel_loop3A_234 = arith.constant 0 : i32
        %parallel_loop3A_235 = arith.addi %parallel_loop3A_234, %parallel_loop3A_233 : i32
        %parallel_loop3A_236 = arith.constant 16 : i32
        %parallel_loop3A_237 = arith.muli %parallel_loop3A_230, %parallel_loop3A_236 : i32
        %parallel_loop3A_238 = arith.constant 4096 : i32
        %parallel_loop3A_239 = arith.addi %parallel_loop3A_238, %parallel_loop3A_237 : i32
        %parallel_loop3A_240 = arith.constant 16 : i32
        %parallel_loop3A_241 = arith.muli %parallel_loop3A_230, %parallel_loop3A_240 : i32
        %parallel_loop3A_242 = arith.constant 8192 : i32
        %parallel_loop3A_243 = arith.addi %parallel_loop3A_242, %parallel_loop3A_241 : i32
        %parallel_loop3A_244 = arith.constant 16 : i32
        %parallel_loop3A_245 = arith.muli %parallel_loop3A_230, %parallel_loop3A_244 : i32
        %parallel_loop3A_246 = arith.constant 12288 : i32
        %parallel_loop3A_247 = arith.addi %parallel_loop3A_246, %parallel_loop3A_245 : i32
        %parallel_loop3A_248 = arith.constant 16 : i32
        %parallel_loop3A_249 = arith.muli %parallel_loop3A_230, %parallel_loop3A_248 : i32
        %parallel_loop3A_250 = arith.constant 16384 : i32
        %parallel_loop3A_251 = arith.addi %parallel_loop3A_250, %parallel_loop3A_249 : i32
        %parallel_loop3A_252 = arith.constant 16 : i32
        %parallel_loop3A_253 = arith.muli %parallel_loop3A_230, %parallel_loop3A_252 : i32
        %parallel_loop3A_254 = arith.constant 20480 : i32
        %parallel_loop3A_255 = arith.addi %parallel_loop3A_254, %parallel_loop3A_253 : i32
        %parallel_loop3A_256 = arith.constant 16 : i32
        %parallel_loop3A_257 = arith.muli %parallel_loop3A_230, %parallel_loop3A_256 : i32
        %parallel_loop3A_258 = arith.constant 24576 : i32
        %parallel_loop3A_259 = arith.addi %parallel_loop3A_258, %parallel_loop3A_257 : i32
        %parallel_loop3A_260 = arith.index_cast %parallel_loop3A_235 : i32 to index
        %parallel_loop3A_261 = tpu.vector_load %arg10[%parallel_loop3A_260] {strides = array<i32>} : memref<28672xi32, #tpu.memory_space<vmem>>, vector<16xi32>,
        %parallel_loop3A_262 = arith.index_cast %parallel_loop3A_239 : i32 to index
        %parallel_loop3A_263 = tpu.vector_load %arg10[%parallel_loop3A_262] {strides = array<i32>} : memref<28672xi32, #tpu.memory_space<vmem>>, vector<16xi32>,
        %parallel_loop3A_264 = arith.addi %parallel_loop3A_261, %parallel_loop3A_263 : vector<16xi32>
        %parallel_loop3A_265 = arith.index_cast %parallel_loop3A_243 : i32 to index
        %parallel_loop3A_266 = tpu.vector_load %arg10[%parallel_loop3A_265] {strides = array<i32>} : memref<28672xi32, #tpu.memory_space<vmem>>, vector<16xi32>,
        %parallel_loop3A_267 = arith.addi %parallel_loop3A_264, %parallel_loop3A_266 : vector<16xi32>
        %parallel_loop3A_268 = arith.index_cast %parallel_loop3A_247 : i32 to index
        %parallel_loop3A_269 = tpu.vector_load %arg10[%parallel_loop3A_268] {strides = array<i32>} : memref<28672xi32, #tpu.memory_space<vmem>>, vector<16xi32>,
        %parallel_loop3A_270 = arith.addi %parallel_loop3A_267, %parallel_loop3A_269 : vector<16xi32>
        %parallel_loop3A_271 = arith.index_cast %parallel_loop3A_251 : i32 to index
        %parallel_loop3A_272 = tpu.vector_load %arg10[%parallel_loop3A_271] {strides = array<i32>} : memref<28672xi32, #tpu.memory_space<vmem>>, vector<16xi32>,
        %parallel_loop3A_273 = arith.addi %parallel_loop3A_270, %parallel_loop3A_272 : vector<16xi32>
        %parallel_loop3A_274 = arith.index_cast %parallel_loop3A_255 : i32 to index
        %parallel_loop3A_275 = tpu.vector_load %arg10[%parallel_loop3A_274] {strides = array<i32>} : memref<28672xi32, #tpu.memory_space<vmem>>, vector<16xi32>,
        %parallel_loop3A_276 = arith.addi %parallel_loop3A_273, %parallel_loop3A_275 : vector<16xi32>
        %parallel_loop3A_277 = arith.index_cast %parallel_loop3A_259 : i32 to index
        %parallel_loop3A_278 = tpu.vector_load %arg10[%parallel_loop3A_277] {strides = array<i32>} : memref<28672xi32, #tpu.memory_space<vmem>>, vector<16xi32>,
        %parallel_loop3A_279 = arith.addi %parallel_loop3A_276, %parallel_loop3A_278 : vector<16xi32>
        %parallel_loop3A_280 = arith.constant true
        %parallel_loop3A_281 = vector.broadcast %parallel_loop3A_280 : i1 to vector<16xi1>
        %parallel_loop3A_282 = tpu.scan <sum>, %parallel_loop3A_279 masked %parallel_loop3A_281 : vector<16xi32>, vector<16xi1> -> vector<16xi32>
        %parallel_loop3A_283 = vector.extract %parallel_loop3A_282[15] : i32 from vector<16xi32>
        %parallel_loop3A_284 = arith.index_cast %parallel_loop3A_230 : i32 to index
        %parallel_loop3A_285 = memref.load %arg11[%parallel_loop3A_284] : memref<256xi32, #tpu.memory_space<smem>>
        memref.store %parallel_loop3A_283, %arg11[%parallel_loop3A_284] : memref<256xi32, #tpu.memory_space<smem>>
        %parallel_loop3A_286 = arith.index_cast %parallel_loop3A_235 : i32 to index
        %parallel_loop3A_287 = tpu.vector_load %arg10[%parallel_loop3A_286] {strides = array<i32>} : memref<28672xi32, #tpu.memory_space<vmem>>, vector<16xi32>,
        tpu.vector_store %arg10[%parallel_loop3A_286], %broadcast_in_dim3A_4 {strides = array<i32>} : memref<28672xi32, #tpu.memory_space<vmem>>, vector<16xi32>,
        %parallel_loop3A_288 = arith.index_cast %parallel_loop3A_239 : i32 to index
        %parallel_loop3A_289 = tpu.vector_load %arg10[%parallel_loop3A_288] {strides = array<i32>} : memref<28672xi32, #tpu.memory_space<vmem>>, vector<16xi32>,
        tpu.vector_store %arg10[%parallel_loop3A_288], %broadcast_in_dim3A_4 {strides = array<i32>} : memref<28672xi32, #tpu.memory_space<vmem>>, vector<16xi32>,
        %parallel_loop3A_290 = arith.index_cast %parallel_loop3A_243 : i32 to index
        %parallel_loop3A_291 = tpu.vector_load %arg10[%parallel_loop3A_290] {strides = array<i32>} : memref<28672xi32, #tpu.memory_space<vmem>>, vector<16xi32>,
        tpu.vector_store %arg10[%parallel_loop3A_290], %broadcast_in_dim3A_4 {strides = array<i32>} : memref<28672xi32, #tpu.memory_space<vmem>>, vector<16xi32>,
        %parallel_loop3A_292 = arith.index_cast %parallel_loop3A_247 : i32 to index
        %parallel_loop3A_293 = tpu.vector_load %arg10[%parallel_loop3A_292] {strides = array<i32>} : memref<28672xi32, #tpu.memory_space<vmem>>, vector<16xi32>,
        tpu.vector_store %arg10[%parallel_loop3A_292], %broadcast_in_dim3A_4 {strides = array<i32>} : memref<28672xi32, #tpu.memory_space<vmem>>, vector<16xi32>,
        %parallel_loop3A_294 = arith.index_cast %parallel_loop3A_251 : i32 to index
        %parallel_loop3A_295 = tpu.vector_load %arg10[%parallel_loop3A_294] {strides = array<i32>} : memref<28672xi32, #tpu.memory_space<vmem>>, vector<16xi32>,
        tpu.vector_store %arg10[%parallel_loop3A_294], %broadcast_in_dim3A_4 {strides = array<i32>} : memref<28672xi32, #tpu.memory_space<vmem>>, vector<16xi32>,
        %parallel_loop3A_296 = arith.index_cast %parallel_loop3A_255 : i32 to index
        %parallel_loop3A_297 = tpu.vector_load %arg10[%parallel_loop3A_296] {strides = array<i32>} : memref<28672xi32, #tpu.memory_space<vmem>>, vector<16xi32>,
        tpu.vector_store %arg10[%parallel_loop3A_296], %broadcast_in_dim3A_4 {strides = array<i32>} : memref<28672xi32, #tpu.memory_space<vmem>>, vector<16xi32>,
        %parallel_loop3A_298 = arith.index_cast %parallel_loop3A_259 : i32 to index
        %parallel_loop3A_299 = tpu.vector_load %arg10[%parallel_loop3A_298] {strides = array<i32>} : memref<28672xi32, #tpu.memory_space<vmem>>, vector<16xi32>,
        tpu.vector_store %arg10[%parallel_loop3A_298], %broadcast_in_dim3A_4 {strides = array<i32>} : memref<28672xi32, #tpu.memory_space<vmem>>, vector<16xi32>,
        %parallel_loop3A_300 = vector.broadcast %parallel_loop3A_283 : i32 to vector<16xi32>
        %parallel_loop3A_301 = arith.constant 4 : i32
        %parallel_loop3A_302 = arith.shrui %parallel_loop3A_230, %parallel_loop3A_301 : i32
        %parallel_loop3A_303 = vector.broadcast %parallel_loop3A_302 : i32 to vector<16xi32>
        %parallel_loop3A_304 = arith.cmpi eq, %iota3A, %parallel_loop3A_303 : vector<16xi32>
        %parallel_loop3A_305 = arith.constant 0 : i32
        %parallel_loop3A_306 = vector.broadcast %parallel_loop3A_305 : i32 to vector<16xi32>
        %parallel_loop3A_307 = arith.select %parallel_loop3A_304, %parallel_loop3A_300, %parallel_loop3A_306 : vector<16xi1>, vector<16xi32>
        %parallel_loop3A_308 = arith.addi %parallel_loop3A_231, %parallel_loop3A_307 : vector<16xi32>
        scf.yield %parallel_loop3A_308 : vector<16xi32>
      } {sc.loop_unroll_factor = 8 : i64, sc.parallel_access}
      %rev3A_73 = arith.constant 15 : i32
      %rev3A_74 = vector.broadcast %rev3A_73 : i32 to vector<16xi32>
      %rev3A_75 = tpu.iota {dimensions = array<i32: 0>} : vector<16xi32>
      %rev3A_76 = arith.subi %rev3A_74, %rev3A_75 : vector<16xi32>
      %rev3A_77 = tpu.dynamic_gather %parallel_loop3A_72[%rev3A_76] in [0] : vector<16xi32>, vector<16xi32> -> vector<16xi32>
      %broadcast_in_dim3A_78 = arith.constant true
      %broadcast_in_dim3A_79 = vector.broadcast %broadcast_in_dim3A_78 : i1 to vector<16xi1>
      %masked_cumsum3A_80 = tpu.scan <sum>, %rev3A_77 masked %broadcast_in_dim3A_79 : vector<16xi32>, vector<16xi1> -> vector<16xi32>
      %broadcast_in_dim3A_81 = vector.broadcast %scan3A_59#1 : i32 to vector<16xi32>
      %ge3A_82 = arith.cmpi sge, %masked_cumsum3A_80, %broadcast_in_dim3A_81 : vector<16xi32>
      %all_reduce_population_count3A_83 = tpu.all_reduce %ge3A_82 {dim = 0 : i64, kind = #tpu.reduction_kind<sum>} : vector<16xi1> -> vector<16xi32>
      %reduce_max3A_84 = arith.constant true
      %reduce_max3A_85 = vector.broadcast %reduce_max3A_84 : i1 to vector<16xi1>
      %reduce_max3A_86 = arith.constant -2147483648 : i32
      %reduce_max3A_87 = vector.broadcast %reduce_max3A_86 : i32 to vector<16xi32>
      %reduce_max3A_88 = arith.xori %all_reduce_population_count3A_83, %reduce_max3A_87 : vector<16xi32>
      %reduce_max3A_89 = tpu.scan <max>, %reduce_max3A_88 masked %reduce_max3A_85 : vector<16xi32>, vector<16xi1> -> vector<16xi32>
      %reduce_max3A_90 = arith.xori %reduce_max3A_89, %reduce_max3A_87 : vector<16xi32>
      %reduce_max3A_91 = vector.extract %reduce_max3A_90[15] : i32 from vector<16xi32>
      %sub3A_92 = arith.constant 1 : i32
      %sub3A_93 = arith.subi %reduce_max3A_91, %sub3A_92 : i32
      %broadcast_in_dim3A_94 = arith.constant 16 : i32
      %broadcast_in_dim3A_95 = vector.broadcast %broadcast_in_dim3A_94 : i32 to vector<16xi32>
      %sub3A_96 = arith.subi %broadcast_in_dim3A_95, %all_reduce_population_count3A_83 : vector<16xi32>
      %eq3A_97 = arith.cmpi eq, %iota3A, %sub3A_96 : vector<16xi32>
      %sub3A_98 = arith.subi %masked_cumsum3A_80, %rev3A_77 : vector<16xi32>
      %jit3A_99 = arith.constant 0 : i32
      %broadcast_in_dim3A_100 = vector.broadcast %jit3A_99 : i32 to vector<16xi32>
      %select_n3A_101 = arith.select %eq3A_97, %sub3A_98, %broadcast_in_dim3A_100 : vector<16xi1>, vector<16xi32>
      %reduce_sum3A_102 = arith.constant true
      %reduce_sum3A_103 = vector.broadcast %reduce_sum3A_102 : i1 to vector<16xi1>
      %reduce_sum3A_104 = tpu.scan <sum>, %select_n3A_101 masked %reduce_sum3A_103 : vector<16xi32>, vector<16xi1> -> vector<16xi32>
      %reduce_sum3A_105 = vector.extract %reduce_sum3A_104[15] : i32 from vector<16xi32>
      %sub3A_106 = arith.subi %scan3A_59#1, %reduce_sum3A_105 : i32
      %scan3A_107 = arith.constant -1 : i32
      %scan3A_108 = arith.constant 0 : i32
      %scan3A_109 = arith.constant 16 : i32
      %scan3A_110 = arith.addi %scan3A_108, %scan3A_109 : i32
      %scan3A_111 = arith.constant 1 : i32
      %scan3A_112:2 = scf.for %scan3A_230 = %scan3A_108 to %scan3A_110 step %scan3A_111 iter_args(%scan3A_231 = %scan3A_107, %scan3A_232 = %sub3A_106) -> (i32, i32)  : i32 {
        %mul3A_233 = arith.constant 16 : i32
        %mul3A_234 = arith.muli %sub3A_93, %mul3A_233 : i32
        %sub3A_235 = arith.constant 15 : i32
        %sub3A_236 = arith.subi %sub3A_235, %scan3A_230 : i32
        %add3A_237 = arith.addi %mul3A_234, %sub3A_236 : i32
        %get3A_238 = arith.index_cast %add3A_237 : i32 to index
        %get3A_239 = memref.load %arg11[%get3A_238] : memref<256xi32, #tpu.memory_space<smem>>
        %lt3A = arith.constant 0 : i32
        %lt3A_240 = arith.cmpi slt, %scan3A_231, %lt3A : i32
        %le3A = arith.cmpi sle, %scan3A_232, %get3A_239 : i32
        %and3A = arith.andi %lt3A_240, %le3A : i1
        %select_n3A_241 = arith.select %and3A, %add3A_237, %scan3A_231 : i32
        %not3A = arith.constant true
        %not3A_242 = arith.xori %and3A, %not3A : i1
        %and3A_243 = arith.andi %lt3A_240, %not3A_242 : i1
        %sub3A_244 = arith.subi %scan3A_232, %get3A_239 : i32
        %select_n3A_245 = arith.select %and3A_243, %sub3A_244, %scan3A_232 : i32
        scf.yield %select_n3A_241, %select_n3A_245 : i32, i32
      }
      %scan3A_113 = arith.constant 16 : i32
      %shift_left3A_114 = arith.constant 16 : i32
      %shift_left3A_115 = arith.shli %scan3A_112#0, %shift_left3A_114 : i32
      %or3A = arith.ori %shift_left3A_62, %shift_left3A_115 : i32
      %shift_right_logical3A_116 = arith.constant 16 : i32
      %shift_right_logical3A_117 = arith.shrui %or3A, %shift_right_logical3A_116 : i32
      %parallel_loop3A_118 = arith.constant 0 : i32
      %parallel_loop3A_119 = arith.constant 2048 : i32
      %parallel_loop3A_120 = arith.constant 1 : i32
      scf.for %parallel_loop3A_230 = %parallel_loop3A_118 to %parallel_loop3A_119 step %parallel_loop3A_120  : i32 {
        %parallel_loop3A_231 = arith.constant 16 : i32
        %parallel_loop3A_232 = arith.muli %parallel_loop3A_230, %parallel_loop3A_231 : i32
        %parallel_loop3A_233 = arith.index_cast %parallel_loop3A_232 : i32 to index
        %parallel_loop3A_234 = tpu.vector_load %arg9[%parallel_loop3A_233] {strides = array<i32>} : memref<32768xi32, #tpu.memory_space<vmem>>, vector<16xi32>,
        %parallel_loop3A_235 = arith.constant 16 : i32
        %parallel_loop3A_236 = vector.broadcast %parallel_loop3A_235 : i32 to vector<16xi32>
        %parallel_loop3A_237 = arith.shrui %parallel_loop3A_234, %parallel_loop3A_236 : vector<16xi32>
        %parallel_loop3A_238 = vector.broadcast %shift_right_logical3A_117 : i32 to vector<16xi32>
        %parallel_loop3A_239 = arith.cmpi eq, %parallel_loop3A_237, %parallel_loop3A_238 : vector<16xi32>
        %parallel_loop3A_240 = arith.constant 8 : i32
        %parallel_loop3A_241 = vector.broadcast %parallel_loop3A_240 : i32 to vector<16xi32>
        %parallel_loop3A_242 = arith.shrui %parallel_loop3A_234, %parallel_loop3A_241 : vector<16xi32>
        %parallel_loop3A_243 = arith.constant 255 : i32
        %parallel_loop3A_244 = vector.broadcast %parallel_loop3A_243 : i32 to vector<16xi32>
        %parallel_loop3A_245 = arith.andi %parallel_loop3A_242, %parallel_loop3A_244 : vector<16xi32>
        %parallel_loop3A_246 = arith.constant 7 : i32
        %parallel_loop3A_247 = arith.remsi %parallel_loop3A_230, %parallel_loop3A_246 : i32
        %parallel_loop3A_248 = arith.constant 4096 : i32
        %parallel_loop3A_249 = arith.muli %parallel_loop3A_247, %parallel_loop3A_248 : i32
        %parallel_loop3A_250 = arith.constant 4 : i32
        %parallel_loop3A_251 = vector.broadcast %parallel_loop3A_250 : i32 to vector<16xi32>
        %parallel_loop3A_252 = arith.shli %parallel_loop3A_245, %parallel_loop3A_251 : vector<16xi32>
        %parallel_loop3A_253 = arith.ori %parallel_loop3A_252, %iota3A : vector<16xi32>
        %parallel_loop3A_254 = vector.broadcast %parallel_loop3A_249 : i32 to vector<16xi32>
        %parallel_loop3A_255 = arith.addi %parallel_loop3A_254, %parallel_loop3A_253 : vector<16xi32>
        tpu.vector_store_idx %arg10[%parallel_loop3A_255], %broadcast_in_dim3A_2 masked %parallel_loop3A_239 {add = true} : memref<28672xi32, #tpu.memory_space<vmem>>[vector<16xi32>], vector<16xi32>, vector<16xi1>
      } {sc.loop_unroll_factor = 7 : i64, sc.parallel_access}
      %broadcast_in_dim3A_121 = arith.constant 0 : i32
      %broadcast_in_dim3A_122 = vector.broadcast %broadcast_in_dim3A_121 : i32 to vector<16xi32>
      %parallel_loop3A_123 = arith.constant 0 : i32
      %parallel_loop3A_124 = arith.constant 256 : i32
      %parallel_loop3A_125 = arith.constant 1 : i32
      %parallel_loop3A_126 = scf.for %parallel_loop3A_230 = %parallel_loop3A_123 to %parallel_loop3A_124 step %parallel_loop3A_125 iter_args(%parallel_loop3A_231 = %broadcast_in_dim3A_122) -> (vector<16xi32>)  : i32 {
        %parallel_loop3A_232 = arith.constant 16 : i32
        %parallel_loop3A_233 = arith.muli %parallel_loop3A_230, %parallel_loop3A_232 : i32
        %parallel_loop3A_234 = arith.constant 0 : i32
        %parallel_loop3A_235 = arith.addi %parallel_loop3A_234, %parallel_loop3A_233 : i32
        %parallel_loop3A_236 = arith.constant 16 : i32
        %parallel_loop3A_237 = arith.muli %parallel_loop3A_230, %parallel_loop3A_236 : i32
        %parallel_loop3A_238 = arith.constant 4096 : i32
        %parallel_loop3A_239 = arith.addi %parallel_loop3A_238, %parallel_loop3A_237 : i32
        %parallel_loop3A_240 = arith.constant 16 : i32
        %parallel_loop3A_241 = arith.muli %parallel_loop3A_230, %parallel_loop3A_240 : i32
        %parallel_loop3A_242 = arith.constant 8192 : i32
        %parallel_loop3A_243 = arith.addi %parallel_loop3A_242, %parallel_loop3A_241 : i32
        %parallel_loop3A_244 = arith.constant 16 : i32
        %parallel_loop3A_245 = arith.muli %parallel_loop3A_230, %parallel_loop3A_244 : i32
        %parallel_loop3A_246 = arith.constant 12288 : i32
        %parallel_loop3A_247 = arith.addi %parallel_loop3A_246, %parallel_loop3A_245 : i32
        %parallel_loop3A_248 = arith.constant 16 : i32
        %parallel_loop3A_249 = arith.muli %parallel_loop3A_230, %parallel_loop3A_248 : i32
        %parallel_loop3A_250 = arith.constant 16384 : i32
        %parallel_loop3A_251 = arith.addi %parallel_loop3A_250, %parallel_loop3A_249 : i32
        %parallel_loop3A_252 = arith.constant 16 : i32
        %parallel_loop3A_253 = arith.muli %parallel_loop3A_230, %parallel_loop3A_252 : i32
        %parallel_loop3A_254 = arith.constant 20480 : i32
        %parallel_loop3A_255 = arith.addi %parallel_loop3A_254, %parallel_loop3A_253 : i32
        %parallel_loop3A_256 = arith.constant 16 : i32
        %parallel_loop3A_257 = arith.muli %parallel_loop3A_230, %parallel_loop3A_256 : i32
        %parallel_loop3A_258 = arith.constant 24576 : i32
        %parallel_loop3A_259 = arith.addi %parallel_loop3A_258, %parallel_loop3A_257 : i32
        %parallel_loop3A_260 = arith.index_cast %parallel_loop3A_235 : i32 to index
        %parallel_loop3A_261 = tpu.vector_load %arg10[%parallel_loop3A_260] {strides = array<i32>} : memref<28672xi32, #tpu.memory_space<vmem>>, vector<16xi32>,
        %parallel_loop3A_262 = arith.index_cast %parallel_loop3A_239 : i32 to index
        %parallel_loop3A_263 = tpu.vector_load %arg10[%parallel_loop3A_262] {strides = array<i32>} : memref<28672xi32, #tpu.memory_space<vmem>>, vector<16xi32>,
        %parallel_loop3A_264 = arith.addi %parallel_loop3A_261, %parallel_loop3A_263 : vector<16xi32>
        %parallel_loop3A_265 = arith.index_cast %parallel_loop3A_243 : i32 to index
        %parallel_loop3A_266 = tpu.vector_load %arg10[%parallel_loop3A_265] {strides = array<i32>} : memref<28672xi32, #tpu.memory_space<vmem>>, vector<16xi32>,
        %parallel_loop3A_267 = arith.addi %parallel_loop3A_264, %parallel_loop3A_266 : vector<16xi32>
        %parallel_loop3A_268 = arith.index_cast %parallel_loop3A_247 : i32 to index
        %parallel_loop3A_269 = tpu.vector_load %arg10[%parallel_loop3A_268] {strides = array<i32>} : memref<28672xi32, #tpu.memory_space<vmem>>, vector<16xi32>,
        %parallel_loop3A_270 = arith.addi %parallel_loop3A_267, %parallel_loop3A_269 : vector<16xi32>
        %parallel_loop3A_271 = arith.index_cast %parallel_loop3A_251 : i32 to index
        %parallel_loop3A_272 = tpu.vector_load %arg10[%parallel_loop3A_271] {strides = array<i32>} : memref<28672xi32, #tpu.memory_space<vmem>>, vector<16xi32>,
        %parallel_loop3A_273 = arith.addi %parallel_loop3A_270, %parallel_loop3A_272 : vector<16xi32>
        %parallel_loop3A_274 = arith.index_cast %parallel_loop3A_255 : i32 to index
        %parallel_loop3A_275 = tpu.vector_load %arg10[%parallel_loop3A_274] {strides = array<i32>} : memref<28672xi32, #tpu.memory_space<vmem>>, vector<16xi32>,
        %parallel_loop3A_276 = arith.addi %parallel_loop3A_273, %parallel_loop3A_275 : vector<16xi32>
        %parallel_loop3A_277 = arith.index_cast %parallel_loop3A_259 : i32 to index
        %parallel_loop3A_278 = tpu.vector_load %arg10[%parallel_loop3A_277] {strides = array<i32>} : memref<28672xi32, #tpu.memory_space<vmem>>, vector<16xi32>,
        %parallel_loop3A_279 = arith.addi %parallel_loop3A_276, %parallel_loop3A_278 : vector<16xi32>
        %parallel_loop3A_280 = arith.constant true
        %parallel_loop3A_281 = vector.broadcast %parallel_loop3A_280 : i1 to vector<16xi1>
        %parallel_loop3A_282 = tpu.scan <sum>, %parallel_loop3A_279 masked %parallel_loop3A_281 : vector<16xi32>, vector<16xi1> -> vector<16xi32>
        %parallel_loop3A_283 = vector.extract %parallel_loop3A_282[15] : i32 from vector<16xi32>
        %parallel_loop3A_284 = arith.index_cast %parallel_loop3A_230 : i32 to index
        %parallel_loop3A_285 = memref.load %arg11[%parallel_loop3A_284] : memref<256xi32, #tpu.memory_space<smem>>
        memref.store %parallel_loop3A_283, %arg11[%parallel_loop3A_284] : memref<256xi32, #tpu.memory_space<smem>>
        %parallel_loop3A_286 = arith.index_cast %parallel_loop3A_235 : i32 to index
        %parallel_loop3A_287 = tpu.vector_load %arg10[%parallel_loop3A_286] {strides = array<i32>} : memref<28672xi32, #tpu.memory_space<vmem>>, vector<16xi32>,
        tpu.vector_store %arg10[%parallel_loop3A_286], %broadcast_in_dim3A_4 {strides = array<i32>} : memref<28672xi32, #tpu.memory_space<vmem>>, vector<16xi32>,
        %parallel_loop3A_288 = arith.index_cast %parallel_loop3A_239 : i32 to index
        %parallel_loop3A_289 = tpu.vector_load %arg10[%parallel_loop3A_288] {strides = array<i32>} : memref<28672xi32, #tpu.memory_space<vmem>>, vector<16xi32>,
        tpu.vector_store %arg10[%parallel_loop3A_288], %broadcast_in_dim3A_4 {strides = array<i32>} : memref<28672xi32, #tpu.memory_space<vmem>>, vector<16xi32>,
        %parallel_loop3A_290 = arith.index_cast %parallel_loop3A_243 : i32 to index
        %parallel_loop3A_291 = tpu.vector_load %arg10[%parallel_loop3A_290] {strides = array<i32>} : memref<28672xi32, #tpu.memory_space<vmem>>, vector<16xi32>,
        tpu.vector_store %arg10[%parallel_loop3A_290], %broadcast_in_dim3A_4 {strides = array<i32>} : memref<28672xi32, #tpu.memory_space<vmem>>, vector<16xi32>,
        %parallel_loop3A_292 = arith.index_cast %parallel_loop3A_247 : i32 to index
        %parallel_loop3A_293 = tpu.vector_load %arg10[%parallel_loop3A_292] {strides = array<i32>} : memref<28672xi32, #tpu.memory_space<vmem>>, vector<16xi32>,
        tpu.vector_store %arg10[%parallel_loop3A_292], %broadcast_in_dim3A_4 {strides = array<i32>} : memref<28672xi32, #tpu.memory_space<vmem>>, vector<16xi32>,
        %parallel_loop3A_294 = arith.index_cast %parallel_loop3A_251 : i32 to index
        %parallel_loop3A_295 = tpu.vector_load %arg10[%parallel_loop3A_294] {strides = array<i32>} : memref<28672xi32, #tpu.memory_space<vmem>>, vector<16xi32>,
        tpu.vector_store %arg10[%parallel_loop3A_294], %broadcast_in_dim3A_4 {strides = array<i32>} : memref<28672xi32, #tpu.memory_space<vmem>>, vector<16xi32>,
        %parallel_loop3A_296 = arith.index_cast %parallel_loop3A_255 : i32 to index
        %parallel_loop3A_297 = tpu.vector_load %arg10[%parallel_loop3A_296] {strides = array<i32>} : memref<28672xi32, #tpu.memory_space<vmem>>, vector<16xi32>,
        tpu.vector_store %arg10[%parallel_loop3A_296], %broadcast_in_dim3A_4 {strides = array<i32>} : memref<28672xi32, #tpu.memory_space<vmem>>, vector<16xi32>,
        %parallel_loop3A_298 = arith.index_cast %parallel_loop3A_259 : i32 to index
        %parallel_loop3A_299 = tpu.vector_load %arg10[%parallel_loop3A_298] {strides = array<i32>} : memref<28672xi32, #tpu.memory_space<vmem>>, vector<16xi32>,
        tpu.vector_store %arg10[%parallel_loop3A_298], %broadcast_in_dim3A_4 {strides = array<i32>} : memref<28672xi32, #tpu.memory_space<vmem>>, vector<16xi32>,
        %parallel_loop3A_300 = vector.broadcast %parallel_loop3A_283 : i32 to vector<16xi32>
        %parallel_loop3A_301 = arith.constant 4 : i32
        %parallel_loop3A_302 = arith.shrui %parallel_loop3A_230, %parallel_loop3A_301 : i32
        %parallel_loop3A_303 = vector.broadcast %parallel_loop3A_302 : i32 to vector<16xi32>
        %parallel_loop3A_304 = arith.cmpi eq, %iota3A, %parallel_loop3A_303 : vector<16xi32>
        %parallel_loop3A_305 = arith.constant 0 : i32
        %parallel_loop3A_306 = vector.broadcast %parallel_loop3A_305 : i32 to vector<16xi32>
        %parallel_loop3A_307 = arith.select %parallel_loop3A_304, %parallel_loop3A_300, %parallel_loop3A_306 : vector<16xi1>, vector<16xi32>
        %parallel_loop3A_308 = arith.addi %parallel_loop3A_231, %parallel_loop3A_307 : vector<16xi32>
        scf.yield %parallel_loop3A_308 : vector<16xi32>
      } {sc.loop_unroll_factor = 8 : i64, sc.parallel_access}
      %rev3A_127 = arith.constant 15 : i32
      %rev3A_128 = vector.broadcast %rev3A_127 : i32 to vector<16xi32>
      %rev3A_129 = tpu.iota {dimensions = array<i32: 0>} : vector<16xi32>
      %rev3A_130 = arith.subi %rev3A_128, %rev3A_129 : vector<16xi32>
      %rev3A_131 = tpu.dynamic_gather %parallel_loop3A_126[%rev3A_130] in [0] : vector<16xi32>, vector<16xi32> -> vector<16xi32>
      %broadcast_in_dim3A_132 = arith.constant true
      %broadcast_in_dim3A_133 = vector.broadcast %broadcast_in_dim3A_132 : i1 to vector<16xi1>
      %masked_cumsum3A_134 = tpu.scan <sum>, %rev3A_131 masked %broadcast_in_dim3A_133 : vector<16xi32>, vector<16xi1> -> vector<16xi32>
      %broadcast_in_dim3A_135 = vector.broadcast %scan3A_112#1 : i32 to vector<16xi32>
      %ge3A_136 = arith.cmpi sge, %masked_cumsum3A_134, %broadcast_in_dim3A_135 : vector<16xi32>
      %all_reduce_population_count3A_137 = tpu.all_reduce %ge3A_136 {dim = 0 : i64, kind = #tpu.reduction_kind<sum>} : vector<16xi1> -> vector<16xi32>
      %reduce_max3A_138 = arith.constant true
      %reduce_max3A_139 = vector.broadcast %reduce_max3A_138 : i1 to vector<16xi1>
      %reduce_max3A_140 = arith.constant -2147483648 : i32
      %reduce_max3A_141 = vector.broadcast %reduce_max3A_140 : i32 to vector<16xi32>
      %reduce_max3A_142 = arith.xori %all_reduce_population_count3A_137, %reduce_max3A_141 : vector<16xi32>
      %reduce_max3A_143 = tpu.scan <max>, %reduce_max3A_142 masked %reduce_max3A_139 : vector<16xi32>, vector<16xi1> -> vector<16xi32>
      %reduce_max3A_144 = arith.xori %reduce_max3A_143, %reduce_max3A_141 : vector<16xi32>
      %reduce_max3A_145 = vector.extract %reduce_max3A_144[15] : i32 from vector<16xi32>
      %sub3A_146 = arith.constant 1 : i32
      %sub3A_147 = arith.subi %reduce_max3A_145, %sub3A_146 : i32
      %broadcast_in_dim3A_148 = arith.constant 16 : i32
      %broadcast_in_dim3A_149 = vector.broadcast %broadcast_in_dim3A_148 : i32 to vector<16xi32>
      %sub3A_150 = arith.subi %broadcast_in_dim3A_149, %all_reduce_population_count3A_137 : vector<16xi32>
      %eq3A_151 = arith.cmpi eq, %iota3A, %sub3A_150 : vector<16xi32>
      %sub3A_152 = arith.subi %masked_cumsum3A_134, %rev3A_131 : vector<16xi32>
      %jit3A_153 = arith.constant 0 : i32
      %broadcast_in_dim3A_154 = vector.broadcast %jit3A_153 : i32 to vector<16xi32>
      %select_n3A_155 = arith.select %eq3A_151, %sub3A_152, %broadcast_in_dim3A_154 : vector<16xi1>, vector<16xi32>
      %reduce_sum3A_156 = arith.constant true
      %reduce_sum3A_157 = vector.broadcast %reduce_sum3A_156 : i1 to vector<16xi1>
      %reduce_sum3A_158 = tpu.scan <sum>, %select_n3A_155 masked %reduce_sum3A_157 : vector<16xi32>, vector<16xi1> -> vector<16xi32>
      %reduce_sum3A_159 = vector.extract %reduce_sum3A_158[15] : i32 from vector<16xi32>
      %sub3A_160 = arith.subi %scan3A_112#1, %reduce_sum3A_159 : i32
      %scan3A_161 = arith.constant -1 : i32
      %scan3A_162 = arith.constant 0 : i32
      %scan3A_163 = arith.constant 16 : i32
      %scan3A_164 = arith.addi %scan3A_162, %scan3A_163 : i32
      %scan3A_165 = arith.constant 1 : i32
      %scan3A_166:2 = scf.for %scan3A_230 = %scan3A_162 to %scan3A_164 step %scan3A_165 iter_args(%scan3A_231 = %scan3A_161, %scan3A_232 = %sub3A_160) -> (i32, i32)  : i32 {
        %mul3A_233 = arith.constant 16 : i32
        %mul3A_234 = arith.muli %sub3A_147, %mul3A_233 : i32
        %sub3A_235 = arith.constant 15 : i32
        %sub3A_236 = arith.subi %sub3A_235, %scan3A_230 : i32
        %add3A_237 = arith.addi %mul3A_234, %sub3A_236 : i32
        %get3A_238 = arith.index_cast %add3A_237 : i32 to index
        %get3A_239 = memref.load %arg11[%get3A_238] : memref<256xi32, #tpu.memory_space<smem>>
        %lt3A = arith.constant 0 : i32
        %lt3A_240 = arith.cmpi slt, %scan3A_231, %lt3A : i32
        %le3A = arith.cmpi sle, %scan3A_232, %get3A_239 : i32
        %and3A = arith.andi %lt3A_240, %le3A : i1
        %select_n3A_241 = arith.select %and3A, %add3A_237, %scan3A_231 : i32
        %not3A = arith.constant true
        %not3A_242 = arith.xori %and3A, %not3A : i1
        %and3A_243 = arith.andi %lt3A_240, %not3A_242 : i1
        %sub3A_244 = arith.subi %scan3A_232, %get3A_239 : i32
        %select_n3A_245 = arith.select %and3A_243, %sub3A_244, %scan3A_232 : i32
        scf.yield %select_n3A_241, %select_n3A_245 : i32, i32
      }
      %scan3A_167 = arith.constant 16 : i32
      %shift_left3A_168 = arith.constant 8 : i32
      %shift_left3A_169 = arith.shli %scan3A_166#0, %shift_left3A_168 : i32
      %or3A_170 = arith.ori %or3A, %shift_left3A_169 : i32
      %shift_right_logical3A_171 = arith.constant 8 : i32
      %shift_right_logical3A_172 = arith.shrui %or3A_170, %shift_right_logical3A_171 : i32
      %parallel_loop3A_173 = arith.constant 0 : i32
      %parallel_loop3A_174 = arith.constant 2048 : i32
      %parallel_loop3A_175 = arith.constant 1 : i32
      scf.for %parallel_loop3A_230 = %parallel_loop3A_173 to %parallel_loop3A_174 step %parallel_loop3A_175  : i32 {
        %parallel_loop3A_231 = arith.constant 16 : i32
        %parallel_loop3A_232 = arith.muli %parallel_loop3A_230, %parallel_loop3A_231 : i32
        %parallel_loop3A_233 = arith.index_cast %parallel_loop3A_232 : i32 to index
        %parallel_loop3A_234 = tpu.vector_load %arg9[%parallel_loop3A_233] {strides = array<i32>} : memref<32768xi32, #tpu.memory_space<vmem>>, vector<16xi32>,
        %parallel_loop3A_235 = arith.constant 8 : i32
        %parallel_loop3A_236 = vector.broadcast %parallel_loop3A_235 : i32 to vector<16xi32>
        %parallel_loop3A_237 = arith.shrui %parallel_loop3A_234, %parallel_loop3A_236 : vector<16xi32>
        %parallel_loop3A_238 = vector.broadcast %shift_right_logical3A_172 : i32 to vector<16xi32>
        %parallel_loop3A_239 = arith.cmpi eq, %parallel_loop3A_237, %parallel_loop3A_238 : vector<16xi32>
        %parallel_loop3A_240 = arith.constant 0 : i32
        %parallel_loop3A_241 = vector.broadcast %parallel_loop3A_240 : i32 to vector<16xi32>
        %parallel_loop3A_242 = arith.shrui %parallel_loop3A_234, %parallel_loop3A_241 : vector<16xi32>
        %parallel_loop3A_243 = arith.constant 255 : i32
        %parallel_loop3A_244 = vector.broadcast %parallel_loop3A_243 : i32 to vector<16xi32>
        %parallel_loop3A_245 = arith.andi %parallel_loop3A_242, %parallel_loop3A_244 : vector<16xi32>
        %parallel_loop3A_246 = arith.constant 7 : i32
        %parallel_loop3A_247 = arith.remsi %parallel_loop3A_230, %parallel_loop3A_246 : i32
        %parallel_loop3A_248 = arith.constant 4096 : i32
        %parallel_loop3A_249 = arith.muli %parallel_loop3A_247, %parallel_loop3A_248 : i32
        %parallel_loop3A_250 = arith.constant 4 : i32
        %parallel_loop3A_251 = vector.broadcast %parallel_loop3A_250 : i32 to vector<16xi32>
        %parallel_loop3A_252 = arith.shli %parallel_loop3A_245, %parallel_loop3A_251 : vector<16xi32>
        %parallel_loop3A_253 = arith.ori %parallel_loop3A_252, %iota3A : vector<16xi32>
        %parallel_loop3A_254 = vector.broadcast %parallel_loop3A_249 : i32 to vector<16xi32>
        %parallel_loop3A_255 = arith.addi %parallel_loop3A_254, %parallel_loop3A_253 : vector<16xi32>
        tpu.vector_store_idx %arg10[%parallel_loop3A_255], %broadcast_in_dim3A_2 masked %parallel_loop3A_239 {add = true} : memref<28672xi32, #tpu.memory_space<vmem>>[vector<16xi32>], vector<16xi32>, vector<16xi1>
      } {sc.loop_unroll_factor = 7 : i64, sc.parallel_access}
      %broadcast_in_dim3A_176 = arith.constant 0 : i32
      %broadcast_in_dim3A_177 = vector.broadcast %broadcast_in_dim3A_176 : i32 to vector<16xi32>
      %parallel_loop3A_178 = arith.constant 0 : i32
      %parallel_loop3A_179 = arith.constant 256 : i32
      %parallel_loop3A_180 = arith.constant 1 : i32
      %parallel_loop3A_181 = scf.for %parallel_loop3A_230 = %parallel_loop3A_178 to %parallel_loop3A_179 step %parallel_loop3A_180 iter_args(%parallel_loop3A_231 = %broadcast_in_dim3A_177) -> (vector<16xi32>)  : i32 {
        %parallel_loop3A_232 = arith.constant 16 : i32
        %parallel_loop3A_233 = arith.muli %parallel_loop3A_230, %parallel_loop3A_232 : i32
        %parallel_loop3A_234 = arith.constant 0 : i32
        %parallel_loop3A_235 = arith.addi %parallel_loop3A_234, %parallel_loop3A_233 : i32
        %parallel_loop3A_236 = arith.constant 16 : i32
        %parallel_loop3A_237 = arith.muli %parallel_loop3A_230, %parallel_loop3A_236 : i32
        %parallel_loop3A_238 = arith.constant 4096 : i32
        %parallel_loop3A_239 = arith.addi %parallel_loop3A_238, %parallel_loop3A_237 : i32
        %parallel_loop3A_240 = arith.constant 16 : i32
        %parallel_loop3A_241 = arith.muli %parallel_loop3A_230, %parallel_loop3A_240 : i32
        %parallel_loop3A_242 = arith.constant 8192 : i32
        %parallel_loop3A_243 = arith.addi %parallel_loop3A_242, %parallel_loop3A_241 : i32
        %parallel_loop3A_244 = arith.constant 16 : i32
        %parallel_loop3A_245 = arith.muli %parallel_loop3A_230, %parallel_loop3A_244 : i32
        %parallel_loop3A_246 = arith.constant 12288 : i32
        %parallel_loop3A_247 = arith.addi %parallel_loop3A_246, %parallel_loop3A_245 : i32
        %parallel_loop3A_248 = arith.constant 16 : i32
        %parallel_loop3A_249 = arith.muli %parallel_loop3A_230, %parallel_loop3A_248 : i32
        %parallel_loop3A_250 = arith.constant 16384 : i32
        %parallel_loop3A_251 = arith.addi %parallel_loop3A_250, %parallel_loop3A_249 : i32
        %parallel_loop3A_252 = arith.constant 16 : i32
        %parallel_loop3A_253 = arith.muli %parallel_loop3A_230, %parallel_loop3A_252 : i32
        %parallel_loop3A_254 = arith.constant 20480 : i32
        %parallel_loop3A_255 = arith.addi %parallel_loop3A_254, %parallel_loop3A_253 : i32
        %parallel_loop3A_256 = arith.constant 16 : i32
        %parallel_loop3A_257 = arith.muli %parallel_loop3A_230, %parallel_loop3A_256 : i32
        %parallel_loop3A_258 = arith.constant 24576 : i32
        %parallel_loop3A_259 = arith.addi %parallel_loop3A_258, %parallel_loop3A_257 : i32
        %parallel_loop3A_260 = arith.index_cast %parallel_loop3A_235 : i32 to index
        %parallel_loop3A_261 = tpu.vector_load %arg10[%parallel_loop3A_260] {strides = array<i32>} : memref<28672xi32, #tpu.memory_space<vmem>>, vector<16xi32>,
        %parallel_loop3A_262 = arith.index_cast %parallel_loop3A_239 : i32 to index
        %parallel_loop3A_263 = tpu.vector_load %arg10[%parallel_loop3A_262] {strides = array<i32>} : memref<28672xi32, #tpu.memory_space<vmem>>, vector<16xi32>,
        %parallel_loop3A_264 = arith.addi %parallel_loop3A_261, %parallel_loop3A_263 : vector<16xi32>
        %parallel_loop3A_265 = arith.index_cast %parallel_loop3A_243 : i32 to index
        %parallel_loop3A_266 = tpu.vector_load %arg10[%parallel_loop3A_265] {strides = array<i32>} : memref<28672xi32, #tpu.memory_space<vmem>>, vector<16xi32>,
        %parallel_loop3A_267 = arith.addi %parallel_loop3A_264, %parallel_loop3A_266 : vector<16xi32>
        %parallel_loop3A_268 = arith.index_cast %parallel_loop3A_247 : i32 to index
        %parallel_loop3A_269 = tpu.vector_load %arg10[%parallel_loop3A_268] {strides = array<i32>} : memref<28672xi32, #tpu.memory_space<vmem>>, vector<16xi32>,
        %parallel_loop3A_270 = arith.addi %parallel_loop3A_267, %parallel_loop3A_269 : vector<16xi32>
        %parallel_loop3A_271 = arith.index_cast %parallel_loop3A_251 : i32 to index
        %parallel_loop3A_272 = tpu.vector_load %arg10[%parallel_loop3A_271] {strides = array<i32>} : memref<28672xi32, #tpu.memory_space<vmem>>, vector<16xi32>,
        %parallel_loop3A_273 = arith.addi %parallel_loop3A_270, %parallel_loop3A_272 : vector<16xi32>
        %parallel_loop3A_274 = arith.index_cast %parallel_loop3A_255 : i32 to index
        %parallel_loop3A_275 = tpu.vector_load %arg10[%parallel_loop3A_274] {strides = array<i32>} : memref<28672xi32, #tpu.memory_space<vmem>>, vector<16xi32>,
        %parallel_loop3A_276 = arith.addi %parallel_loop3A_273, %parallel_loop3A_275 : vector<16xi32>
        %parallel_loop3A_277 = arith.index_cast %parallel_loop3A_259 : i32 to index
        %parallel_loop3A_278 = tpu.vector_load %arg10[%parallel_loop3A_277] {strides = array<i32>} : memref<28672xi32, #tpu.memory_space<vmem>>, vector<16xi32>,
        %parallel_loop3A_279 = arith.addi %parallel_loop3A_276, %parallel_loop3A_278 : vector<16xi32>
        %parallel_loop3A_280 = arith.constant true
        %parallel_loop3A_281 = vector.broadcast %parallel_loop3A_280 : i1 to vector<16xi1>
        %parallel_loop3A_282 = tpu.scan <sum>, %parallel_loop3A_279 masked %parallel_loop3A_281 : vector<16xi32>, vector<16xi1> -> vector<16xi32>
        %parallel_loop3A_283 = vector.extract %parallel_loop3A_282[15] : i32 from vector<16xi32>
        %parallel_loop3A_284 = arith.index_cast %parallel_loop3A_230 : i32 to index
        %parallel_loop3A_285 = memref.load %arg11[%parallel_loop3A_284] : memref<256xi32, #tpu.memory_space<smem>>
        memref.store %parallel_loop3A_283, %arg11[%parallel_loop3A_284] : memref<256xi32, #tpu.memory_space<smem>>
        %parallel_loop3A_286 = arith.index_cast %parallel_loop3A_235 : i32 to index
        %parallel_loop3A_287 = tpu.vector_load %arg10[%parallel_loop3A_286] {strides = array<i32>} : memref<28672xi32, #tpu.memory_space<vmem>>, vector<16xi32>,
        tpu.vector_store %arg10[%parallel_loop3A_286], %broadcast_in_dim3A_4 {strides = array<i32>} : memref<28672xi32, #tpu.memory_space<vmem>>, vector<16xi32>,
        %parallel_loop3A_288 = arith.index_cast %parallel_loop3A_239 : i32 to index
        %parallel_loop3A_289 = tpu.vector_load %arg10[%parallel_loop3A_288] {strides = array<i32>} : memref<28672xi32, #tpu.memory_space<vmem>>, vector<16xi32>,
        tpu.vector_store %arg10[%parallel_loop3A_288], %broadcast_in_dim3A_4 {strides = array<i32>} : memref<28672xi32, #tpu.memory_space<vmem>>, vector<16xi32>,
        %parallel_loop3A_290 = arith.index_cast %parallel_loop3A_243 : i32 to index
        %parallel_loop3A_291 = tpu.vector_load %arg10[%parallel_loop3A_290] {strides = array<i32>} : memref<28672xi32, #tpu.memory_space<vmem>>, vector<16xi32>,
        tpu.vector_store %arg10[%parallel_loop3A_290], %broadcast_in_dim3A_4 {strides = array<i32>} : memref<28672xi32, #tpu.memory_space<vmem>>, vector<16xi32>,
        %parallel_loop3A_292 = arith.index_cast %parallel_loop3A_247 : i32 to index
        %parallel_loop3A_293 = tpu.vector_load %arg10[%parallel_loop3A_292] {strides = array<i32>} : memref<28672xi32, #tpu.memory_space<vmem>>, vector<16xi32>,
        tpu.vector_store %arg10[%parallel_loop3A_292], %broadcast_in_dim3A_4 {strides = array<i32>} : memref<28672xi32, #tpu.memory_space<vmem>>, vector<16xi32>,
        %parallel_loop3A_294 = arith.index_cast %parallel_loop3A_251 : i32 to index
        %parallel_loop3A_295 = tpu.vector_load %arg10[%parallel_loop3A_294] {strides = array<i32>} : memref<28672xi32, #tpu.memory_space<vmem>>, vector<16xi32>,
        tpu.vector_store %arg10[%parallel_loop3A_294], %broadcast_in_dim3A_4 {strides = array<i32>} : memref<28672xi32, #tpu.memory_space<vmem>>, vector<16xi32>,
        %parallel_loop3A_296 = arith.index_cast %parallel_loop3A_255 : i32 to index
        %parallel_loop3A_297 = tpu.vector_load %arg10[%parallel_loop3A_296] {strides = array<i32>} : memref<28672xi32, #tpu.memory_space<vmem>>, vector<16xi32>,
        tpu.vector_store %arg10[%parallel_loop3A_296], %broadcast_in_dim3A_4 {strides = array<i32>} : memref<28672xi32, #tpu.memory_space<vmem>>, vector<16xi32>,
        %parallel_loop3A_298 = arith.index_cast %parallel_loop3A_259 : i32 to index
        %parallel_loop3A_299 = tpu.vector_load %arg10[%parallel_loop3A_298] {strides = array<i32>} : memref<28672xi32, #tpu.memory_space<vmem>>, vector<16xi32>,
        tpu.vector_store %arg10[%parallel_loop3A_298], %broadcast_in_dim3A_4 {strides = array<i32>} : memref<28672xi32, #tpu.memory_space<vmem>>, vector<16xi32>,
        %parallel_loop3A_300 = vector.broadcast %parallel_loop3A_283 : i32 to vector<16xi32>
        %parallel_loop3A_301 = arith.constant 4 : i32
        %parallel_loop3A_302 = arith.shrui %parallel_loop3A_230, %parallel_loop3A_301 : i32
        %parallel_loop3A_303 = vector.broadcast %parallel_loop3A_302 : i32 to vector<16xi32>
        %parallel_loop3A_304 = arith.cmpi eq, %iota3A, %parallel_loop3A_303 : vector<16xi32>
        %parallel_loop3A_305 = arith.constant 0 : i32
        %parallel_loop3A_306 = vector.broadcast %parallel_loop3A_305 : i32 to vector<16xi32>
        %parallel_loop3A_307 = arith.select %parallel_loop3A_304, %parallel_loop3A_300, %parallel_loop3A_306 : vector<16xi1>, vector<16xi32>
        %parallel_loop3A_308 = arith.addi %parallel_loop3A_231, %parallel_loop3A_307 : vector<16xi32>
        scf.yield %parallel_loop3A_308 : vector<16xi32>
      } {sc.loop_unroll_factor = 8 : i64, sc.parallel_access}
      %rev3A_182 = arith.constant 15 : i32
      %rev3A_183 = vector.broadcast %rev3A_182 : i32 to vector<16xi32>
      %rev3A_184 = tpu.iota {dimensions = array<i32: 0>} : vector<16xi32>
      %rev3A_185 = arith.subi %rev3A_183, %rev3A_184 : vector<16xi32>
      %rev3A_186 = tpu.dynamic_gather %parallel_loop3A_181[%rev3A_185] in [0] : vector<16xi32>, vector<16xi32> -> vector<16xi32>
      %broadcast_in_dim3A_187 = arith.constant true
      %broadcast_in_dim3A_188 = vector.broadcast %broadcast_in_dim3A_187 : i1 to vector<16xi1>
      %masked_cumsum3A_189 = tpu.scan <sum>, %rev3A_186 masked %broadcast_in_dim3A_188 : vector<16xi32>, vector<16xi1> -> vector<16xi32>
      %broadcast_in_dim3A_190 = vector.broadcast %scan3A_166#1 : i32 to vector<16xi32>
      %ge3A_191 = arith.cmpi sge, %masked_cumsum3A_189, %broadcast_in_dim3A_190 : vector<16xi32>
      %all_reduce_population_count3A_192 = tpu.all_reduce %ge3A_191 {dim = 0 : i64, kind = #tpu.reduction_kind<sum>} : vector<16xi1> -> vector<16xi32>
      %reduce_max3A_193 = arith.constant true
      %reduce_max3A_194 = vector.broadcast %reduce_max3A_193 : i1 to vector<16xi1>
      %reduce_max3A_195 = arith.constant -2147483648 : i32
      %reduce_max3A_196 = vector.broadcast %reduce_max3A_195 : i32 to vector<16xi32>
      %reduce_max3A_197 = arith.xori %all_reduce_population_count3A_192, %reduce_max3A_196 : vector<16xi32>
      %reduce_max3A_198 = tpu.scan <max>, %reduce_max3A_197 masked %reduce_max3A_194 : vector<16xi32>, vector<16xi1> -> vector<16xi32>
      %reduce_max3A_199 = arith.xori %reduce_max3A_198, %reduce_max3A_196 : vector<16xi32>
      %reduce_max3A_200 = vector.extract %reduce_max3A_199[15] : i32 from vector<16xi32>
      %sub3A_201 = arith.constant 1 : i32
      %sub3A_202 = arith.subi %reduce_max3A_200, %sub3A_201 : i32
      %broadcast_in_dim3A_203 = arith.constant 16 : i32
      %broadcast_in_dim3A_204 = vector.broadcast %broadcast_in_dim3A_203 : i32 to vector<16xi32>
      %sub3A_205 = arith.subi %broadcast_in_dim3A_204, %all_reduce_population_count3A_192 : vector<16xi32>
      %eq3A_206 = arith.cmpi eq, %iota3A, %sub3A_205 : vector<16xi32>
      %sub3A_207 = arith.subi %masked_cumsum3A_189, %rev3A_186 : vector<16xi32>
      %jit3A_208 = arith.constant 0 : i32
      %broadcast_in_dim3A_209 = vector.broadcast %jit3A_208 : i32 to vector<16xi32>
      %select_n3A_210 = arith.select %eq3A_206, %sub3A_207, %broadcast_in_dim3A_209 : vector<16xi1>, vector<16xi32>
      %reduce_sum3A_211 = arith.constant true
      %reduce_sum3A_212 = vector.broadcast %reduce_sum3A_211 : i1 to vector<16xi1>
      %reduce_sum3A_213 = tpu.scan <sum>, %select_n3A_210 masked %reduce_sum3A_212 : vector<16xi32>, vector<16xi1> -> vector<16xi32>
      %reduce_sum3A_214 = vector.extract %reduce_sum3A_213[15] : i32 from vector<16xi32>
      %sub3A_215 = arith.subi %scan3A_166#1, %reduce_sum3A_214 : i32
      %scan3A_216 = arith.constant -1 : i32
      %scan3A_217 = arith.constant 0 : i32
      %scan3A_218 = arith.constant 16 : i32
      %scan3A_219 = arith.addi %scan3A_217, %scan3A_218 : i32
      %scan3A_220 = arith.constant 1 : i32
      %scan3A_221:2 = scf.for %scan3A_230 = %scan3A_217 to %scan3A_219 step %scan3A_220 iter_args(%scan3A_231 = %scan3A_216, %scan3A_232 = %sub3A_215) -> (i32, i32)  : i32 {
        %mul3A_233 = arith.constant 16 : i32
        %mul3A_234 = arith.muli %sub3A_202, %mul3A_233 : i32
        %sub3A_235 = arith.constant 15 : i32
        %sub3A_236 = arith.subi %sub3A_235, %scan3A_230 : i32
        %add3A_237 = arith.addi %mul3A_234, %sub3A_236 : i32
        %get3A_238 = arith.index_cast %add3A_237 : i32 to index
        %get3A_239 = memref.load %arg11[%get3A_238] : memref<256xi32, #tpu.memory_space<smem>>
        %lt3A = arith.constant 0 : i32
        %lt3A_240 = arith.cmpi slt, %scan3A_231, %lt3A : i32
        %le3A = arith.cmpi sle, %scan3A_232, %get3A_239 : i32
        %and3A = arith.andi %lt3A_240, %le3A : i1
        %select_n3A_241 = arith.select %and3A, %add3A_237, %scan3A_231 : i32
        %not3A = arith.constant true
        %not3A_242 = arith.xori %and3A, %not3A : i1
        %and3A_243 = arith.andi %lt3A_240, %not3A_242 : i1
        %sub3A_244 = arith.subi %scan3A_232, %get3A_239 : i32
        %select_n3A_245 = arith.select %and3A_243, %sub3A_244, %scan3A_232 : i32
        scf.yield %select_n3A_241, %select_n3A_245 : i32, i32
      }
      %scan3A_222 = arith.constant 16 : i32
      %shift_left3A_223 = arith.constant 0 : i32
      %shift_left3A_224 = arith.shli %scan3A_221#0, %shift_left3A_223 : i32
      %or3A_225 = arith.ori %or3A_170, %shift_left3A_224 : i32
      %broadcast_in_dim3A_226 = vector.broadcast %or3A_225 : i32 to vector<16xi32>
      %parallel_loop3A_227 = arith.constant 0 : i32
      %parallel_loop3A_228 = arith.constant 2048 : i32
      %parallel_loop3A_229 = arith.constant 1 : i32
      scf.for %parallel_loop3A_230 = %parallel_loop3A_227 to %parallel_loop3A_228 step %parallel_loop3A_229  : i32 {
        %parallel_loop3A_231 = arith.constant 16 : i32
        %parallel_loop3A_232 = arith.muli %parallel_loop3A_230, %parallel_loop3A_231 : i32
        %parallel_loop3A_233 = arith.index_cast %parallel_loop3A_232 : i32 to index
        %parallel_loop3A_234 = tpu.vector_load %arg9[%parallel_loop3A_233] {strides = array<i32>} : memref<32768xi32, #tpu.memory_space<vmem>>, vector<16xi32>,
        %parallel_loop3A_235 = arith.cmpi sge, %parallel_loop3A_234, %broadcast_in_dim3A_226 : vector<16xi32>
        %parallel_loop3A_236 = arith.index_cast %parallel_loop3A_232 : i32 to index
        %parallel_loop3A_237 = tpu.vector_load %arg8[%parallel_loop3A_236] {strides = array<i32>} : memref<32768xf32, #tpu.memory_space<vmem>>, vector<16xf32>,
        %parallel_loop3A_238 = arith.constant 0.000000e+00 : f32
        %parallel_loop3A_239 = vector.broadcast %parallel_loop3A_238 : f32 to vector<16xf32>
        %parallel_loop3A_240 = arith.select %parallel_loop3A_235, %parallel_loop3A_237, %parallel_loop3A_239 : vector<16xi1>, vector<16xf32>
        %parallel_loop3A_241 = arith.index_cast %parallel_loop3A_232 : i32 to index
        %parallel_loop3A_242 = tpu.vector_load %arg8[%parallel_loop3A_241] {strides = array<i32>} : memref<32768xf32, #tpu.memory_space<vmem>>, vector<16xf32>,
        tpu.vector_store %arg8[%parallel_loop3A_241], %parallel_loop3A_240 {strides = array<i32>} : memref<32768xf32, #tpu.memory_space<vmem>>, vector<16xf32>,
      } {sc.loop_unroll_factor = 16 : i64, sc.parallel_access}
      "tpu.region"() ({
        %run_scoped3A = tpu.sem_alloc : memref<!tpu.dma_semaphore, #tpu.memory_space<semaphore_mem>>
        %dma_start3A = arith.constant 0 : i32
        %dma_start3A_230 = tpu.memref_slice %arg5[%add3A_18, %dma_start3A] : memref<128x32768xf32, #tpu.memory_space<hbm>> -> memref<1x32768xf32, #tpu.memory_space<hbm>>
        %dma_start3A_231 = tpu.memref_squeeze %dma_start3A_230 : memref<1x32768xf32, #tpu.memory_space<hbm>> -> memref<32768xf32, #tpu.memory_space<hbm>>
        %dma_start3A_232 = arith.constant 0 : i32
        %dma_start3A_233 = tpu.memref_slice %arg5[%add3A_18, %dma_start3A_232] : memref<128x32768xf32, #tpu.memory_space<hbm>> -> memref<1x32768xf32, #tpu.memory_space<hbm>>
        %dma_start3A_234 = tpu.memref_squeeze %dma_start3A_233 : memref<1x32768xf32, #tpu.memory_space<hbm>> -> memref<32768xf32, #tpu.memory_space<hbm>>
        tpu.enqueue_dma source(%arg8 : memref<32768xf32, #tpu.memory_space<vmem>>) target(%dma_start3A_234 : memref<32768xf32, #tpu.memory_space<hbm>>) target_semaphore(%run_scoped3A : memref<!tpu.dma_semaphore, #tpu.memory_space<semaphore_mem>>)
        %dma_wait3A = arith.constant 0 : i32
        %dma_wait3A_235 = tpu.memref_slice %arg5[%add3A_18, %dma_wait3A] : memref<128x32768xf32, #tpu.memory_space<hbm>> -> memref<1x32768xf32, #tpu.memory_space<hbm>>
        %dma_wait3A_236 = tpu.memref_squeeze %dma_wait3A_235 : memref<1x32768xf32, #tpu.memory_space<hbm>> -> memref<32768xf32, #tpu.memory_space<hbm>>
        %dma_wait3A_237 = arith.constant 0 : i32
        %dma_wait3A_238 = tpu.memref_slice %arg5[%add3A_18, %dma_wait3A_237] : memref<128x32768xf32, #tpu.memory_space<hbm>> -> memref<1x32768xf32, #tpu.memory_space<hbm>>
        %dma_wait3A_239 = tpu.memref_squeeze %dma_wait3A_238 : memref<1x32768xf32, #tpu.memory_space<hbm>> -> memref<32768xf32, #tpu.memory_space<hbm>>
        tpu.wait_dma2 semaphore(%run_scoped3A : memref<!tpu.dma_semaphore, #tpu.memory_space<semaphore_mem>>) src(%arg8 : memref<32768xf32, #tpu.memory_space<vmem>>) dst(%dma_wait3A_239 : memref<32768xf32, #tpu.memory_space<hbm>>)
        tpu.yield
      }) : () -> ()
    }
    %scan3A_14 = arith.constant 4 : i32
    return
  }
}

</mosaic_0001>

<sc_bundles>
// kernel: kernel.3.cloned.1.call-start
scs
__scs_entry_jumppad:
0x0: {  	(pc) =	sbr.rel $0x88, $3  }
0x1: {  	(tag) =	ssettag $0x0;
	lr =	simm.s32 $0x1  }
0x2: {  	[smem:$0x3F9E] =	sst lr;
	_ =	strace $0xD0000000  }
0x3: {  	_ = 	snop  }
0x4: {  	_ = 	snop  }
0x5: {  	_ = 	snop  }
0x6: {  	_ = 	snop  }
0x7: {  	_ = 	snop  }
__scs_overlays_trampoline_lowered:
0x8: {  	[smem:$0x3FAD] =	sst s0  }
0x9: {  	[smem:$0x3FAE] =	sst s1  }
0xa: {  	[smem:$0x3FAF] =	sst s2  }
0xb: {  	[smem:$0x3FB0] =	sst s3  }
0xc: {  	[smem:$0x3FB1] =	sst s4  }
0xd: {  	[smem:$0x3FB2] =	sst s5  }
0xe: {  	[smem:$0x3FB3] =	sst s6  }
0xf: {  	[smem:$0x3FB4] =	sst s7  }
0x10: {  	[smem:$0x3FB5] =	sst s8  }
0x11: {  	[smem:$0x3FB6] =	sst s9;
	s0 =	simm.s32 @!p0 $0x0  }
0x12: {  	s1 =	sld [smem:$0x3F9C];
	s0 =	simm.s32 @p0 $0x1  }
0x13: {  	[smem:$0x3FB7] =	sst s0;
	s0 =	simm.s32 @!p1 $0x0  }
0x14: {  	s2 =	sld [smem:$0x3F9B];
	s0 =	simm.s32 @p1 $0x1  }
0x15: {  	[smem:$0x3FB8] =	sst s0;
	s0 =	simm.s32 @!p2 $0x0  }
0x16: {  	s3 =	sld [smem:$0x3FDB];
	s0 =	simm.s32 @p2 $0x1  }
0x17: {  	s4 =	simm.s32 $0x1BF5;
	[smem:$0x3FBA] =	sst s0  }
0x18: {  	s0 =	sld [smem:$0x3F9D];
	_ =	swait.ge [sflag:s4], $0x0  }
0x19: {  	s7 =	sld [smem:$0x3F9E]  }
0x1a: {  	s8 =	sadd.s32 $0xFFFFE003, lr  }
0x1b: {  	s9 =	sadd.s32 $0xFFFFFEF7, lr;
	s5 =	simm.s32 $0xFFFFFFFF;
	p2 =	slt.u32 s8, $0xFFFFF086  }
0x1c: {  	p1 =	slt.u32 s9, $0xF7A;
	s5 =	simm.s32 @!p2 $0x0  }
0x1d: {  	s5 =	simm.s32 @p1 $0x1;
	p0 =	seq.s32 s7, s2  }
0x1e: {  	s7 =	smul.u32 @!p0 $0xF7A, s2;
	p2 =	seq.s32 @!p0 s5, $0x0  }
0x1f: {  	s9 =	smul.u32 $0xF7A, s1;
	s8 =	simm.s32 @!p0 $0x1BF5;
	p2 =	por !p2, p0  }
0x20: {  	[sflag:s8] =	ssyncset.s32 @!p0 $0xFFFFF086;
	s6 =	sadd.s32 @!p0 s3, s7;
	s7 =	simm.s32 @!p0 $0x108  }
0x21: {  	s3 =	sadd.s32 s3, s9;
	s6 =	sadd.s32 @!p0 $0x88, s6;
	s7 =	simm.s32 @p2 $0x1082  }
0x22: {  	[simem:s7], [sflag:s8] =	dma.local @!p0 [hbm:s6], $0xF7A  }
0x23: {  	s9 =	sor.u32 $0xD0000000, s2;
	s6 =	simm.s32 $0x108;
	_ =	swait.ge @!p0 [sflag:s8], $0x0  }
0x24: {  	s3 =	sadd.s32 $0x88, s3;
	s6 =	simm.s32 @!p1 $0x1082;
	[sflag:s4] =	ssyncset.s32 $0xFFFFF086  }
0x25: {  	[simem:s6], [sflag:s4] =	dma.local [hbm:s3], $0xF7A  }
0x26: {  	[smem:$0x3F9E] =	sst s1;
	(tag) =	ssettag s2;
	_ =	strace s9  }
0x27: {  	s1 =	sld [smem:$0x3FAE]  }
0x28: {  	s2 =	sld [smem:$0x3FAF]  }
0x29: {  	s4 =	sld [smem:$0x3FB1]  }
0x2a: {  	p0 =	seq.s32 s5, $0x0;
	s5 =	sld [smem:$0x3FB2]  }
0x2b: {  	s6 =	sld [smem:$0x3FB3]  }
0x2c: {  	s7 =	sld [smem:$0x3FB4]  }
0x2d: {  	s3 =	simm.s32 $0x108;
	s8 =	sld [smem:$0x3FB5]  }
0x2e: {  	s3 =	simm.s32 @!p0 $0x1082;
	s9 =	sld [smem:$0x3FB6]  }
0x2f: {  	lr =	sadd.s32 s0, s3;
	s0 =	sld [smem:$0x3FAD]  }
0x30: {  	s3 =	sld [smem:$0x3FB0]  }
0x31: {  	[smem:$0x3FB9] =	sst s10  }
0x32: {  	s10 =	sld [smem:$0x3FB7];
	_ =	sdelay $0x3  }
0x33: {  	p0 =	seq.s32 s10, $0x1;
	s10 =	sld [smem:$0x3FB9];
	_ =	sdelay $0x3  }
0x34: {  	[smem:$0x3FB9] =	sst s10  }
0x35: {  	s10 =	sld [smem:$0x3FB8];
	_ =	sdelay $0x3  }
0x36: {  	p1 =	seq.s32 s10, $0x1;
	s10 =	sld [smem:$0x3FB9];
	_ =	sdelay $0x3  }
0x37: {  	[smem:$0x3FB9] =	sst s10  }
0x38: {  	s10 =	sld [smem:$0x3FBA]  }
0x39: {  	_ = 	snop;
	(pc) =	sbr.ind lr, $3  }
0x3a: {  	_ = 	snop  }
0x3b: {  	_ = 	snop  }
0x3c: {  	p2 =	seq.s32 s10, $0x1;
	s10 =	sld [smem:$0x3FB9]  }
0x3d: {  	_ =	shalt  }
0x3e: {  	_ =	shalt  }
0x3f: {  	_ =	shalt  }
0x40: {  	_ =	shalt  }
0x41: {  	_ =	shalt  }
0x42: {  	_ =	shalt  }
0x43: {  	_ =	shalt  }
0x44: {  	_ =	shalt  }
0x45: {  	_ =	shalt  }
0x46: {  	_ =	shalt  }
0x47: {  	_ =	shalt  }
0x48: {  	_ =	shalt  }
0x49: {  	_ =	shalt  }
0x4a: {  	_ =	shalt  }
0x4b: {  	_ =	shalt  }
0x4c: {  	_ =	shalt  }
0x4d: {  	_ =	shalt  }
0x4e: {  	_ =	shalt  }
0x4f: {  	_ =	shalt  }
0x50: {  	_ =	shalt  }
0x51: {  	_ =	shalt  }
0x52: {  	_ =	shalt  }
0x53: {  	_ =	shalt  }
0x54: {  	_ =	shalt  }
0x55: {  	_ =	shalt  }
0x56: {  	_ =	shalt  }
0x57: {  	_ =	shalt  }
0x58: {  	_ =	shalt  }
0x59: {  	_ =	shalt  }
0x5a: {  	_ =	shalt  }
0x5b: {  	_ =	shalt  }
0x5c: {  	_ =	shalt  }
0x5d: {  	_ =	shalt  }
0x5e: {  	_ =	shalt  }
0x5f: {  	_ =	shalt  }
0x60: {  	_ =	shalt  }
0x61: {  	_ =	shalt  }
0x62: {  	_ =	shalt  }
0x63: {  	_ =	shalt  }
0x64: {  	_ =	shalt  }
0x65: {  	_ =	shalt  }
0x66: {  	_ =	shalt  }
0x67: {  	_ =	shalt  }
0x68: {  	_ =	shalt  }
0x69: {  	_ =	shalt  }
0x6a: {  	_ =	shalt  }
0x6b: {  	_ =	shalt  }
0x6c: {  	_ =	shalt  }
0x6d: {  	_ =	shalt  }
0x6e: {  	_ =	shalt  }
0x6f: {  	_ =	shalt  }
0x70: {  	_ =	shalt  }
0x71: {  	_ =	shalt  }
0x72: {  	_ =	shalt  }
0x73: {  	_ =	shalt  }
0x74: {  	_ =	shalt  }
0x75: {  	_ =	shalt  }
0x76: {  	_ =	shalt  }
0x77: {  	_ =	shalt  }
0x78: {  	_ =	shalt  }
0x79: {  	_ =	shalt  }
0x7a: {  	_ =	shalt  }
0x7b: {  	_ =	shalt  }
0x7c: {  	_ =	shalt  }
0x7d: {  	_ =	shalt  }
0x7e: {  	_ =	shalt  }
0x7f: {  	_ =	shalt  }
0x80: {  	_ =	shalt  }
0x81: {  	_ =	shalt  }
0x82: {  	_ =	shalt  }
0x83: {  	_ =	shalt  }
0x84: {  	_ =	shalt  }
0x85: {  	_ =	shalt  }
0x86: {  	_ =	shalt  }
0x87: {  	_ =	shalt  }
.Lfunc_end0:
.L_simem_size_0:
called_computation_lowered:
.L_overlay_start_0:
0x88: {  	s2 =	sld [smem:$0x3FD9]  }
0x89: {  	s3 =	sld [smem:$0x3FFE];
	_ =	sdelay $0x1  }
0x8a: {  	s1 =	srdreg.scid  }
0x8b: {  	s0 =	sand.u32 $0x1, s1  }
0x8c: {  	s17 =	sshll.u32 s0, $0xA;
	s2 =	sadd.s32 s3, s2  }
0x8d: {  	s2 =	sadd.s32 s2, s17  }
0x8e: {  	[smem:$0x3FC5] =	sst s2  }
0x8f: {  	_ = 	snop  }
0x90: {  	s2 =	sld [smem:$0x3FC9]  }
0x91: {  	s18 =	sld [smem:$0x3FC8]  }
0x92: {  	s4 =	sld [smem:$0x3FD0];
	(tm) =	ssettm $0x1  }
0x93: {  	s5 =	sld [smem:$0x3FFB];
	_ =	sdelay $0x3  }
0x94: {  	_ =	strace s5  }
0x95: {  	s5 =	sld [smem:$0x3FFC];
	_ =	sdelay $0x3  }
0x96: {  	_ =	strace s5  }
0x97: {  	s5 =	sld [smem:$0x3FFD];
	_ =	sdelay $0x3  }
0x98: {  	_ =	strace s5  }
0x99: {  	_ =	strace $0x8FFFFFFF  }
0x9a: {  	s19 =	sld [smem:$0x3FDB];
	_ =	sdelay $0x1  }
0x9b: {  	s6 =	simm.s32 $_scs_section_size  }
0x9c: {  	s7 =	simm.s32 $_size__tile_overlayer_lowered;
	s8 =	simm.s32 $_tile_overlayer_lowered  }
0x9d: {  	s22 =	simm.s32 $0x1BFF;
	s21 =	sshll.u32 s8, $0x1;
	s5 =	sadd.s32 s6, s19  }
0x9e: {  	s9 =	simm.s32 $0x0;
	s20 =	sshll.u32 s7, $0x1;
	s7 =	sadd.s32 s21, s5  }
0x9f: {  	[timem:s9], [sflag:s22] =	dma.local [hbm:s7], s20  }
0xa0: {  	_ =	swait.ge [sflag:s22], s20  }
0xa1: {  	s6 =	ssub.s32 $0x0, s20;
	[sflag:s22] =	ssyncset.done $0x0  }
0xa2: {  	[sflag:s22] =	ssyncadd.s32 s6;
	_ =	sdelay $0x1  }
0xa3: {  	s23 =	simm.s32 $0x1B8B  }
0xa4: {  	_ =	swait.ge [sflag:s23], $0x1  }
0xa5: {  	[sflag:s23] =	ssyncset.done $0x0  }
0xa6: {  	s25 =	simm.s32 $0x1B8E;
	s24 =	sld [smem:$0x3FFE];
	[sflag:s23] =	ssyncadd.s32 $0xFFFFFFFF  }
0xa7: {  	s26 =	simm.s32 $execute0_lowered;
	[smem:$0x3FD2] =	sst s25  }
0xa8: {  	s7 =	sshll.u32 s26, $0x1;
	_ =	strace $0x80000046;
	[dreg:$0x1] =	wrdreg $0xFFFFFFFF  }
0xa9: {  	s28 =	simm.s32 $_size_execute0_lowered;
	s5 =	sadd.s32 s5, s7;
	[dreg:$0x0] =	wrdreg $0x0  }
0xaa: {  	s7 =	sshll.u32 s28, $0x1;
	[dreg:$0x2] =	wrdreg s5  }
0xab: {  	[dreg:$0x3] =	wrdreg s7  }
0xac: {  	[dreg:$0x4] =	wrdreg $0xC0  }
0xad: {  	_ =	task [dreg:s9], $0x5FFFF  }
0xae: {  	[dreg:$0x1] =	wrdreg $0xFFFFFFFF  }
0xaf: {  	[dreg:$0x0] =	wrdreg $0x60  }
0xb0: {  	[dreg:$0x2] =	wrdreg s24  }
0xb1: {  	[dreg:$0x3] =	wrdreg s18  }
0xb2: {  	[dreg:$0x4] =	wrdreg s2  }
0xb3: {  	[dreg:$0x5] =	wrdreg s4  }
0xb4: {  	[dreg:$0x6] =	wrdreg $0x9  }
0xb5: {  	_ =	task.clear_ibuf [dreg:s9], $0x7FFFF;
	_ =	strace $0x90000046  }
0xb6: {  	s29 =	simm.s32 $0x9;
	_ =	strace $0x80000048  }
0xb7: {  	_ =	swait.ge [sflag:s29], $0x1  }
0xb8: {  	[sflag:s29] =	ssyncadd.s32 $0xFFFFFFFF  }
0xb9: {  	_ =	strace $0x90000048  }
0xba: {  	_ =	sfence  }
0xbb: {  	s30 =	sld [smem:$0x0];
	_ =	sdelay $0x2  }
0xbc: {  	s31 =	sshll.u32 s1, $0xD;
	s1 =	sshrl.u32 s1, $0x2  }
0xbd: {  	s3 =	sand.u32 $0x4000, s31;
	s1 =	sadd.s32 s1, s30  }
0xbe: {  	s0 =	sor.u32 s3, s0;
	s1 =	sshll.u32 s1, $0x11  }
0xbf: {  	s0 =	sor.u32 s1, s0  }
0xc0: {  	s0 =	sadd.s32 $0x8F2B, s0  }
0xc1: {  	[sflag:s0] =	ssyncadd.remote.s32 $0x1  }
0xc2: {  	_ =	sfence.sel $0xFFFF  }
0xc3: {  	[dreg:$0x0] =	wrdreg $0xFFFFFFFF;
	(pc) =	sbr.abs _section_cstart, $3  }
0xc4: {  	[dreg:$0x1] =	wrdreg $0xFFFFFFFF  }
0xc5: {  	_ =	task.clear_ibuf [dreg:s9], $0x2FFFF;
	_ =	strace $0x9FFFFFFF  }
0xc6: {  	(tm) =	ssettm $0x7FFFFFFF  }
0xc7: {  	_ =	shalt  }
tec
execute0_lowered:
.L_overlay_start_1:
0x0: {  	(tag) =	ssettag $0x1  }
0x1: {  	s6 =	rddreg [dreg:$0x0]  }
0x2: {  	s1 =	rddreg [dreg:$0x1]  }
0x3: {  	s2 =	rddreg [dreg:$0x2]  }
0x4: {  	s3 =	rddreg [dreg:$0x3]  }
0x5: {  	s5 =	srdreg.scid;
	s0 =	rddreg [dreg:$0x4];
	s4 =	simm.s32 $0x0  }
0x6: {  	s10 =	simm.s32 $0x80;
	s11 =	simm.s32 $0x400;
	s12 =	simm.s32 $0x8080  }
0x7: {  	s13 =	simm.s32 $0x18080;
	s14 =	simm.s32 $0x0;
	s7 =	sand.u32 $0x1, s5  }
0x8: {  	v0 =	vlaneseq.u32;
	v1 =	vimm.s32 $0x0;
	v3 =	vimm.s32 $0x1;
	[smem:$0x7FF] =	sst s4;
	s5 =	stileid.u32;
	s8 =	ssub.s32 $0x2, s7  }
0x9: {  	v4 =	vmul.u32 $0xFFFFFFFF, v0;
	s6 =	sadd.s32 $0x400, s6;
	v2 =	vor.u32 $0x800, v0;
	v5 =	vor.u32 $0x1000, v0;
	_ =	strace $0x80000047;
	s9 =	sshrl.u32 s8, $0x1  }
0xa: {  	v6 =	vor.u32 $0x2000, v0;
	v7 =	vor.u32 $0x3000, v0;
	v8 =	vor.u32 $0x4000, v0;
	s31 =	sshll.u32 s5, $0xF;
	s7 =	sshll.u32 s7, $0x6;
	s8 =	ssub.s32 s8, s9  }
0xb: {  	v9 =	vor.u32 $0x5000, v0;
	v10 =	vor.u32 $0x6000, v0;
	s7 =	sor.u32 s31, s7;
	v4 =	vadd.s32 $0xF, v4;
	s9 =	simm.s32 $0x1;
	s8 =	smax.u32 s8, $0x1  }
.LBB2_1:
0xc: {  	[tilespmem:s4], [sflag:$0x1] =	stream.linear.gather [hbm4b:s6+s4], $0x80, $0x38;
	[tilespmem:$0x1F080] =	vst v63  }
0xd: {  	_ =	swait.ge [sflag:s9], $0x80  }
0xe: {  	[sflag:s9] =	ssyncset.done $0x0  }
0xf: {  	[sflag:s9] =	ssyncadd.s32 $0xFFFFFF80  }
0x10: {  	[tilespmem:s10], [sflag:$0x1] =	stream.linear.gather [hbm4b:s1+s4], $0x8000, $0x38;
	[tilespmem:$0x1F080] =	vst v63  }
0x11: {  	_ =	swait.ge [sflag:s9], $0x8000  }
0x12: {  	[sflag:s9] =	ssyncset.done $0x0  }
0x13: {  	s16 =	simm.s32 $0x180C0;
	[sflag:s9] =	ssyncadd.s32 $0xFFFF8000  }
0x14: {  	v11 =	vld [tilespmem:$0x0];
	[tilespmem:s16+$0xFFFFFFC0] =	vst v1  }
0x15: {  	[tilespmem:s16+$0x30] =	vst v1  }
0x16: {  	[tilespmem:s16+$0x20] =	vst v1  }
0x17: {  	[tilespmem:s16+$0x10] =	vst v1  }
0x18: {  	[tilespmem:s16+$0x0] =	vst v1  }
0x19: {  	[tilespmem:s16+$0xFFFFFFF0] =	vst v1  }
0x1a: {  	s17 =	simm.s32 $0x0;
	[tilespmem:s16+$0xFFFFFFE0] =	vst v1  }
.LBB2_2:
0x1b: {  	s17 =	sadd.s32 $0x8, s17;
	[tilespmem:s16+$0xFFFFFFD0] =	vst v1;
	s16 =	sadd.s32 $0x80, s16;
	s15 =	simm.s32 $0xC0  }
0x1c: {  	[tilespmem:s16+$0xFFFFFFC0] =	vst v1;
	p0 =	slt.u32 s17, $0x6F8  }
0x1d: {  	[tilespmem:s16+$0x30] =	vst v1  }
.Ltmp0:
0x1e: {  	[tilespmem:s16+$0x20] =	vst v1;
	(pc) =	sbr.rel @p0 .LBB2_2-.Ltmp0, $4  }
0x1f: {  	[tilespmem:s16+$0x10] =	vst v1  }
0x20: {  	[tilespmem:s16+$0x0] =	vst v1  }
0x21: {  	[tilespmem:s16+$0xFFFFFFF0] =	vst v1  }
0x22: {  	[tilespmem:s16+$0xFFFFFFE0] =	vst v1  }
0x23: {  	[tilespmem:s16+$0xFFFFFFD0] =	vst v1  }
0x24: {  	v12 =	vld [tilespmem:s15+$0x30]  }
0x25: {  	v13 =	vld [tilespmem:s15+$0xFFFFFFD0]  }
0x26: {  	v14 =	vld [tilespmem:s15+$0xFFFFFFE0]  }
0x27: {  	v15 =	vld [tilespmem:s15+$0xFFFFFFF0]  }
0x28: {  	v16 =	vld [tilespmem:s15+$0x0]  }
0x29: {  	v17 =	vld [tilespmem:s15+$0x10];
	v12 =	vsub.f32 v11, v12  }
0x2a: {  	v18 =	vld [tilespmem:s15+$0x20];
	v13 =	vsub.f32 v11, v13  }
0x2b: {  	v19 =	vld [tilespmem:s15+$0xFFFFFFC0];
	v14 =	vsub.f32 v11, v14;
	v12 =	vmul.f32 $1.442695020e+00, v12  }
0x2c: {  	s16 =	simm.s32 $0x140;
	v15 =	vsub.f32 v11, v15;
	v13 =	vmul.f32 $1.442695020e+00, v13  }
0x2d: {  	v20 =	vld [tilespmem:s16+$0x30];
	v16 =	vsub.f32 v11, v16;
	v14 =	vmul.f32 $1.442695020e+00, v14;
	(erf) = vpow2.f32 v12  }
0x2e: {  	v21 =	vld [tilespmem:s16+$0xFFFFFFD0];
	v12 =	vmul.f32 $1.442695020e+00, v15;
	v15 =	vsub.f32 v11, v17;
	(erf) = vpow2.f32 v13  }
0x2f: {  	v17 =	vld [tilespmem:s16+$0xFFFFFFE0];
	v13 =	vmul.f32 $1.442695020e+00, v16;
	v16 =	vsub.f32 v11, v18;
	(erf) = vpow2.f32 v14  }
0x30: {  	v22 =	vld [tilespmem:s16+$0xFFFFFFF0];
	v14 =	vsub.f32 v11, v19;
	v18 =	vmul.f32 $1.442695020e+00, v15;
	(erf) = vpow2.f32 v12  }
0x31: {  	v15 =	vld [tilespmem:s16+$0x0];
	v16 =	vmul.f32 $1.442695020e+00, v16;
	(erf) = vpow2.f32 v13  }
0x32: {  	v19 =	vsub.f32 v11, v20;
	v12 =	vld [tilespmem:s16+$0x10];
	v20 =	vmul.f32 $1.442695020e+00, v14;
	(erf) = vpow2.f32 v18  }
0x33: {  	v21 =	vsub.f32 v11, v21;
	v13 =	vld [tilespmem:s16+$0x20];
	(erf) = vpow2.f32 v16  }
0x34: {  	v14 =	vld [tilespmem:s16+$0xFFFFFFC0];
	v18 =	vsub.f32 v11, v17;
	v17 =	vmul.f32 $1.442695020e+00, v19;
	(erf) = vpow2.f32 v20  }
0x35: {  	s17 =	simm.s32 $0x8;
	s18 =	simm.s32 $0x1C0;
	v19 =	vsub.f32 v11, v22;
	v16 =	vmul.f32 $1.442695020e+00, v21  }
.LBB2_4:
0x36: {  	v20 =	vld [tilespmem:s18+$0x30];
	s17 =	sadd.s32 $0x8, s17;
	v18 =	vmul.f32 $1.442695020e+00, v18;
	v23 =	vsub.f32 v11, v15;
	(erf) = vpow2.f32 v17;
	v17 =	vpop (erf)  }
0x37: {  	v21 =	vld [tilespmem:s18+$0xFFFFFFD0];
	p0 =	slt.u32 s17, $0x7F8;
	v19 =	vmul.f32 $1.442695020e+00, v19;
	v24 =	vsub.f32 v11, v12;
	(erf) = vpow2.f32 v16;
	[tilespmem:s15+$0x30] =	vst v17;
	v16 =	vpop (erf)  }
0x38: {  	v17 =	vld [tilespmem:s18+$0xFFFFFFE0];
	v22 =	vmul.f32 $1.442695020e+00, v23;
	v25 =	vsub.f32 v11, v13;
	(erf) = vpow2.f32 v18;
	[tilespmem:s15+$0xFFFFFFD0] =	vst v16;
	v15 =	vpop (erf)  }
0x39: {  	v23 =	vld [tilespmem:s18+$0xFFFFFFF0];
	v26 =	vsub.f32 v11, v14;
	v16 =	vmul.f32 $1.442695020e+00, v24;
	(erf) = vpow2.f32 v19;
	[tilespmem:s15+$0xFFFFFFE0] =	vst v15;
	v12 =	vpop (erf)  }
.Ltmp1:
0x3a: {  	v15 =	vld [tilespmem:s18+$0x0];
	v18 =	vmul.f32 $1.442695020e+00, v25;
	(erf) = vpow2.f32 v22;
	[tilespmem:s15+$0xFFFFFFF0] =	vst v12;
	v13 =	vpop (erf);
	(pc) =	sbr.rel @p0 .LBB2_4-.Ltmp1, $4  }
0x3b: {  	v12 =	vld [tilespmem:s18+$0x10];
	v19 =	vsub.f32 v11, v20;
	v22 =	vmul.f32 $1.442695020e+00, v26;
	(erf) = vpow2.f32 v16;
	[tilespmem:s15+$0x0] =	vst v13;
	v14 =	vpop (erf)  }
0x3c: {  	v16 =	vsub.f32 v11, v21;
	v13 =	vld [tilespmem:s18+$0x20];
	(erf) = vpow2.f32 v18;
	[tilespmem:s15+$0x10] =	vst v14;
	v21 =	vpop (erf)  }
0x3d: {  	v14 =	vld [tilespmem:s18+$0xFFFFFFC0];
	v18 =	vsub.f32 v11, v17;
	v17 =	vmul.f32 $1.442695020e+00, v19;
	(erf) = vpow2.f32 v22;
	[tilespmem:s15+$0x20] =	vst v21;
	v20 =	vpop (erf)  }
0x3e: {  	v16 =	vmul.f32 $1.442695020e+00, v16;
	v19 =	vsub.f32 v11, v23;
	[tilespmem:s15+$0xFFFFFFC0] =	vst v20;
	s15 =	smov.u32 s16;
	s16 =	smov.u32 s18;
	s18 =	sadd.s32 $0x80, s18  }
0x3f: {  	v18 =	vmul.f32 $1.442695020e+00, v18;
	v15 =	vsub.f32 v11, v15  }
0x40: {  	(erf) = vpow2.f32 v17;
	v19 =	vmul.f32 $1.442695020e+00, v19;
	v12 =	vsub.f32 v11, v12  }
0x41: {  	v57 =	vpop (erf);
	(erf) = vpow2.f32 v16;
	v15 =	vmul.f32 $1.442695020e+00, v15;
	v13 =	vsub.f32 v11, v13  }
0x42: {  	[tilespmem:s15+$0x30] =	vst v57;
	v58 =	vpop (erf);
	(erf) = vpow2.f32 v18;
	v11 =	vsub.f32 v11, v14;
	v12 =	vmul.f32 $1.442695020e+00, v12  }
0x43: {  	[tilespmem:s15+$0xFFFFFFD0] =	vst v58;
	v59 =	vpop (erf);
	(erf) = vpow2.f32 v19;
	v13 =	vmul.f32 $1.442695020e+00, v13  }
0x44: {  	[tilespmem:s15+$0xFFFFFFE0] =	vst v59;
	v60 =	vpop (erf);
	(erf) = vpow2.f32 v15;
	v11 =	vmul.f32 $1.442695020e+00, v11  }
0x45: {  	[tilespmem:s15+$0xFFFFFFF0] =	vst v60;
	v61 =	vpop (erf);
	(erf) = vpow2.f32 v12  }
0x46: {  	[tilespmem:s15+$0x0] =	vst v61;
	v62 =	vpop (erf);
	(erf) = vpow2.f32 v13  }
0x47: {  	[tilespmem:s15+$0x10] =	vst v62;
	v63 =	vpop (erf);
	(erf) = vpow2.f32 v11  }
0x48: {  	[tilespmem:s15+$0x20] =	vst v63;
	v11 =	vpop (erf)  }
0x49: {  	[tilespmem:s15+$0xFFFFFFC0] =	vst v11;
	v11 =	vpop (erf)  }
0x4a: {  	[tilespmem:s16+$0x30] =	vst v11;
	v11 =	vpop (erf)  }
0x4b: {  	[tilespmem:s16+$0xFFFFFFD0] =	vst v11;
	v11 =	vpop (erf)  }
0x4c: {  	[tilespmem:s16+$0xFFFFFFE0] =	vst v11;
	v11 =	vpop (erf)  }
0x4d: {  	[tilespmem:s16+$0xFFFFFFF0] =	vst v11;
	v11 =	vpop (erf)  }
0x4e: {  	[tilespmem:s16+$0x0] =	vst v11;
	v11 =	vpop (erf)  }
0x4f: {  	[tilespmem:s16+$0x10] =	vst v11;
	v11 =	vpop (erf)  }
0x50: {  	[tilespmem:s16+$0x20] =	vst v11;
	v11 =	vpop (erf)  }
0x51: {  	s15 =	simm.s32 $0x0;
	[tilespmem:s16+$0xFFFFFFC0] =	vst v11  }
.LBB2_6:
0x52: {  	s16 =	sshll.u32 s15, $0x4  }
0x53: {  	s16 =	sadd.s32 s7, s16  }
0x54: {  	s17 =	sadd.s32 s2, s16  }
0x55: {  	[tilespmem:s12], [sflag:$0x1] =	stream.strided.gather [hbm4b:s17+s10], $0x8000, s11, s10, $0x38;
	[tilespmem:$0x1F080] =	vst v63  }
0x56: {  	_ =	swait.ge [sflag:s9], $0x8000  }
0x57: {  	[sflag:s9] =	ssyncset.done $0x0  }
0x58: {  	s31 =	simm.s32 $0x80B0;
	[sflag:s9] =	ssyncadd.s32 $0xFFFF8000  }
0x59: {  	s21 =	simm.s32 $0xB0;
	v11 =	vld [tilespmem:s31+$0x30]  }
0x5a: {  	v12 =	vld [tilespmem:s21+$0x30]  }
0x5b: {  	v13 =	vld [tilespmem:s31+$0xFFFFFFE0]  }
0x5c: {  	v14 =	vld [tilespmem:s21+$0xFFFFFFE0]  }
0x5d: {  	v15 =	vld [tilespmem:s31+$0xFFFFFFF0]  }
0x5e: {  	v16 =	vld [tilespmem:s21+$0xFFFFFFF0]  }
0x5f: {  	v17 =	vld [tilespmem:s31+$0x0]  }
0x60: {  	v18 =	vld [tilespmem:s31+$0x10];
	v11 =	vmul.f32 v12, v11  }
0x61: {  	v12 =	vld [tilespmem:s21+$0x0]  }
0x62: {  	v19 =	vld [tilespmem:s21+$0x10];
	v11 =	vadd.f32 $0.0e+00, v11  }
0x63: {  	v20 =	vld [tilespmem:s31+$0x20];
	v13 =	vmul.f32 v14, v13  }
0x64: {  	v21 =	vld [tilespmem:s21+$0x20];
	v14 =	vshra.s32 v11, $0x1F  }
0x65: {  	v15 =	vmul.f32 v16, v15;
	v13 =	vadd.f32 $0.0e+00, v13;
	v14 =	vand.u32 $0x7FFFFFFF, v14  }
0x66: {  	v22 =	vld [tilespmem:s21+$0xFFFFFFD0];
	v12 =	vmul.f32 v12, v17;
	v11 =	vxor.u32 v11, v14  }
0x67: {  	v23 =	vadd.f32 $0.0e+00, v15;
	v15 =	vshra.s32 v13, $0x1F;
	v17 =	vld [tilespmem:s31+$0xFFFFFFD0];
	v16 =	vshrl.u32 v11, $0x14  }
0x68: {  	v14 =	vadd.f32 $0.0e+00, v12;
	v12 =	vmul.f32 v19, v18;
	v16 =	vand.u32 $0xFF0, v16  }
0x69: {  	v20 =	vmul.f32 v21, v20;
	v18 =	vand.u32 $0x7FFFFFFF, v15;
	v15 =	vxor.u32 v2, v16  }
0x6a: {  	v19 =	vshra.s32 v23, $0x1F;
	v16 =	vadd.f32 $0.0e+00, v12;
	v15 =	vor.u32 $0x6000, v15  }
0x6b: {  	v12 =	vxor.u32 v13, v18;
	v13 =	vand.u32 $0x7FFFFFFF, v19;
	v19 =	vshra.s32 v14, $0x1F  }
0x6c: {  	v18 =	vmul.f32 v22, v17;
	v17 =	vadd.f32 $0.0e+00, v20;
	v21 =	vshra.s32 v16, $0x1F  }
0x6d: {  	s22 =	simm.s32 $0x100B0;
	s23 =	simm.s32 $0x0;
	s24 =	simm.s32 $0x8120;
	v13 =	vxor.u32 v23, v13;
	v20 =	vand.u32 $0x7FFFFFFF, v19;
	v19 =	vand.u32 $0x7FFFFFFF, v21  }
.LBB2_7:
0x6e: {  	v21 =	vld [tilespmem:s24+$0x30];
	v18 =	vadd.f32 $0.0e+00, v18;
	v14 =	vxor.u32 v14, v20;
	v20 =	vshra.s32 v17, $0x1F;
	[tilespmem:s22+$0x30] =	vst v11;
	s17 =	simm.s32 $0x8040;
	s18 =	simm.s32 $0x18040  }
0x6f: {  	v11 =	vshrl.u32 v12, $0x14;
	v16 =	vxor.u32 v16, v19;
	s21 =	sadd.s32 $0x70, s21;
	s19 =	simm.s32 $0x7FC;
	s20 =	simm.s32 $0x10040;
	v19 =	vand.u32 $0x7FFFFFFF, v20;
	[tilespmem:v15+s13+$0x0] =	vst.idx.add.s32.msk $0xffff, v3  }
0x70: {  	s23 =	sadd.s32 $0x7, s23;
	v15 =	vld [tilespmem:s21+$0x30];
	v20 =	vshra.s32 v18, $0x1F;
	[tilespmem:s22+$0xFFFFFFE0] =	vst v12;
	v12 =	vshrl.u32 v13, $0x14;
	v17 =	vxor.u32 v17, v19  }
0x71: {  	p0 =	slt.u32 s23, $0x7F5;
	v22 =	vshrl.u32 v16, $0x14;
	v19 =	vld [tilespmem:s24+$0xFFFFFFE0];
	v20 =	vand.u32 $0x7FFFFFFF, v20;
	[tilespmem:s22+$0xFFFFFFF0] =	vst v13;
	v13 =	vshrl.u32 v14, $0x14  }
0x72: {  	v11 =	vand.u32 $0xFF0, v11;
	v23 =	vld [tilespmem:s21+$0xFFFFFFE0];
	v18 =	vxor.u32 v18, v20;
	[tilespmem:s22+$0x0] =	vst v14;
	v14 =	vshrl.u32 v17, $0x14  }
0x73: {  	v22 =	vand.u32 $0xFF0, v22;
	v12 =	vand.u32 $0xFF0, v12;
	v13 =	vand.u32 $0xFF0, v13;
	v20 =	vld [tilespmem:s24+$0xFFFFFFF0];
	[tilespmem:s22+$0xFFFFFFD0] =	vst v18  }
0x74: {  	v11 =	vxor.u32 v2, v11;
	v18 =	vshrl.u32 v18, $0x14;
	v14 =	vand.u32 $0xFF0, v14;
	v24 =	vld [tilespmem:s21+$0xFFFFFFF0];
	[tilespmem:s22+$0x10] =	vst v16  }
0x75: {  	v12 =	vxor.u32 v2, v12;
	v13 =	vxor.u32 v2, v13;
	v16 =	vld [tilespmem:s24+$0x0];
	v15 =	vmul.f32 v15, v21;
	[tilespmem:s22+$0x20] =	vst v17  }
0x76: {  	v18 =	vand.u32 $0xFF0, v18;
	v14 =	vxor.u32 v2, v14;
	v21 =	vxor.u32 v2, v22;
	v17 =	vld [tilespmem:s21+$0x0]  }
0x77: {  	v19 =	vmul.f32 v23, v19;
	v22 =	vld [tilespmem:s24+$0x10];
	v15 =	vadd.f32 $0.0e+00, v15;
	v23 =	vor.u32 $0x1000, v11  }
0x78: {  	v26 =	vor.u32 $0x2000, v12;
	v12 =	vor.u32 $0x3000, v13;
	v13 =	vor.u32 $0x4000, v21;
	v25 =	vld [tilespmem:s21+$0x10]  }
0x79: {  	v19 =	vadd.f32 $0.0e+00, v19;
	v11 =	vmul.f32 v24, v20;
	v20 =	vld [tilespmem:s24+$0x20];
	v21 =	vshra.s32 v15, $0x1F  }
0x7a: {  	v18 =	vxor.u32 v2, v18;
	v27 =	vor.u32 $0x5000, v14;
	v24 =	vld [tilespmem:s21+$0x20];
	v21 =	vand.u32 $0x7FFFFFFF, v21  }
0x7b: {  	v28 =	vld [tilespmem:s21+$0xFFFFFFD0];
	v29 =	vadd.f32 $0.0e+00, v11;
	v14 =	vmul.f32 v17, v16;
	v11 =	vxor.u32 v15, v21  }
0x7c: {  	v15 =	vshra.s32 v19, $0x1F;
	v17 =	vld [tilespmem:s24+$0xFFFFFFD0];
	v16 =	vshrl.u32 v11, $0x14  }
0x7d: {  	v14 =	vadd.f32 $0.0e+00, v14;
	v21 =	vmul.f32 v25, v22;
	v16 =	vand.u32 $0xFF0, v16;
	[tilespmem:v23+s13+$0x0] =	vst.idx.add.s32.msk $0xffff, v3  }
.Ltmp2:
0x7e: {  	v22 =	vand.u32 $0x7FFFFFFF, v15;
	v23 =	vshra.s32 v29, $0x1F;
	v15 =	vxor.u32 v2, v16;
	[tilespmem:v12+s13+$0x0] =	vst.idx.add.s32.msk $0xffff, v3;
	(pc) =	sbr.rel @p0 .LBB2_7-.Ltmp2, $4  }
0x7f: {  	v16 =	vadd.f32 $0.0e+00, v21;
	v20 =	vmul.f32 v24, v20;
	v15 =	vor.u32 $0x6000, v15;
	[tilespmem:v13+s13+$0x0] =	vst.idx.add.s32.msk $0xffff, v3  }
0x80: {  	v12 =	vxor.u32 v19, v22;
	v13 =	vand.u32 $0x7FFFFFFF, v23;
	v19 =	vshra.s32 v14, $0x1F;
	[tilespmem:v18+s13+$0x0] =	vst.idx.add.s32.msk $0xffff, v3  }
0x81: {  	v18 =	vmul.f32 v28, v17;
	v21 =	vshra.s32 v16, $0x1F;
	v17 =	vadd.f32 $0.0e+00, v20;
	[tilespmem:v26+s13+$0x0] =	vst.idx.add.s32.msk $0xffff, v3  }
0x82: {  	s22 =	sadd.s32 $0x70, s22;
	s24 =	sadd.s32 $0x70, s24;
	v13 =	vxor.u32 v29, v13;
	v20 =	vand.u32 $0x7FFFFFFF, v19;
	v19 =	vand.u32 $0x7FFFFFFF, v21;
	[tilespmem:v27+s13+$0x0] =	vst.idx.add.s32.msk $0xffff, v3  }
0x83: {  	v18 =	vadd.f32 $0.0e+00, v18;
	v14 =	vxor.u32 v14, v20  }
0x84: {  	v50 =	vshra.s32 v17, $0x1F;
	v21 =	vshrl.u32 v12, $0x14;
	v16 =	vxor.u32 v16, v19  }
0x85: {  	v22 =	vshrl.u32 v13, $0x14;
	v51 =	vand.u32 $0x7FFFFFFF, v50;
	v54 =	vshrl.u32 v14, $0x14  }
0x86: {  	[tilespmem:s22+$0x30] =	vst v11;
	v56 =	vshrl.u32 v16, $0x14;
	v57 =	vand.u32 $0xFF0, v21;
	v62 =	vand.u32 $0xFF0, v22  }
0x87: {  	[tilespmem:s22+$0xFFFFFFE0] =	vst v12;
	v52 =	vshra.s32 v18, $0x1F;
	v11 =	vxor.u32 v17, v51;
	v19 =	vand.u32 $0xFF0, v54  }
0x88: {  	[tilespmem:v15+s13+$0x0] =	vst.idx.add.s32.msk $0xffff, v3;
	v59 =	vand.u32 $0xFF0, v56;
	v15 =	vxor.u32 v2, v62;
	v53 =	vand.u32 $0x7FFFFFFF, v52  }
0x89: {  	[tilespmem:s22+$0xFFFFFFF0] =	vst v13;
	v58 =	vshrl.u32 v11, $0x14;
	v60 =	vxor.u32 v2, v19;
	v63 =	vor.u32 $0x2000, v15  }
0x8a: {  	[tilespmem:s22+$0x0] =	vst v14;
	v13 =	vxor.u32 v2, v59;
	v55 =	vxor.u32 v18, v53;
	v17 =	vor.u32 $0x3000, v60  }
0x8b: {  	[tilespmem:s22+$0x10] =	vst v16;
	v18 =	vxor.u32 v2, v57;
	v13 =	vor.u32 $0x4000, v13;
	v12 =	vand.u32 $0xFF0, v58  }
0x8c: {  	[tilespmem:s22+$0x20] =	vst v11;
	v18 =	vor.u32 $0x1000, v18;
	v61 =	vshrl.u32 v55, $0x14;
	v11 =	vxor.u32 v2, v12  }
0x8d: {  	[tilespmem:s22+$0xFFFFFFD0] =	vst v55;
	v14 =	vand.u32 $0xFF0, v61;
	v11 =	vor.u32 $0x5000, v11  }
0x8e: {  	v14 =	vxor.u32 v2, v14;
	[tilespmem:v63+s13+$0x0] =	vst.idx.add.s32.msk $0xffff, v3  }
0x8f: {  	[tilespmem:v17+s13+$0x0] =	vst.idx.add.s32.msk $0xffff, v3  }
0x90: {  	[tilespmem:v13+s13+$0x0] =	vst.idx.add.s32.msk $0xffff, v3  }
0x91: {  	[tilespmem:v18+s13+$0x0] =	vst.idx.add.s32.msk $0xffff, v3  }
0x92: {  	[tilespmem:v11+s13+$0x0] =	vst.idx.add.s32.msk $0xffff, v3  }
0x93: {  	[tilespmem:v14+s13+$0x0] =	vst.idx.add.s32.msk $0xffff, v3  }
.LBB2_9:
0x94: {  	v11 =	vld [tilespmem:s20+$0x0]  }
0x95: {  	v12 =	vld [tilespmem:s17+$0x0];
	_ =	sdelay $0x1  }
0x96: {  	s21 =	smul.u32 $0x2493, s19;
	_ =	sdelay $0x1  }
0x97: {  	s21 =	sshrl.u32 s21, $0x10  }
0x98: {  	s22 =	ssub.s32 s19, s21;
	v11 =	vmul.f32 v12, v11  }
0x99: {  	s22 =	sand.u32 $0xFFFE, s22  }
0x9a: {  	s22 =	sshrl.u32 s22, $0x1;
	v11 =	vadd.f32 $0.0e+00, v11  }
0x9b: {  	s21 =	sadd.s32 s21, s22  }
0x9c: {  	s21 =	sshrl.u32 s21, $0x2;
	v63 =	vshra.s32 v11, $0x1F  }
0x9d: {  	s21 =	smul.u32 $0x7, s21;
	v12 =	vand.u32 $0x7FFFFFFF, v63  }
0x9e: {  	v11 =	vxor.u32 v11, v12  }
0x9f: {  	s21 =	ssub.s32 s19, s21;
	v12 =	vshrl.u32 v11, $0x14  }
0xa0: {  	s21 =	sshll.u32 s21, $0xC;
	v12 =	vand.u32 $0xFF0, v12  }
0xa1: {  	s21 =	sand.u32 $0xF000, s21;
	v12 =	vxor.u32 v2, v12  }
0xa2: {  	p0 =	sne.s32 s19, $0x7FF;
	v12 =	vor.u32 s21, v12  }
.Ltmp3:
0xa3: {  	_ = 	snop;
	(pc) =	sbr.rel @p0 .LBB2_9-.Ltmp3, $3  }
0xa4: {  	_ =	sdelay $0x1  }
0xa5: {  	s20 =	sadd.s32 $0x10, s20;
	[tilespmem:s18+$0x0] =	vst v11;
	s21 =	simm.s32 $0x18080  }
0xa6: {  	s17 =	sadd.s32 $0x10, s17;
	s19 =	sadd.s32 $0x1, s19;
	s18 =	sadd.s32 $0x10, s18;
	[tilespmem:v12+s21+$0x0] =	vst.idx.add.s32.msk $0xffff, v3  }
0xa7: {  	v12 =	vld [tilespmem:s21+$0x6000]  }
0xa8: {  	[tilespmem:s21+$0x6000] =	vst v1;
	v21 =	vld [tilespmem:s21+$0x6010]  }
0xa9: {  	[tilespmem:s21+$0x6010] =	vst v1;
	v11 =	vld [tilespmem:s21+$0x6020]  }
0xaa: {  	[tilespmem:s21+$0x6020] =	vst v1;
	v14 =	vld [tilespmem:s21+$0x6030]  }
0xab: {  	[tilespmem:s21+$0x6030] =	vst v1;
	v15 =	vld [tilespmem:s21+$0x6040]  }
0xac: {  	[tilespmem:s21+$0x6040] =	vst v1;
	v16 =	vld [tilespmem:s21+$0x6050]  }
0xad: {  	[tilespmem:s21+$0x6050] =	vst v1;
	v17 =	vld [tilespmem:s21+$0x6060]  }
0xae: {  	[tilespmem:s21+$0x6060] =	vst v1;
	v22 =	vld [tilespmem:s21+$0x5000]  }
0xaf: {  	[tilespmem:s21+$0x5000] =	vst v1;
	v23 =	vld [tilespmem:s21+$0x5010]  }
0xb0: {  	[tilespmem:s21+$0x5010] =	vst v1;
	v24 =	vld [tilespmem:s21+$0x5020]  }
0xb1: {  	[tilespmem:s21+$0x5020] =	vst v1;
	v13 =	vld [tilespmem:s21+$0x5030]  }
0xb2: {  	[tilespmem:s21+$0x5030] =	vst v1;
	v20 =	vld [tilespmem:s21+$0x5040]  }
0xb3: {  	[tilespmem:s21+$0x5040] =	vst v1;
	v19 =	vld [tilespmem:s21+$0x5050]  }
0xb4: {  	[tilespmem:s21+$0x5050] =	vst v1;
	v18 =	vld [tilespmem:s21+$0x5060]  }
0xb5: {  	[tilespmem:s21+$0x5060] =	vst v1;
	v25 =	vld [tilespmem:s21+$0x4000]  }
0xb6: {  	[tilespmem:s21+$0x4000] =	vst v1;
	v26 =	vld [tilespmem:s21+$0x4010]  }
0xb7: {  	[tilespmem:s21+$0x4010] =	vst v1;
	v27 =	vld [tilespmem:s21+$0x3000]  }
0xb8: {  	[tilespmem:s21+$0x3000] =	vst v1;
	v28 =	vld [tilespmem:s21+$0x3010]  }
0xb9: {  	[tilespmem:s21+$0x3010] =	vst v1;
	v29 =	vld [tilespmem:s21+$0x3020]  }
0xba: {  	[tilespmem:s21+$0x3020] =	vst v1;
	v30 =	vld [tilespmem:s21+$0x3030]  }
0xbb: {  	[tilespmem:s21+$0x3030] =	vst v1;
	v31 =	vld [tilespmem:s21+$0x3040]  }
0xbc: {  	[tilespmem:s21+$0x3040] =	vst v1;
	v32 =	vld [tilespmem:s21+$0x2000]  }
0xbd: {  	[tilespmem:s21+$0x2000] =	vst v1;
	v33 =	vld [tilespmem:s21+$0x2010]  }
0xbe: {  	[tilespmem:s21+$0x2010] =	vst v1;
	v34 =	vld [tilespmem:s21+$0x2020]  }
0xbf: {  	[tilespmem:s21+$0x2020] =	vst v1;
	v35 =	vld [tilespmem:s21+$0x2030]  }
0xc0: {  	[tilespmem:s21+$0x2030] =	vst v1;
	v36 =	vld [tilespmem:s21+$0x2040]  }
0xc1: {  	[tilespmem:s21+$0x2040] =	vst v1;
	v37 =	vld [tilespmem:s21+$0x0]  }
0xc2: {  	[tilespmem:s21+$0x0] =	vst v1;
	v38 =	vld [tilespmem:s21+$0x1000]  }
0xc3: {  	[tilespmem:s21+$0x1000] =	vst v1;
	v39 =	vld [tilespmem:s21+$0x10]  }
0xc4: {  	[tilespmem:s21+$0x10] =	vst v1;
	v40 =	vld [tilespmem:s21+$0x1010]  }
0xc5: {  	[tilespmem:s21+$0x1010] =	vst v1;
	v41 =	vld [tilespmem:s21+$0x20]  }
0xc6: {  	[tilespmem:s21+$0x20] =	vst v1;
	v42 =	vld [tilespmem:s21+$0x1020]  }
0xc7: {  	[tilespmem:s21+$0x1020] =	vst v1;
	v43 =	vld [tilespmem:s21+$0x30]  }
0xc8: {  	[tilespmem:s21+$0x30] =	vst v1;
	v44 =	vld [tilespmem:s21+$0x1030]  }
0xc9: {  	[tilespmem:s21+$0x1030] =	vst v1;
	v45 =	vld [tilespmem:s21+$0x40]  }
0xca: {  	[tilespmem:s21+$0x40] =	vst v1;
	v46 =	vld [tilespmem:s21+$0x1040]  }
0xcb: {  	[tilespmem:s21+$0x1040] =	vst v1;
	v47 =	vld [tilespmem:s21+$0x50]  }
0xcc: {  	[tilespmem:s21+$0x50] =	vst v1;
	v48 =	vld [tilespmem:s21+$0x1050]  }
0xcd: {  	[tilespmem:s21+$0x1050] =	vst v1;
	v49 =	vld [tilespmem:s21+$0x60]  }
0xce: {  	[tilespmem:s21+$0x60] =	vst v1;
	v50 =	vld [tilespmem:s21+$0x1060]  }
0xcf: {  	[tilespmem:s21+$0x1060] =	vst v1;
	v51 =	vld [tilespmem:s21+$0x70]  }
0xd0: {  	[tilespmem:s21+$0x70] =	vst v1;
	v52 =	vld [tilespmem:s21+$0x1070]  }
0xd1: {  	[tilespmem:s21+$0x1070] =	vst v1;
	v53 =	vld [tilespmem:s21+$0x2050];
	v37 =	vadd.s32 v37, v38  }
0xd2: {  	[tilespmem:s21+$0x2050] =	vst v1;
	v54 =	vld [tilespmem:s21+$0x2060];
	v32 =	vadd.s32 v32, v37  }
0xd3: {  	[tilespmem:s21+$0x2060] =	vst v1;
	v55 =	vld [tilespmem:s21+$0x3050];
	v27 =	vadd.s32 v27, v32  }
0xd4: {  	[tilespmem:s21+$0x3050] =	vst v1;
	v59 =	vld [tilespmem:s21+$0x4020];
	v63 =	vadd.s32 v39, v40;
	v25 =	vadd.s32 v25, v27  }
0xd5: {  	v57 =	vld [tilespmem:s21+$0x3070];
	[tilespmem:s21+$0x3070] =	vst v1;
	v33 =	vadd.s32 v33, v63;
	v22 =	vadd.s32 v22, v25  }
0xd6: {  	[tilespmem:s21+$0x4020] =	vst v1;
	v61 =	vld [tilespmem:s21+$0x4030];
	v39 =	vadd.s32 v41, v42;
	v28 =	vadd.s32 v28, v33;
	v12 =	vadd.s32 v12, v22  }
0xd7: {  	[tilespmem:s21+$0x4030] =	vst v1;
	v38 =	vld [tilespmem:s21+$0x2070];
	v26 =	vadd.s32 v26, v28;
	(xrf0) =	vadd.scan.msk.s32 $0xffff, v12;
	v12 =	vadd.s32 v34, v39  }
0xd8: {  	[tilespmem:s21+$0x2070] =	vst v1;
	v40 =	vld [tilespmem:s21+$0x3060];
	v56 =	vadd.s32 v45, v46;
	v23 =	vadd.s32 v23, v26;
	v12 =	vadd.s32 v29, v12  }
0xd9: {  	[tilespmem:s21+$0x3060] =	vst v1;
	v58 =	vadd.s32 v47, v48;
	v46 =	vld [tilespmem:s21+$0x4050];
	v21 =	vadd.s32 v21, v23;
	v12 =	vadd.s32 v59, v12  }
0xda: {  	v60 =	vadd.s32 v49, v50;
	[tilespmem:s21+$0x4050] =	vst v1;
	v63 =	vld [tilespmem:s21+$0x4040];
	(xrf0) =	vadd.scan.msk.s32 $0xffff, v21;
	v12 =	vadd.s32 v24, v12  }
0xdb: {  	v62 =	vadd.s32 v51, v52;
	v48 =	vld [tilespmem:s21+$0x4060];
	[tilespmem:s21+$0x4060] =	vst v1;
	v32 =	vadd.s32 v43, v44;
	v11 =	vadd.s32 v11, v12  }
0xdc: {  	v50 =	vld [tilespmem:s21+$0x4070];
	[tilespmem:s21+$0x4070] =	vst v1;
	v47 =	vadd.s32 v36, v56;
	v45 =	vadd.s32 v35, v32;
	(xrf0) =	vadd.scan.msk.s32 $0xffff, v11  }
0xdd: {  	v52 =	vld [tilespmem:s21+$0x5070];
	[tilespmem:s21+$0x5070] =	vst v1;
	v49 =	vadd.s32 v53, v58;
	v51 =	vadd.s32 v54, v60;
	v53 =	vadd.s32 v30, v45  }
0xde: {  	[tilespmem:s21+$0x4040] =	vst v1;
	v26 =	vadd.s32 v31, v47;
	v22 =	vadd.s32 v38, v62;
	v23 =	vadd.s32 v55, v49;
	v56, _, _ =	vpop (xrf0)  }
0xdf: {  	s18 =	simm.s32 $0x18100;
	v54 =	vld [tilespmem:s21+$0x6070];
	[tilespmem:s21+$0x6070] =	vst v1;
	v25 =	vadd.s32 v61, v53;
	v26 =	vadd.s32 v63, v26;
	(v2sf) =	vpush v56, $0xF  }
0xe0: {  	v22 =	vadd.s32 v57, v22;
	v25 =	vadd.s32 v13, v25;
	v13 =	vld [tilespmem:s18+$0x6020];
	v23 =	vadd.s32 v46, v23;
	[tilespmem:s18+$0x6020] =	vst v1;
	v57, _, _ =	vpop (xrf0)  }
0xe1: {  	v21 =	vadd.s32 v40, v51;
	v25 =	vadd.s32 v14, v25;
	v14 =	vld [tilespmem:s18+$0x6030];
	[tilespmem:s18+$0x6030] =	vst v1;
	(v2sf) =	vpush v57, $0xF  }
0xe2: {  	v20 =	vadd.s32 v20, v26;
	v19 =	vadd.s32 v19, v23;
	v23 =	vld [tilespmem:s18+$0x5010];
	[tilespmem:s18+$0x5010] =	vst v1;
	(xrf0) =	vadd.scan.msk.s32 $0xffff, v25;
	v27, _, _ =	vpop (xrf0)  }
0xe3: {  	v58 =	vadd.s32 v50, v22;
	v22 =	vld [tilespmem:s18+$0x5020];
	[tilespmem:s18+$0x5020] =	vst v1;
	v20 =	vadd.s32 v15, v20;
	(v2sf) =	vpush v27, $0xF  }
0xe4: {  	v26 =	vld [tilespmem:s18+$0x4000];
	[tilespmem:s18+$0x4000] =	vst v1;
	v21 =	vadd.s32 v48, v21;
	v19 =	vadd.s32 v16, v19;
	(xrf0) =	vadd.scan.msk.s32 $0xffff, v20  }
0xe5: {  	v15 =	vld [tilespmem:s18+$0x6040];
	[tilespmem:s18+$0x6040] =	vst v1;
	v18 =	vadd.s32 v18, v21;
	(xrf0) =	vadd.scan.msk.s32 $0xffff, v19  }
0xe6: {  	v16 =	vld [tilespmem:s18+$0x6050];
	[tilespmem:s18+$0x6050] =	vst v1;
	v59 =	vadd.s32 v52, v58;
	v18 =	vadd.s32 v17, v18  }
0xe7: {  	v24 =	vld [tilespmem:s18+$0x5000];
	v60 =	vadd.s32 v54, v59;
	[tilespmem:s18+$0x5000] =	vst v1;
	(xrf0) =	vadd.scan.msk.s32 $0xffff, v18  }
0xe8: {  	v21 =	vld [tilespmem:s18+$0x5030];
	[tilespmem:s18+$0x5030] =	vst v1;
	(xrf0) =	vadd.scan.msk.s32 $0xffff, v60;
	v28, _, _ =	vpop (xrf0)  }
0xe9: {  	v12 =	vld [tilespmem:s18+$0x6010];
	[tilespmem:s18+$0x6010] =	vst v1;
	(v2sf) =	vpush v28, $0xF  }
0xea: {  	v17 =	vld [tilespmem:s18+$0x6060];
	[tilespmem:s18+$0x6060] =	vst v1;
	v61, _, _ =	vpop (xrf0)  }
0xeb: {  	v11 =	vld [tilespmem:s18+$0x6000];
	[tilespmem:s18+$0x6000] =	vst v1;
	v62, _, _ =	vpop (xrf0);
	(v2sf) =	vpush v61, $0xF  }
0xec: {  	v25 =	vld [tilespmem:s18+$0x4010];
	[tilespmem:s18+$0x4010] =	vst v1;
	(v2sf) =	vpush v62, $0xF  }
0xed: {  	v20 =	vld [tilespmem:s18+$0x5060];
	[tilespmem:s18+$0x5060] =	vst v1;
	v63, _, _ =	vpop (xrf0)  }
0xee: {  	v19 =	vld [tilespmem:s18+$0x5050];
	[tilespmem:s18+$0x5050] =	vst v1;
	v34, _, _ =	vpop (xrf0);
	(v2sf) =	vpush v63, $0xF;
	s17 =	spop (v2sf)  }
0xef: {  	v18 =	vld [tilespmem:s18+$0x5040];
	[tilespmem:s18+$0x5040] =	vst v1;
	(v2sf) =	vpush v34, $0xF;
	[smem:$0x0] =	sst s17  }
0xf0: {  	s17 =	spop (v2sf)  }
0xf1: {  	v35 =	vld [tilespmem:s18+$0x3000];
	[tilespmem:s18+$0x3000] =	vst v1;
	[smem:$0x1] =	sst s17  }
0xf2: {  	s17 =	spop (v2sf)  }
0xf3: {  	v36 =	vld [tilespmem:s18+$0x3010];
	[tilespmem:s18+$0x3010] =	vst v1;
	[smem:$0x2] =	sst s17  }
0xf4: {  	v37 =	vld [tilespmem:s18+$0x3020];
	[tilespmem:s18+$0x3020] =	vst v1  }
0xf5: {  	v38 =	vld [tilespmem:s18+$0x3030];
	[tilespmem:s18+$0x3030] =	vst v1  }
0xf6: {  	v39 =	vld [tilespmem:s18+$0x3040];
	[tilespmem:s18+$0x3040] =	vst v1  }
0xf7: {  	v40 =	vld [tilespmem:s18+$0x2000];
	[tilespmem:s18+$0x2000] =	vst v1  }
0xf8: {  	v41 =	vld [tilespmem:s18+$0x2010];
	[tilespmem:s18+$0x2010] =	vst v1;
	s17 =	spop (v2sf)  }
0xf9: {  	v42 =	vld [tilespmem:s18+$0x2020];
	[tilespmem:s18+$0x2020] =	vst v1;
	[smem:$0x3] =	sst s17  }
0xfa: {  	s17 =	simm.s32 $0x4;
	s19 =	spop (v2sf)  }
0xfb: {  	v43 =	vld [tilespmem:s18+$0x2030];
	[tilespmem:s18+$0x2030] =	vst v1;
	[smem:s17] =	sst s19;
	s29 =	spop (v2sf)  }
0xfc: {  	v44 =	vld [tilespmem:s18+$0x2040];
	[tilespmem:s18+$0x2040] =	vst v1;
	[smem:$0x5] =	sst s29  }
0xfd: {  	s19 =	spop (v2sf)  }
0xfe: {  	v45 =	vld [tilespmem:s18+$0x0];
	[tilespmem:s18+$0x0] =	vst v1;
	[smem:$0x6] =	sst s19  }
0xff: {  	s19 =	spop (v2sf)  }
0x100: {  	v46 =	vld [tilespmem:s18+$0x1000];
	[tilespmem:s18+$0x1000] =	vst v1;
	[smem:$0x7] =	sst s19  }
0x101: {  	v47 =	vld [tilespmem:s18+$0x10]  }
0x102: {  	v48 =	vld [tilespmem:s18+$0x1010]  }
0x103: {  	v49 =	vld [tilespmem:s18+$0x20]  }
0x104: {  	[tilespmem:s18+$0x10] =	vst v1;
	v50 =	vld [tilespmem:s18+$0x1020]  }
0x105: {  	[tilespmem:s18+$0x1010] =	vst v1;
	v51 =	vld [tilespmem:s18+$0x30]  }
0x106: {  	[tilespmem:s18+$0x20] =	vst v1;
	v52 =	vld [tilespmem:s18+$0x1030]  }
0x107: {  	s30 =	simm.s32 $0x0;
	[tilespmem:s18+$0x1020] =	vst v1;
	v53 =	vld [tilespmem:s18+$0x40]  }
0x108: {  	v30 =	vbroadcast v56, $0xF;
	v60 =	vmov s30;
	[tilespmem:s18+$0x30] =	vst v1;
	v55 =	vld [tilespmem:s18+$0x1040]  }
0x109: {  	v31 =	vbroadcast v57, $0xF;
	vm0 =	veq.s32 v60, v0;
	[tilespmem:s18+$0x1030] =	vst v1;
	v54 =	vld [tilespmem:s18+$0x50]  }
0x10a: {  	v56 =	vimm.s32 $0x0;
	v30 =	vnsel vm0, $0x0, v30;
	v27 =	vbroadcast v27, $0xF;
	[tilespmem:s18+$0x40] =	vst v1;
	v57 =	vld [tilespmem:s18+$0x1050]  }
0x10b: {  	v31 =	vnsel vm0, $0x0, v31;
	v30 =	vadd.s32 v56, v30;
	v28 =	vbroadcast v28, $0xF;
	[tilespmem:s18+$0x1040] =	vst v1;
	v56 =	vld [tilespmem:s18+$0x60]  }
0x10c: {  	v30 =	vadd.s32 v31, v30;
	v27 =	vnsel vm0, $0x0, v27;
	v29 =	vbroadcast v61, $0xF;
	[tilespmem:s18+$0x50] =	vst v1;
	v31 =	vld [tilespmem:s18+$0x1060]  }
0x10d: {  	v27 =	vadd.s32 v27, v30;
	v28 =	vnsel vm0, $0x0, v28;
	v61 =	vbroadcast v62, $0xF;
	[tilespmem:s18+$0x1050] =	vst v1;
	v32 =	vld [tilespmem:s18+$0x70]  }
0x10e: {  	v27 =	vadd.s32 v28, v27;
	v62 =	vnsel vm0, $0x0, v29;
	v63 =	vbroadcast v63, $0xF;
	[tilespmem:s18+$0x60] =	vst v1;
	v33 =	vld [tilespmem:s18+$0x1070]  }
0x10f: {  	v27 =	vadd.s32 v62, v27;
	v58 =	vnsel vm0, $0x0, v61;
	v34 =	vbroadcast v34, $0xF;
	[tilespmem:s18+$0x1060] =	vst v1;
	v30 =	vld [tilespmem:s18+$0x2050]  }
0x110: {  	v27 =	vadd.s32 v58, v27;
	v59 =	vnsel vm0, $0x0, v63;
	[tilespmem:s18+$0x70] =	vst v1;
	v29 =	vld [tilespmem:s18+$0x2060];
	v60 =	vadd.s32 v45, v46  }
0x111: {  	v27 =	vadd.s32 v59, v27;
	[tilespmem:s18+$0x1070] =	vst v1;
	v59 =	vld [tilespmem:s18+$0x3060];
	v28 =	vadd.s32 v40, v60;
	v61 =	vadd.s32 v47, v48  }
0x112: {  	[tilespmem:s18+$0x2050] =	vst v1;
	v45 =	vld [tilespmem:s18+$0x2070];
	v62 =	vadd.s32 v49, v50;
	v63 =	vadd.s32 v51, v52;
	v50 =	vadd.s32 v53, v55  }
0x113: {  	[tilespmem:s18+$0x2060] =	vst v1;
	v60 =	vld [tilespmem:s18+$0x3070];
	v58 =	vadd.s32 v54, v57;
	v31 =	vadd.s32 v56, v31;
	v32 =	vadd.s32 v32, v33  }
0x114: {  	[tilespmem:s18+$0x3060] =	vst v1;
	v48 =	vld [tilespmem:s18+$0x3050];
	v28 =	vadd.s32 v35, v28;
	v61 =	vadd.s32 v41, v61;
	v62 =	vadd.s32 v42, v62  }
0x115: {  	[tilespmem:s18+$0x2070] =	vst v1;
	v49 =	vld [tilespmem:s18+$0x4020];
	v63 =	vadd.s32 v43, v63;
	v44 =	vadd.s32 v44, v50;
	v30 =	vadd.s32 v30, v58  }
0x116: {  	[tilespmem:s18+$0x3070] =	vst v1;
	v29 =	vadd.s32 v29, v31;
	v50 =	vld [tilespmem:s18+$0x4030];
	v26 =	vadd.s32 v26, v28;
	v51 =	vadd.s32 v36, v61  }
0x117: {  	[tilespmem:s18+$0x3050] =	vst v1;
	v53 =	vld [tilespmem:s18+$0x4040];
	v37 =	vadd.s32 v37, v62;
	v38 =	vadd.s32 v38, v63;
	v39 =	vadd.s32 v39, v44  }
0x118: {  	[tilespmem:s18+$0x4020] =	vst v1;
	v54 =	vld [tilespmem:s18+$0x4050];
	v29 =	vadd.s32 v59, v29;
	v24 =	vadd.s32 v24, v26;
	v32 =	vadd.s32 v45, v32  }
0x119: {  	[tilespmem:s18+$0x4040] =	vst v1;
	v56 =	vld [tilespmem:s18+$0x4060];
	v25 =	vadd.s32 v25, v51;
	v11 =	vadd.s32 v11, v24;
	v57 =	vadd.s32 v60, v32  }
0x11a: {  	[tilespmem:s18+$0x4050] =	vst v1;
	v23 =	vadd.s32 v23, v25;
	v55 =	vadd.s32 v48, v30;
	v59 =	vadd.s32 v49, v37  }
0x11b: {  	[tilespmem:s18+$0x4060] =	vst v1;
	v58 =	vld [tilespmem:s18+$0x4070];
	v12 =	vadd.s32 v12, v23;
	v22 =	vadd.s32 v22, v59;
	v60 =	vadd.s32 v50, v38  }
0x11c: {  	v61 =	vld [tilespmem:s18+$0x5070];
	(xrf0) =	vadd.scan.msk.s32 $0xffff, v11;
	v62 =	vadd.s32 v53, v39;
	v11 =	vadd.s32 v13, v22;
	v13 =	vadd.s32 v21, v60  }
0x11d: {  	v63 =	vld [tilespmem:s18+$0x6070];
	(xrf0) =	vadd.scan.msk.s32 $0xffff, v12;
	v12 =	vadd.s32 v14, v13;
	v13 =	vadd.s32 v18, v62;
	v14 =	vadd.s32 v54, v55  }
0x11e: {  	(xrf0) =	vadd.scan.msk.s32 $0xffff, v11;
	v11 =	vadd.s32 v15, v13;
	v13 =	vadd.s32 v19, v14;
	v14 =	vadd.s32 v56, v29  }
0x11f: {  	[tilespmem:s18+$0x4030] =	vst v1;
	(xrf0) =	vadd.scan.msk.s32 $0xffff, v12;
	v12 =	vadd.s32 v16, v13;
	v13 =	vadd.s32 v20, v14  }
0x120: {  	[tilespmem:s18+$0x4070] =	vst v1;
	v14 =	vadd.s32 v58, v57;
	(xrf0) =	vadd.scan.msk.s32 $0xffff, v11;
	v13 =	vadd.s32 v17, v13  }
0x121: {  	s31 =	simm.s32 $0x0;
	v34 =	vnsel vm0, $0x0, v34;
	[tilespmem:s18+$0x5070] =	vst v1;
	v14 =	vadd.s32 v61, v14;
	(xrf0) =	vadd.scan.msk.s32 $0xffff, v12  }
0x122: {  	[tilespmem:s18+$0x6070] =	vst v1;
	v15 =	vmov s31;
	v16, _, _ =	vpop (xrf0);
	v12 =	vadd.s32 v63, v14;
	(xrf0) =	vadd.scan.msk.s32 $0xffff, v13  }
0x123: {  	s19 =	simm.s32 $0x18180;
	s18 =	simm.s32 $0x8;
	v11 =	vadd.s32 v34, v27;
	(v2sf) =	vpush v16, $0xF;
	v14 =	vbroadcast v16, $0xF;
	v13, _, _ =	vpop (xrf0);
	(xrf0) =	vadd.scan.msk.s32 $0xffff, v12  }
.LBB2_11:
0x124: {  	v12 =	vld [tilespmem:s19+$0x6000];
	[tilespmem:s19+$0x6000] =	vst v1;
	vm0 =	veq.s32 v15, v0;
	v15 =	vbroadcast v13, $0xF;
	(v2sf) =	vpush v13, $0xF;
	v16, _, _ =	vpop (xrf0)  }
0x125: {  	v13 =	vld [tilespmem:s19+$0x6010];
	[tilespmem:s19+$0x6010] =	vst v1;
	v17 =	vnsel vm0, $0x0, v14;
	v18 =	vbroadcast v16, $0xF;
	(v2sf) =	vpush v16, $0xF;
	v19, _, _ =	vpop (xrf0)  }
0x126: {  	v14 =	vld [tilespmem:s19+$0x6020];
	[tilespmem:s19+$0x6020] =	vst v1;
	v11 =	vadd.s32 v11, v17;
	v16 =	vnsel vm0, $0x0, v15;
	v17 =	vbroadcast v19, $0xF;
	v20, _, _ =	vpop (xrf0)  }
0x127: {  	v15 =	vld [tilespmem:s19+$0x6030];
	[tilespmem:s19+$0x6030] =	vst v1;
	v11 =	vadd.s32 v16, v11;
	v18 =	vnsel vm0, $0x0, v18;
	v21 =	vbroadcast v20, $0xF;
	v22, _, _ =	vpop (xrf0)  }
0x128: {  	v16 =	vld [tilespmem:s19+$0x6040];
	[tilespmem:s19+$0x6040] =	vst v1;
	v11 =	vadd.s32 v18, v11;
	v18 =	vnsel vm0, $0x0, v17;
	v23 =	vbroadcast v22, $0xF;
	v26, _, _ =	vpop (xrf0)  }
0x129: {  	v17 =	vld [tilespmem:s19+$0x6050];
	[tilespmem:s19+$0x6050] =	vst v1;
	v11 =	vadd.s32 v18, v11;
	v21 =	vnsel vm0, $0x0, v21;
	v24 =	vbroadcast v26, $0xF;
	v27, _, _ =	vpop (xrf0)  }
0x12a: {  	v18 =	vld [tilespmem:s19+$0x6060];
	[tilespmem:s19+$0x6060] =	vst v1;
	v11 =	vadd.s32 v21, v11;
	v21 =	vnsel vm0, $0x0, v23;
	v28 =	vbroadcast v27, $0xF  }
0x12b: {  	v25 =	vld [tilespmem:s19+$0x5000];
	[tilespmem:s19+$0x5000] =	vst v1;
	v11 =	vadd.s32 v21, v11;
	v21 =	vnsel vm0, $0x0, v24;
	(v2sf) =	vpush v19, $0xF  }
0x12c: {  	v23 =	vld [tilespmem:s19+$0x5010];
	[tilespmem:s19+$0x5010] =	vst v1;
	v11 =	vadd.s32 v21, v11;
	v19 =	vnsel vm0, $0x0, v28;
	(v2sf) =	vpush v20, $0xF  }
0x12d: {  	v24 =	vld [tilespmem:s19+$0x5020];
	[tilespmem:s19+$0x5020] =	vst v1;
	v11 =	vadd.s32 v19, v11;
	(v2sf) =	vpush v22, $0xF  }
0x12e: {  	v22 =	vld [tilespmem:s19+$0x5030];
	[tilespmem:s19+$0x5030] =	vst v1;
	(v2sf) =	vpush v26, $0xF  }
0x12f: {  	v21 =	vld [tilespmem:s19+$0x5040];
	[tilespmem:s19+$0x5040] =	vst v1;
	(v2sf) =	vpush v27, $0xF  }
0x130: {  	v20 =	vld [tilespmem:s19+$0x5050];
	[tilespmem:s19+$0x5050] =	vst v1  }
0x131: {  	v19 =	vld [tilespmem:s19+$0x5060];
	[tilespmem:s19+$0x5060] =	vst v1  }
0x132: {  	s17 =	sadd.s32 $0x8, s17;
	v27 =	vld [tilespmem:s19+$0x4000];
	[tilespmem:s19+$0x4000] =	vst v1;
	s20 =	spop (v2sf)  }
0x133: {  	v26 =	vld [tilespmem:s19+$0x4010];
	[tilespmem:s19+$0x4010] =	vst v1;
	[smem:s17+$0xFFFFFFFC] =	sst s20;
	s20 =	spop (v2sf)  }
0x134: {  	v28 =	vld [tilespmem:s19+$0x3000];
	[tilespmem:s19+$0x3000] =	vst v1;
	[smem:s17+$0xFFFFFFFD] =	sst s20;
	s20 =	spop (v2sf)  }
0x135: {  	v29 =	vld [tilespmem:s19+$0x3010];
	[tilespmem:s19+$0x3010] =	vst v1;
	[smem:s17+$0xFFFFFFFE] =	sst s20  }
0x136: {  	v30 =	vld [tilespmem:s19+$0x3020];
	[tilespmem:s19+$0x3020] =	vst v1  }
0x137: {  	v31 =	vld [tilespmem:s19+$0x3030];
	[tilespmem:s19+$0x3030] =	vst v1  }
0x138: {  	v32 =	vld [tilespmem:s19+$0x3040];
	[tilespmem:s19+$0x3040] =	vst v1  }
0x139: {  	v33 =	vld [tilespmem:s19+$0x2000];
	[tilespmem:s19+$0x2000] =	vst v1  }
0x13a: {  	v34 =	vld [tilespmem:s19+$0x2010];
	[tilespmem:s19+$0x2010] =	vst v1;
	s20 =	spop (v2sf)  }
0x13b: {  	v35 =	vld [tilespmem:s19+$0x2020];
	[tilespmem:s19+$0x2020] =	vst v1;
	[smem:s17+$0xFFFFFFFF] =	sst s20;
	s20 =	spop (v2sf)  }
0x13c: {  	v36 =	vld [tilespmem:s19+$0x2030];
	[tilespmem:s19+$0x2030] =	vst v1;
	[smem:s17] =	sst s20;
	s20 =	spop (v2sf)  }
0x13d: {  	v37 =	vld [tilespmem:s19+$0x2040];
	[tilespmem:s19+$0x2040] =	vst v1;
	[smem:s17+$0x1] =	sst s20;
	s20 =	spop (v2sf)  }
0x13e: {  	v38 =	vld [tilespmem:s19+$0x0];
	[tilespmem:s19+$0x0] =	vst v1;
	[smem:s17+$0x2] =	sst s20;
	s20 =	spop (v2sf)  }
0x13f: {  	v39 =	vld [tilespmem:s19+$0x1000];
	[tilespmem:s19+$0x1000] =	vst v1;
	[smem:s17+$0x3] =	sst s20  }
0x140: {  	v40 =	vld [tilespmem:s19+$0x10];
	[tilespmem:s19+$0x10] =	vst v1  }
0x141: {  	v41 =	vld [tilespmem:s19+$0x1010];
	[tilespmem:s19+$0x1010] =	vst v1  }
0x142: {  	v42 =	vld [tilespmem:s19+$0x20];
	[tilespmem:s19+$0x20] =	vst v1  }
0x143: {  	v43 =	vld [tilespmem:s19+$0x1020];
	[tilespmem:s19+$0x1020] =	vst v1  }
0x144: {  	v44 =	vld [tilespmem:s19+$0x30];
	[tilespmem:s19+$0x30] =	vst v1  }
0x145: {  	v45 =	vld [tilespmem:s19+$0x1030];
	[tilespmem:s19+$0x1030] =	vst v1  }
0x146: {  	v46 =	vld [tilespmem:s19+$0x40];
	[tilespmem:s19+$0x40] =	vst v1  }
0x147: {  	v47 =	vld [tilespmem:s19+$0x1040];
	[tilespmem:s19+$0x1040] =	vst v1  }
0x148: {  	v48 =	vld [tilespmem:s19+$0x50];
	[tilespmem:s19+$0x50] =	vst v1  }
0x149: {  	v49 =	vld [tilespmem:s19+$0x1050];
	[tilespmem:s19+$0x1050] =	vst v1  }
0x14a: {  	v50 =	vld [tilespmem:s19+$0x60];
	[tilespmem:s19+$0x60] =	vst v1  }
0x14b: {  	v51 =	vld [tilespmem:s19+$0x1060];
	[tilespmem:s19+$0x1060] =	vst v1  }
0x14c: {  	v52 =	vld [tilespmem:s19+$0x70];
	[tilespmem:s19+$0x70] =	vst v1  }
0x14d: {  	v53 =	vld [tilespmem:s19+$0x1070];
	[tilespmem:s19+$0x1070] =	vst v1  }
0x14e: {  	v54 =	vld [tilespmem:s19+$0x2050];
	[tilespmem:s19+$0x2050] =	vst v1  }
0x14f: {  	v55 =	vld [tilespmem:s19+$0x2060];
	[tilespmem:s19+$0x2060] =	vst v1  }
0x150: {  	v38 =	vadd.s32 v38, v39;
	v39 =	vadd.s32 v40, v41;
	v40 =	vadd.s32 v42, v43;
	v41 =	vld [tilespmem:s19+$0x2070];
	[tilespmem:s19+$0x2070] =	vst v1  }
0x151: {  	v42 =	vadd.s32 v44, v45;
	v43 =	vadd.s32 v46, v47;
	v44 =	vadd.s32 v48, v49;
	v45 =	vld [tilespmem:s19+$0x3050];
	[tilespmem:s19+$0x3050] =	vst v1  }
0x152: {  	v33 =	vadd.s32 v33, v38;
	v38 =	vadd.s32 v50, v51;
	v46 =	vld [tilespmem:s19+$0x3060];
	[tilespmem:s19+$0x3060] =	vst v1;
	v47 =	vadd.s32 v52, v53  }
0x153: {  	v34 =	vadd.s32 v34, v39;
	v35 =	vadd.s32 v35, v40;
	v36 =	vadd.s32 v36, v42;
	v39 =	vld [tilespmem:s19+$0x3070];
	[tilespmem:s19+$0x3070] =	vst v1  }
0x154: {  	v37 =	vadd.s32 v37, v43;
	v42 =	vadd.s32 v54, v44;
	v40 =	vld [tilespmem:s19+$0x4020];
	[tilespmem:s19+$0x4020] =	vst v1;
	v38 =	vadd.s32 v55, v38  }
0x155: {  	v28 =	vadd.s32 v28, v33;
	v29 =	vadd.s32 v29, v34;
	v33 =	vld [tilespmem:s19+$0x4030];
	[tilespmem:s19+$0x4030] =	vst v1;
	v34 =	vadd.s32 v41, v47  }
0x156: {  	v30 =	vadd.s32 v30, v35;
	v31 =	vadd.s32 v31, v36;
	v32 =	vadd.s32 v32, v37;
	v35 =	vld [tilespmem:s19+$0x4040];
	[tilespmem:s19+$0x4040] =	vst v1  }
0x157: {  	v27 =	vadd.s32 v27, v28;
	v28 =	vadd.s32 v45, v42;
	v36 =	vld [tilespmem:s19+$0x4050];
	[tilespmem:s19+$0x4050] =	vst v1;
	v37 =	vadd.s32 v46, v38  }
0x158: {  	v25 =	vadd.s32 v25, v27;
	v26 =	vadd.s32 v26, v29;
	v27 =	vld [tilespmem:s19+$0x4060];
	[tilespmem:s19+$0x4060] =	vst v1;
	v29 =	vadd.s32 v39, v34  }
0x159: {  	v12 =	vadd.s32 v12, v25;
	v23 =	vadd.s32 v23, v26;
	v25 =	vadd.s32 v40, v30;
	v26 =	vld [tilespmem:s19+$0x4070];
	[tilespmem:s19+$0x4070] =	vst v1  }
0x15a: {  	v13 =	vadd.s32 v13, v23;
	v23 =	vadd.s32 v24, v25;
	v24 =	vadd.s32 v33, v31;
	v25 =	vld [tilespmem:s19+$0x5070];
	(xrf0) =	vadd.scan.msk.s32 $0xffff, v12  }
0x15b: {  	s18 =	sadd.s32 $0x8, s18;
	v12 =	vadd.s32 v14, v23;
	v14 =	vadd.s32 v22, v24;
	v22 =	vadd.s32 v35, v32;
	v23 =	vld [tilespmem:s19+$0x6070];
	(xrf0) =	vadd.scan.msk.s32 $0xffff, v13  }
0x15c: {  	p0 =	slt.u32 s18, $0xF8;
	v13 =	vadd.s32 v15, v14;
	v14 =	vadd.s32 v21, v22;
	v15 =	vadd.s32 v36, v28;
	(xrf0) =	vadd.scan.msk.s32 $0xffff, v12  }
.Ltmp4:
0x15d: {  	v12 =	vadd.s32 v16, v14;
	v14 =	vadd.s32 v20, v15;
	v15 =	vadd.s32 v27, v37;
	(xrf0) =	vadd.scan.msk.s32 $0xffff, v13;
	(pc) =	sbr.rel @p0 .LBB2_11-.Ltmp4, $4  }
0x15e: {  	v17 =	vadd.s32 v17, v14;
	v14 =	vadd.s32 v19, v15;
	v15 =	vadd.s32 v26, v29;
	(xrf0) =	vadd.scan.msk.s32 $0xffff, v12  }
0x15f: {  	v12 =	vadd.s32 v18, v14;
	v14 =	vadd.s32 v25, v15;
	[tilespmem:s19+$0x5070] =	vst v1;
	(xrf0) =	vadd.scan.msk.s32 $0xffff, v17  }
0x160: {  	s20 =	sshrl.u32 s18, $0x4;
	v16 =	vadd.s32 v23, v14;
	[tilespmem:s19+$0x6070] =	vst v1;
	v13, _, _ =	vpop (xrf0);
	(xrf0) =	vadd.scan.msk.s32 $0xffff, v12  }
0x161: {  	v15 =	vmov s20;
	s19 =	sadd.s32 $0x80, s19;
	v14 =	vbroadcast v13, $0xF;
	(v2sf) =	vpush v13, $0xF;
	v13, _, _ =	vpop (xrf0);
	(xrf0) =	vadd.scan.msk.s32 $0xffff, v16  }
0x162: {  	vm0 =	veq.s32 v15, v0;
	v12 =	vbroadcast v13, $0xF;
	v48, _, _ =	vpop (xrf0)  }
0x163: {  	v14 =	vnsel vm0, $0x0, v14;
	v16 =	vbroadcast v48, $0xF;
	v17, _, _ =	vpop (xrf0)  }
0x164: {  	v11 =	vadd.s32 v11, v14;
	v12 =	vnsel vm0, $0x0, v12;
	v49 =	vbroadcast v17, $0xF;
	v18, _, _ =	vpop (xrf0)  }
0x165: {  	v11 =	vadd.s32 v12, v11;
	v50 =	vnsel vm0, $0x0, v16;
	v51 =	vbroadcast v18, $0xF;
	v19, _, _ =	vpop (xrf0)  }
0x166: {  	v11 =	vadd.s32 v50, v11;
	v52 =	vnsel vm0, $0x0, v49;
	v53 =	vbroadcast v19, $0xF;
	v20, _, _ =	vpop (xrf0)  }
0x167: {  	v11 =	vadd.s32 v52, v11;
	v54 =	vnsel vm0, $0x0, v51;
	v55 =	vbroadcast v20, $0xF;
	v21, _, _ =	vpop (xrf0)  }
0x168: {  	v11 =	vadd.s32 v54, v11;
	v56 =	vnsel vm0, $0x0, v53;
	v57 =	vbroadcast v21, $0xF  }
0x169: {  	v11 =	vadd.s32 v56, v11;
	v58 =	vnsel vm0, $0x0, v55  }
0x16a: {  	v11 =	vadd.s32 v58, v11;
	v59 =	vnsel vm0, $0x0, v57  }
0x16b: {  	v11 =	vadd.s32 v59, v11  }
0x16c: {  	v11 =	vperm.xlane v11, v4;
	_ =	sdelay $0x1  }
0x16d: {  	(xrf0) =	vadd.scan.msk.s32 $0xffff, v11;
	_ =	sdelay $0x5  }
0x16e: {  	v60, _, _ =	vpop (xrf0)  }
0x16f: {  	vm14 =	vgt.s32 v60, $0x147  }
0x170: {  	v61 =	vmpcnt.ones.xlane vm14;
	_ =	sdelay $0x1  }
0x171: {  	v62 =	vxor.u32 $0x80000000, v61  }
0x172: {  	(v2sf) =	vpush v13, $0xF;
	(xrf0) =	vmax.scan.msk.u32 $0xffff, v62  }
0x173: {  	(v2sf) =	vpush v48, $0xF;
	v63 =	vsub.s32 $0x10, v61  }
0x174: {  	(v2sf) =	vpush v17, $0xF;
	v11 =	vsub.s32 v60, v11;
	vm15 =	veq.s32 v63, v0  }
0x175: {  	(v2sf) =	vpush v18, $0xF;
	v11 =	vnsel vm15, $0x0, v11  }
0x176: {  	(v2sf) =	vpush v19, $0xF;
	(xrf0) =	vadd.scan.msk.s32 $0xffff, v11  }
0x177: {  	(v2sf) =	vpush v20, $0xF  }
0x178: {  	(v2sf) =	vpush v21, $0xF;
	v11, _, _ =	vpop (xrf0)  }
0x179: {  	(v2sf) =	vpush v11, $0xF;
	_ =	sdelay $0x2  }
0x17a: {  	v11, _, _ =	vpop (xrf0)  }
0x17b: {  	(v2sf) =	vpush v11, $0xF;
	_ =	sdelay $0x2  }
0x17c: {  	s18 =	spop (v2sf)  }
0x17d: {  	s19 =	spop (v2sf)  }
0x17e: {  	s17 =	sadd.s32 $0x8, s17;
	s20 =	spop (v2sf)  }
0x17f: {  	[smem:s17+$0xFFFFFFFC] =	sst s18;
	s21 =	spop (v2sf)  }
0x180: {  	[smem:s17+$0xFFFFFFFD] =	sst s19;
	s22 =	spop (v2sf)  }
0x181: {  	[smem:s17+$0xFFFFFFFE] =	sst s20;
	s23 =	spop (v2sf)  }
0x182: {  	[smem:s17+$0xFFFFFFFF] =	sst s21;
	s24 =	spop (v2sf)  }
0x183: {  	[smem:s17] =	sst s22;
	s25 =	spop (v2sf)  }
0x184: {  	[smem:s17+$0x1] =	sst s23;
	s21 =	spop (v2sf)  }
0x185: {  	[smem:s17+$0x2] =	sst s24;
	s26 =	sshll.u32 s21, $0x6  }
0x186: {  	s28 =	simm.s32 $0xFFFFFFFF;
	[smem:s17+$0x3] =	sst s25;
	s19 =	sshra.s32 s26, $0x2  }
0x187: {  	s22 =	sld [smem:s19+s28]  }
0x188: {  	s29 =	spop (v2sf)  }
0x189: {  	s20 =	ssub.s32 $0x148, s29  }
0x18a: {  	p0 =	por $0x1, $0x1;
	p1 =	sle.s32 s20, s22  }
0x18b: {  	p1 =	por !p0, !p1  }
0x18c: {  	s31 =	simm.s32 $0xFFFFFFFE;
	p1 =	por !p1, !p1  }
0x18d: {  	s23 =	simm.s32 $0xFFFFFFF4;
	s30 =	sshll.u32 s21, $0x4;
	p2 =	por !p1, !p1  }
0x18e: {  	s17 =	simm.s32 $0xFFFFFFFF;
	s21 =	sadd.s32 $0xFFFFFFFF, s30;
	p2 =	por @!p0 p1, p1  }
0x18f: {  	s18 =	sld [smem:s19+s31];
	s17 =	smov.u32 @p1 s21;
	s22 =	simm.s32 @!p2 $0x0  }
.LBB2_13:
0x190: {  	s20 =	ssub.s32 s20, s22  }
0x191: {  	s21 =	sadd.s32 $0xFFFFFFFF, s21;
	s24 =	smov.u32 s23;
	s25 =	sadd.s32 $0xFFFFFFFC, s23  }
0x192: {  	p0 =	sne.s32 s23, $0xFFFFFFC0;
	p1 =	slt.s32 s17, $0x0;
	p2 =	sle.s32 s20, s18  }
.Ltmp5:
0x193: {  	s22 =	smov.u32 s18;
	p2 =	por !p1, !p2;
	(pc) =	sbr.rel @p0 .LBB2_13-.Ltmp5, $4  }
0x194: {  	p2 =	por !p2, !p2  }
0x195: {  	s18 =	sshra.s32 s24, $0x2;
	s17 =	smov.u32 @p2 s21;
	p3 =	por !p2, !p2  }
0x196: {  	s18 =	sld [smem:s19+s18];
	p3 =	por @!p1 p2, p2  }
0x197: {  	s23 =	smov.u32 s25;
	s22 =	simm.s32 @!p3 $0x0  }
0x198: {  	s19 =	ssub.s32 s20, s22;
	s30 =	simm.s32 $0x100B0  }
0x199: {  	p0 =	slt.s32 s17, $0x0;
	p1 =	sle.s32 s19, s18;
	v12 =	vld [tilespmem:s30+$0xFFFFFFE0]  }
0x19a: {  	v13 =	vld [tilespmem:s30+$0xFFFFFFD0];
	p1 =	por !p0, !p1  }
0x19b: {  	s21 =	sadd.s32 $0xFFFFFFFF, s21;
	v16 =	vld [tilespmem:s30+$0xFFFFFFF0];
	p1 =	por !p1, !p1  }
0x19c: {  	s17 =	smov.u32 @p1 s21  }
0x19d: {  	v15 =	vld [tilespmem:s30+$0x0];
	s17 =	sshll.u32 s17, $0x18  }
0x19e: {  	s17 =	sxor.u32 $0x80000000, s17  }
0x19f: {  	v17 =	vshrl.u32 v12, $0x18;
	v12 =	vshrl.u32 v12, $0xC;
	s31 =	sshrl.u32 s17, $0x18  }
0x1a0: {  	v14 =	vshrl.u32 v13, $0x18;
	v19 =	vshrl.u32 v16, $0x18;
	v11 =	vmov s31  }
0x1a1: {  	v16 =	vshrl.u32 v16, $0xC;
	v12 =	vand.u32 $0xFF0, v12;
	vm0 =	veq.s32 v17, v11  }
0x1a2: {  	v18 =	vld [tilespmem:s30+$0x30];
	v17 =	vshrl.u32 v13, $0xC;
	v13 =	vor.u32 v5, v12;
	v12 =	vshrl.u32 v15, $0x18  }
0x1a3: {  	vm1 =	veq.s32 v12, v11;
	v12 =	vand.u32 $0xFF0, v16;
	v16 =	vld [tilespmem:s30+$0x20]  }
0x1a4: {  	p2 =	por !p1, !p1  }
0x1a5: {  	p2 =	por @!p0 p1, p1;
	v15 =	vshrl.u32 v15, $0xC;
	v20 =	vand.u32 $0xFF0, v17;
	v17 =	vld [tilespmem:s30+$0x10]  }
0x1a6: {  	s18 =	simm.s32 @!p2 $0x0;
	vm2 =	veq.s32 v19, v11;
	v19 =	vand.u32 $0xFF0, v15;
	v12 =	vor.u32 v6, v12  }
0x1a7: {  	s20 =	simm.s32 $0x10120;
	s18 =	ssub.s32 s19, s18;
	s19 =	simm.s32 $0x0;
	v15 =	vor.u32 v0, v20;
	v20 =	vshrl.u32 v18, $0x18;
	v18 =	vshrl.u32 v18, $0xC  }
.LBB2_15:
0x1a8: {  	v21 =	vld [tilespmem:s20+$0xFFFFFFE0];
	s19 =	sadd.s32 $0x7, s19;
	v19 =	vor.u32 v7, v19;
	v22 =	vshrl.u32 v16, $0x18;
	vm5 =	veq.s32 v20, v11  }
0x1a9: {  	vm6 =	veq.s32 v14, v11;
	v14 =	vshrl.u32 v16, $0xC;
	v16 =	vand.u32 $0xFF0, v18;
	v20 =	vld [tilespmem:s20+$0xFFFFFFF0];
	p0 =	slt.u32 s19, $0x7F5  }
0x1aa: {  	v14 =	vand.u32 $0xFF0, v14;
	v16 =	vor.u32 v10, v16;
	v18 =	vld [tilespmem:s20+$0xFFFFFFD0];
	v23 =	vshrl.u32 v17, $0x18  }
0x1ab: {  	vm3 =	vmmov vm2;
	vm7 =	veq.s32 v22, v11;
	v17 =	vshrl.u32 v17, $0xC;
	v24 =	vld [tilespmem:s20+$0x0]  }
0x1ac: {  	v25 =	vor.u32 v9, v14;
	v17 =	vand.u32 $0xFF0, v17;
	v22 =	vld [tilespmem:s20+$0x30]  }
0x1ad: {  	[tilespmem:v13+s13+$0x0] =	vst.idx.add.s32.msk vm0, v3  }
0x1ae: {  	vm4 =	veq.s32 v23, v11;
	[tilespmem:v19+s13+$0x0] =	vst.idx.add.s32.msk vm1, v3  }
0x1af: {  	v13 =	vshrl.u32 v21, $0x18;
	v19 =	vshrl.u32 v21, $0xC;
	v21 =	vor.u32 v8, v17;
	[tilespmem:v15+s13+$0x0] =	vst.idx.add.s32.msk vm6, v3  }
0x1b0: {  	vm0 =	veq.s32 v13, v11;
	v14 =	vshrl.u32 v18, $0x18;
	v13 =	vand.u32 $0xFF0, v19;
	[tilespmem:v16+s13+$0x0] =	vst.idx.add.s32.msk vm5, v3  }
.Ltmp6:
0x1b1: {  	v15 =	vshrl.u32 v18, $0xC;
	v13 =	vor.u32 v5, v13;
	v17 =	vshrl.u32 v24, $0x18;
	v16 =	vld [tilespmem:s20+$0x20];
	(pc) =	sbr.rel @p0 .LBB2_15-.Ltmp6, $4  }
0x1b2: {  	v18 =	vshrl.u32 v20, $0x18;
	v19 =	vshrl.u32 v20, $0xC;
	vm1 =	veq.s32 v17, v11;
	[tilespmem:v25+s13+$0x0] =	vst.idx.add.s32.msk vm7, v3  }
0x1b3: {  	vm2 =	veq.s32 v18, v11;
	v18 =	vand.u32 $0xFF0, v19;
	v19 =	vshrl.u32 v24, $0xC;
	v17 =	vld [tilespmem:s20+$0x10]  }
0x1b4: {  	v15 =	vand.u32 $0xFF0, v15;
	v19 =	vand.u32 $0xFF0, v19;
	[tilespmem:v12+s13+$0x0] =	vst.idx.add.s32.msk vm3, v3;
	v12 =	vor.u32 v6, v18  }
0x1b5: {  	v15 =	vor.u32 v0, v15;
	v20 =	vshrl.u32 v22, $0x18;
	s20 =	sadd.s32 $0x70, s20;
	v18 =	vshrl.u32 v22, $0xC;
	[tilespmem:v21+s13+$0x0] =	vst.idx.add.s32.msk vm4, v3  }
0x1b6: {  	_ = 	snop  }
0x1b7: {  	v19 =	vor.u32 v7, v19;
	v21 =	vshrl.u32 v16, $0x18;
	vm4 =	veq.s32 v14, v11  }
0x1b8: {  	vm3 =	veq.s32 v20, v11;
	v59 =	vshrl.u32 v16, $0xC;
	v60 =	vand.u32 $0xFF0, v18  }
0x1b9: {  	vm2 =	vmmov vm2;
	v14 =	vand.u32 $0xFF0, v59;
	v16 =	vor.u32 v10, v60  }
0x1ba: {  	vm5 =	veq.s32 v21, v11;
	v61 =	vshrl.u32 v17, $0x18;
	v62 =	vshrl.u32 v17, $0xC  }
0x1bb: {  	[tilespmem:v13+s13+$0x0] =	vst.idx.add.s32.msk vm0, v3;
	v14 =	vor.u32 v9, v14;
	v17 =	vand.u32 $0xFF0, v62;
	vm15 =	veq.s32 v61, v11  }
0x1bc: {  	v63 =	vor.u32 v8, v17;
	[tilespmem:v19+s13+$0x0] =	vst.idx.add.s32.msk vm1, v3  }
0x1bd: {  	[tilespmem:v15+s13+$0x0] =	vst.idx.add.s32.msk vm4, v3  }
0x1be: {  	[tilespmem:v16+s13+$0x0] =	vst.idx.add.s32.msk vm3, v3  }
0x1bf: {  	[tilespmem:v12+s13+$0x0] =	vst.idx.add.s32.msk vm2, v3  }
0x1c0: {  	[tilespmem:v14+s13+$0x0] =	vst.idx.add.s32.msk vm5, v3  }
0x1c1: {  	s20 =	simm.s32 $0x7FC;
	s21 =	simm.s32 $0x18040;
	[tilespmem:v63+s13+$0x0] =	vst.idx.add.s32.msk vm15, v3  }
.LBB2_17:
0x1c2: {  	s19 =	smul.u32 $0x2493, s20;
	_ =	sdelay $0x1  }
0x1c3: {  	s19 =	sshrl.u32 s19, $0x10  }
0x1c4: {  	s22 =	ssub.s32 s20, s19  }
0x1c5: {  	s22 =	sand.u32 $0xFFFE, s22  }
0x1c6: {  	s22 =	sshrl.u32 s22, $0x1  }
0x1c7: {  	v12 =	vld [tilespmem:s21+$0x0];
	s19 =	sadd.s32 s19, s22  }
0x1c8: {  	s19 =	sshrl.u32 s19, $0x2  }
0x1c9: {  	s19 =	smul.u32 $0x7, s19;
	_ =	sdelay $0x1  }
0x1ca: {  	s19 =	ssub.s32 s20, s19  }
0x1cb: {  	v13 =	vshrl.u32 v12, $0xC;
	s19 =	sshll.u32 s19, $0xC  }
0x1cc: {  	v12 =	vshrl.u32 v12, $0x18;
	v13 =	vand.u32 $0xFF0, v13;
	s19 =	sand.u32 $0xF000, s19  }
0x1cd: {  	vm0 =	veq.s32 v12, v11;
	v63 =	vor.u32 s19, v13  }
0x1ce: {  	p0 =	sne.s32 s20, $0x7FF;
	v12 =	vor.u32 v0, v63  }
.Ltmp7:
0x1cf: {  	_ = 	snop;
	(pc) =	sbr.rel @p0 .LBB2_17-.Ltmp7, $3  }
0x1d0: {  	_ =	sdelay $0x1  }
0x1d1: {  	s19 =	simm.s32 $0x18080  }
0x1d2: {  	s21 =	sadd.s32 $0x10, s21;
	s20 =	sadd.s32 $0x1, s20;
	[tilespmem:v12+s19+$0x0] =	vst.idx.add.s32.msk vm0, v3  }
0x1d3: {  	v12 =	vld [tilespmem:s19+$0x6000]  }
0x1d4: {  	[tilespmem:s19+$0x6000] =	vst v1;
	v21 =	vld [tilespmem:s19+$0x6010]  }
0x1d5: {  	[tilespmem:s19+$0x6010] =	vst v1;
	v11 =	vld [tilespmem:s19+$0x6020]  }
0x1d6: {  	[tilespmem:s19+$0x6020] =	vst v1;
	v14 =	vld [tilespmem:s19+$0x6030]  }
0x1d7: {  	[tilespmem:s19+$0x6030] =	vst v1;
	v15 =	vld [tilespmem:s19+$0x6040]  }
0x1d8: {  	[tilespmem:s19+$0x6040] =	vst v1;
	v16 =	vld [tilespmem:s19+$0x6050]  }
0x1d9: {  	[tilespmem:s19+$0x6050] =	vst v1;
	v17 =	vld [tilespmem:s19+$0x6060]  }
0x1da: {  	[tilespmem:s19+$0x6060] =	vst v1;
	v22 =	vld [tilespmem:s19+$0x5000]  }
0x1db: {  	[tilespmem:s19+$0x5000] =	vst v1;
	v23 =	vld [tilespmem:s19+$0x5010]  }
0x1dc: {  	[tilespmem:s19+$0x5010] =	vst v1;
	v24 =	vld [tilespmem:s19+$0x5020]  }
0x1dd: {  	[tilespmem:s19+$0x5020] =	vst v1;
	v13 =	vld [tilespmem:s19+$0x5030]  }
0x1de: {  	[tilespmem:s19+$0x5030] =	vst v1;
	v20 =	vld [tilespmem:s19+$0x5040]  }
0x1df: {  	[tilespmem:s19+$0x5040] =	vst v1;
	v19 =	vld [tilespmem:s19+$0x5050]  }
0x1e0: {  	[tilespmem:s19+$0x5050] =	vst v1;
	v18 =	vld [tilespmem:s19+$0x5060]  }
0x1e1: {  	[tilespmem:s19+$0x5060] =	vst v1;
	v25 =	vld [tilespmem:s19+$0x4000]  }
0x1e2: {  	[tilespmem:s19+$0x4000] =	vst v1;
	v26 =	vld [tilespmem:s19+$0x4010]  }
0x1e3: {  	[tilespmem:s19+$0x4010] =	vst v1;
	v27 =	vld [tilespmem:s19+$0x3000]  }
0x1e4: {  	[tilespmem:s19+$0x3000] =	vst v1;
	v28 =	vld [tilespmem:s19+$0x3010]  }
0x1e5: {  	[tilespmem:s19+$0x3010] =	vst v1;
	v29 =	vld [tilespmem:s19+$0x3020]  }
0x1e6: {  	[tilespmem:s19+$0x3020] =	vst v1;
	v30 =	vld [tilespmem:s19+$0x3030]  }
0x1e7: {  	[tilespmem:s19+$0x3030] =	vst v1;
	v31 =	vld [tilespmem:s19+$0x3040]  }
0x1e8: {  	[tilespmem:s19+$0x3040] =	vst v1;
	v32 =	vld [tilespmem:s19+$0x2000]  }
0x1e9: {  	[tilespmem:s19+$0x2000] =	vst v1;
	v33 =	vld [tilespmem:s19+$0x2010]  }
0x1ea: {  	[tilespmem:s19+$0x2010] =	vst v1;
	v34 =	vld [tilespmem:s19+$0x2020]  }
0x1eb: {  	[tilespmem:s19+$0x2020] =	vst v1;
	v35 =	vld [tilespmem:s19+$0x2030]  }
0x1ec: {  	[tilespmem:s19+$0x2030] =	vst v1;
	v36 =	vld [tilespmem:s19+$0x2040]  }
0x1ed: {  	[tilespmem:s19+$0x2040] =	vst v1;
	v37 =	vld [tilespmem:s19+$0x0]  }
0x1ee: {  	[tilespmem:s19+$0x0] =	vst v1;
	v38 =	vld [tilespmem:s19+$0x1000]  }
0x1ef: {  	[tilespmem:s19+$0x1000] =	vst v1;
	v39 =	vld [tilespmem:s19+$0x10]  }
0x1f0: {  	[tilespmem:s19+$0x10] =	vst v1;
	v40 =	vld [tilespmem:s19+$0x1010]  }
0x1f1: {  	[tilespmem:s19+$0x1010] =	vst v1;
	v41 =	vld [tilespmem:s19+$0x20]  }
0x1f2: {  	[tilespmem:s19+$0x20] =	vst v1;
	v42 =	vld [tilespmem:s19+$0x1020]  }
0x1f3: {  	[tilespmem:s19+$0x1020] =	vst v1;
	v43 =	vld [tilespmem:s19+$0x30]  }
0x1f4: {  	[tilespmem:s19+$0x30] =	vst v1;
	v44 =	vld [tilespmem:s19+$0x1030]  }
0x1f5: {  	[tilespmem:s19+$0x1030] =	vst v1;
	v45 =	vld [tilespmem:s19+$0x40]  }
0x1f6: {  	[tilespmem:s19+$0x40] =	vst v1;
	v46 =	vld [tilespmem:s19+$0x1040]  }
0x1f7: {  	[tilespmem:s19+$0x1040] =	vst v1;
	v47 =	vld [tilespmem:s19+$0x50]  }
0x1f8: {  	[tilespmem:s19+$0x50] =	vst v1;
	v48 =	vld [tilespmem:s19+$0x1050]  }
0x1f9: {  	[tilespmem:s19+$0x1050] =	vst v1;
	v49 =	vld [tilespmem:s19+$0x60]  }
0x1fa: {  	[tilespmem:s19+$0x60] =	vst v1;
	v50 =	vld [tilespmem:s19+$0x1060]  }
0x1fb: {  	[tilespmem:s19+$0x1060] =	vst v1;
	v51 =	vld [tilespmem:s19+$0x70]  }
0x1fc: {  	[tilespmem:s19+$0x70] =	vst v1;
	v52 =	vld [tilespmem:s19+$0x1070]  }
0x1fd: {  	[tilespmem:s19+$0x1070] =	vst v1;
	v53 =	vld [tilespmem:s19+$0x2050];
	v37 =	vadd.s32 v37, v38  }
0x1fe: {  	[tilespmem:s19+$0x2050] =	vst v1;
	v54 =	vld [tilespmem:s19+$0x2060];
	v32 =	vadd.s32 v32, v37  }
0x1ff: {  	[tilespmem:s19+$0x2060] =	vst v1;
	v55 =	vld [tilespmem:s19+$0x3050];
	v27 =	vadd.s32 v27, v32  }
0x200: {  	[tilespmem:s19+$0x3050] =	vst v1;
	v59 =	vld [tilespmem:s19+$0x4020];
	v63 =	vadd.s32 v39, v40;
	v25 =	vadd.s32 v25, v27  }
0x201: {  	v57 =	vld [tilespmem:s19+$0x3070];
	[tilespmem:s19+$0x3070] =	vst v1;
	v33 =	vadd.s32 v33, v63;
	v22 =	vadd.s32 v22, v25  }
0x202: {  	[tilespmem:s19+$0x4020] =	vst v1;
	v61 =	vld [tilespmem:s19+$0x4030];
	v39 =	vadd.s32 v41, v42;
	v28 =	vadd.s32 v28, v33;
	v12 =	vadd.s32 v12, v22  }
0x203: {  	[tilespmem:s19+$0x4030] =	vst v1;
	v38 =	vld [tilespmem:s19+$0x2070];
	v26 =	vadd.s32 v26, v28;
	(xrf0) =	vadd.scan.msk.s32 $0xffff, v12;
	v12 =	vadd.s32 v34, v39  }
0x204: {  	[tilespmem:s19+$0x2070] =	vst v1;
	v40 =	vld [tilespmem:s19+$0x3060];
	v56 =	vadd.s32 v45, v46;
	v23 =	vadd.s32 v23, v26;
	v12 =	vadd.s32 v29, v12  }
0x205: {  	[tilespmem:s19+$0x3060] =	vst v1;
	v58 =	vadd.s32 v47, v48;
	v46 =	vld [tilespmem:s19+$0x4050];
	v21 =	vadd.s32 v21, v23;
	v12 =	vadd.s32 v59, v12  }
0x206: {  	v60 =	vadd.s32 v49, v50;
	[tilespmem:s19+$0x4050] =	vst v1;
	v63 =	vld [tilespmem:s19+$0x4040];
	(xrf0) =	vadd.scan.msk.s32 $0xffff, v21;
	v12 =	vadd.s32 v24, v12  }
0x207: {  	v62 =	vadd.s32 v51, v52;
	v48 =	vld [tilespmem:s19+$0x4060];
	[tilespmem:s19+$0x4060] =	vst v1;
	v32 =	vadd.s32 v43, v44;
	v11 =	vadd.s32 v11, v12  }
0x208: {  	v50 =	vld [tilespmem:s19+$0x4070];
	[tilespmem:s19+$0x4070] =	vst v1;
	v47 =	vadd.s32 v36, v56;
	v45 =	vadd.s32 v35, v32;
	(xrf0) =	vadd.scan.msk.s32 $0xffff, v11  }
0x209: {  	v52 =	vld [tilespmem:s19+$0x5070];
	[tilespmem:s19+$0x5070] =	vst v1;
	v49 =	vadd.s32 v53, v58;
	v51 =	vadd.s32 v54, v60;
	v53 =	vadd.s32 v30, v45  }
0x20a: {  	[tilespmem:s19+$0x4040] =	vst v1;
	v26 =	vadd.s32 v31, v47;
	v22 =	vadd.s32 v38, v62;
	v23 =	vadd.s32 v55, v49;
	v56, _, _ =	vpop (xrf0)  }
0x20b: {  	s20 =	simm.s32 $0x18100;
	v54 =	vld [tilespmem:s19+$0x6070];
	[tilespmem:s19+$0x6070] =	vst v1;
	v25 =	vadd.s32 v61, v53;
	v26 =	vadd.s32 v63, v26;
	(v2sf) =	vpush v56, $0xF  }
0x20c: {  	v22 =	vadd.s32 v57, v22;
	v25 =	vadd.s32 v13, v25;
	v13 =	vld [tilespmem:s20+$0x6020];
	v23 =	vadd.s32 v46, v23;
	[tilespmem:s20+$0x6020] =	vst v1;
	v57, _, _ =	vpop (xrf0)  }
0x20d: {  	v21 =	vadd.s32 v40, v51;
	v25 =	vadd.s32 v14, v25;
	v14 =	vld [tilespmem:s20+$0x6030];
	[tilespmem:s20+$0x6030] =	vst v1;
	(v2sf) =	vpush v57, $0xF  }
0x20e: {  	v20 =	vadd.s32 v20, v26;
	v19 =	vadd.s32 v19, v23;
	v23 =	vld [tilespmem:s20+$0x5010];
	[tilespmem:s20+$0x5010] =	vst v1;
	(xrf0) =	vadd.scan.msk.s32 $0xffff, v25;
	v27, _, _ =	vpop (xrf0)  }
0x20f: {  	v58 =	vadd.s32 v50, v22;
	v22 =	vld [tilespmem:s20+$0x5020];
	[tilespmem:s20+$0x5020] =	vst v1;
	v20 =	vadd.s32 v15, v20;
	(v2sf) =	vpush v27, $0xF  }
0x210: {  	v26 =	vld [tilespmem:s20+$0x4000];
	[tilespmem:s20+$0x4000] =	vst v1;
	v21 =	vadd.s32 v48, v21;
	v19 =	vadd.s32 v16, v19;
	(xrf0) =	vadd.scan.msk.s32 $0xffff, v20  }
0x211: {  	v15 =	vld [tilespmem:s20+$0x6040];
	[tilespmem:s20+$0x6040] =	vst v1;
	v18 =	vadd.s32 v18, v21;
	(xrf0) =	vadd.scan.msk.s32 $0xffff, v19  }
0x212: {  	v16 =	vld [tilespmem:s20+$0x6050];
	[tilespmem:s20+$0x6050] =	vst v1;
	v59 =	vadd.s32 v52, v58;
	v18 =	vadd.s32 v17, v18  }
0x213: {  	v24 =	vld [tilespmem:s20+$0x5000];
	v60 =	vadd.s32 v54, v59;
	[tilespmem:s20+$0x5000] =	vst v1;
	(xrf0) =	vadd.scan.msk.s32 $0xffff, v18  }
0x214: {  	v21 =	vld [tilespmem:s20+$0x5030];
	[tilespmem:s20+$0x5030] =	vst v1;
	(xrf0) =	vadd.scan.msk.s32 $0xffff, v60;
	v28, _, _ =	vpop (xrf0)  }
0x215: {  	v12 =	vld [tilespmem:s20+$0x6010];
	[tilespmem:s20+$0x6010] =	vst v1;
	(v2sf) =	vpush v28, $0xF  }
0x216: {  	v17 =	vld [tilespmem:s20+$0x6060];
	[tilespmem:s20+$0x6060] =	vst v1;
	v61, _, _ =	vpop (xrf0)  }
0x217: {  	v11 =	vld [tilespmem:s20+$0x6000];
	[tilespmem:s20+$0x6000] =	vst v1;
	v62, _, _ =	vpop (xrf0);
	(v2sf) =	vpush v61, $0xF  }
0x218: {  	v25 =	vld [tilespmem:s20+$0x4010];
	[tilespmem:s20+$0x4010] =	vst v1;
	(v2sf) =	vpush v62, $0xF  }
0x219: {  	v20 =	vld [tilespmem:s20+$0x5060];
	[tilespmem:s20+$0x5060] =	vst v1;
	v63, _, _ =	vpop (xrf0)  }
0x21a: {  	v19 =	vld [tilespmem:s20+$0x5050];
	[tilespmem:s20+$0x5050] =	vst v1;
	v34, _, _ =	vpop (xrf0);
	(v2sf) =	vpush v63, $0xF;
	s28 =	spop (v2sf)  }
0x21b: {  	v18 =	vld [tilespmem:s20+$0x5040];
	[tilespmem:s20+$0x5040] =	vst v1;
	(v2sf) =	vpush v34, $0xF;
	[smem:$0x0] =	sst s28  }
0x21c: {  	s19 =	spop (v2sf)  }
0x21d: {  	v35 =	vld [tilespmem:s20+$0x3000];
	[tilespmem:s20+$0x3000] =	vst v1;
	[smem:$0x1] =	sst s19  }
0x21e: {  	s19 =	spop (v2sf)  }
0x21f: {  	v36 =	vld [tilespmem:s20+$0x3010];
	[tilespmem:s20+$0x3010] =	vst v1;
	[smem:$0x2] =	sst s19  }
0x220: {  	v37 =	vld [tilespmem:s20+$0x3020];
	[tilespmem:s20+$0x3020] =	vst v1  }
0x221: {  	v38 =	vld [tilespmem:s20+$0x3030];
	[tilespmem:s20+$0x3030] =	vst v1  }
0x222: {  	v39 =	vld [tilespmem:s20+$0x3040];
	[tilespmem:s20+$0x3040] =	vst v1  }
0x223: {  	v40 =	vld [tilespmem:s20+$0x2000];
	[tilespmem:s20+$0x2000] =	vst v1  }
0x224: {  	v41 =	vld [tilespmem:s20+$0x2010];
	[tilespmem:s20+$0x2010] =	vst v1;
	s19 =	spop (v2sf)  }
0x225: {  	v42 =	vld [tilespmem:s20+$0x2020];
	[tilespmem:s20+$0x2020] =	vst v1;
	[smem:$0x3] =	sst s19  }
0x226: {  	s19 =	simm.s32 $0x4;
	s21 =	spop (v2sf)  }
0x227: {  	v43 =	vld [tilespmem:s20+$0x2030];
	[tilespmem:s20+$0x2030] =	vst v1;
	[smem:s19] =	sst s21;
	s29 =	spop (v2sf)  }
0x228: {  	v44 =	vld [tilespmem:s20+$0x2040];
	[tilespmem:s20+$0x2040] =	vst v1;
	[smem:$0x5] =	sst s29  }
0x229: {  	s21 =	spop (v2sf)  }
0x22a: {  	v45 =	vld [tilespmem:s20+$0x0];
	[tilespmem:s20+$0x0] =	vst v1;
	[smem:$0x6] =	sst s21  }
0x22b: {  	s21 =	spop (v2sf)  }
0x22c: {  	v46 =	vld [tilespmem:s20+$0x1000];
	[tilespmem:s20+$0x1000] =	vst v1;
	[smem:$0x7] =	sst s21  }
0x22d: {  	v47 =	vld [tilespmem:s20+$0x10]  }
0x22e: {  	v48 =	vld [tilespmem:s20+$0x1010]  }
0x22f: {  	v49 =	vld [tilespmem:s20+$0x20]  }
0x230: {  	[tilespmem:s20+$0x10] =	vst v1;
	v50 =	vld [tilespmem:s20+$0x1020]  }
0x231: {  	[tilespmem:s20+$0x1010] =	vst v1;
	v51 =	vld [tilespmem:s20+$0x30]  }
0x232: {  	[tilespmem:s20+$0x20] =	vst v1;
	v52 =	vld [tilespmem:s20+$0x1030]  }
0x233: {  	s30 =	simm.s32 $0x0;
	[tilespmem:s20+$0x1020] =	vst v1;
	v53 =	vld [tilespmem:s20+$0x40]  }
0x234: {  	v30 =	vbroadcast v56, $0xF;
	v60 =	vmov s30;
	[tilespmem:s20+$0x30] =	vst v1;
	v55 =	vld [tilespmem:s20+$0x1040]  }
0x235: {  	v31 =	vbroadcast v57, $0xF;
	vm0 =	veq.s32 v60, v0;
	[tilespmem:s20+$0x1030] =	vst v1;
	v54 =	vld [tilespmem:s20+$0x50]  }
0x236: {  	v56 =	vimm.s32 $0x0;
	v30 =	vnsel vm0, $0x0, v30;
	v27 =	vbroadcast v27, $0xF;
	[tilespmem:s20+$0x40] =	vst v1;
	v57 =	vld [tilespmem:s20+$0x1050]  }
0x237: {  	v31 =	vnsel vm0, $0x0, v31;
	v30 =	vadd.s32 v56, v30;
	v28 =	vbroadcast v28, $0xF;
	[tilespmem:s20+$0x1040] =	vst v1;
	v56 =	vld [tilespmem:s20+$0x60]  }
0x238: {  	v30 =	vadd.s32 v31, v30;
	v27 =	vnsel vm0, $0x0, v27;
	v29 =	vbroadcast v61, $0xF;
	[tilespmem:s20+$0x50] =	vst v1;
	v31 =	vld [tilespmem:s20+$0x1060]  }
0x239: {  	v27 =	vadd.s32 v27, v30;
	v28 =	vnsel vm0, $0x0, v28;
	v61 =	vbroadcast v62, $0xF;
	[tilespmem:s20+$0x1050] =	vst v1;
	v32 =	vld [tilespmem:s20+$0x70]  }
0x23a: {  	v27 =	vadd.s32 v28, v27;
	v62 =	vnsel vm0, $0x0, v29;
	v63 =	vbroadcast v63, $0xF;
	[tilespmem:s20+$0x60] =	vst v1;
	v33 =	vld [tilespmem:s20+$0x1070]  }
0x23b: {  	v27 =	vadd.s32 v62, v27;
	v58 =	vnsel vm0, $0x0, v61;
	v34 =	vbroadcast v34, $0xF;
	[tilespmem:s20+$0x1060] =	vst v1;
	v30 =	vld [tilespmem:s20+$0x2050]  }
0x23c: {  	v27 =	vadd.s32 v58, v27;
	v59 =	vnsel vm0, $0x0, v63;
	[tilespmem:s20+$0x70] =	vst v1;
	v29 =	vld [tilespmem:s20+$0x2060];
	v60 =	vadd.s32 v45, v46  }
0x23d: {  	v27 =	vadd.s32 v59, v27;
	[tilespmem:s20+$0x1070] =	vst v1;
	v59 =	vld [tilespmem:s20+$0x3060];
	v28 =	vadd.s32 v40, v60;
	v61 =	vadd.s32 v47, v48  }
0x23e: {  	[tilespmem:s20+$0x2050] =	vst v1;
	v45 =	vld [tilespmem:s20+$0x2070];
	v62 =	vadd.s32 v49, v50;
	v63 =	vadd.s32 v51, v52;
	v50 =	vadd.s32 v53, v55  }
0x23f: {  	[tilespmem:s20+$0x2060] =	vst v1;
	v60 =	vld [tilespmem:s20+$0x3070];
	v58 =	vadd.s32 v54, v57;
	v31 =	vadd.s32 v56, v31;
	v32 =	vadd.s32 v32, v33  }
0x240: {  	[tilespmem:s20+$0x3060] =	vst v1;
	v48 =	vld [tilespmem:s20+$0x3050];
	v28 =	vadd.s32 v35, v28;
	v61 =	vadd.s32 v41, v61;
	v62 =	vadd.s32 v42, v62  }
0x241: {  	[tilespmem:s20+$0x2070] =	vst v1;
	v49 =	vld [tilespmem:s20+$0x4020];
	v63 =	vadd.s32 v43, v63;
	v44 =	vadd.s32 v44, v50;
	v30 =	vadd.s32 v30, v58  }
0x242: {  	[tilespmem:s20+$0x3070] =	vst v1;
	v29 =	vadd.s32 v29, v31;
	v50 =	vld [tilespmem:s20+$0x4030];
	v26 =	vadd.s32 v26, v28;
	v51 =	vadd.s32 v36, v61  }
0x243: {  	[tilespmem:s20+$0x3050] =	vst v1;
	v53 =	vld [tilespmem:s20+$0x4040];
	v37 =	vadd.s32 v37, v62;
	v38 =	vadd.s32 v38, v63;
	v39 =	vadd.s32 v39, v44  }
0x244: {  	[tilespmem:s20+$0x4020] =	vst v1;
	v54 =	vld [tilespmem:s20+$0x4050];
	v29 =	vadd.s32 v59, v29;
	v24 =	vadd.s32 v24, v26;
	v32 =	vadd.s32 v45, v32  }
0x245: {  	[tilespmem:s20+$0x4040] =	vst v1;
	v56 =	vld [tilespmem:s20+$0x4060];
	v25 =	vadd.s32 v25, v51;
	v11 =	vadd.s32 v11, v24;
	v57 =	vadd.s32 v60, v32  }
0x246: {  	[tilespmem:s20+$0x4050] =	vst v1;
	v23 =	vadd.s32 v23, v25;
	v55 =	vadd.s32 v48, v30;
	v59 =	vadd.s32 v49, v37  }
0x247: {  	[tilespmem:s20+$0x4060] =	vst v1;
	v58 =	vld [tilespmem:s20+$0x4070];
	v12 =	vadd.s32 v12, v23;
	v22 =	vadd.s32 v22, v59;
	v60 =	vadd.s32 v50, v38  }
0x248: {  	v61 =	vld [tilespmem:s20+$0x5070];
	(xrf0) =	vadd.scan.msk.s32 $0xffff, v11;
	v62 =	vadd.s32 v53, v39;
	v11 =	vadd.s32 v13, v22;
	v13 =	vadd.s32 v21, v60  }
0x249: {  	v63 =	vld [tilespmem:s20+$0x6070];
	(xrf0) =	vadd.scan.msk.s32 $0xffff, v12;
	v12 =	vadd.s32 v14, v13;
	v13 =	vadd.s32 v18, v62;
	v14 =	vadd.s32 v54, v55  }
0x24a: {  	(xrf0) =	vadd.scan.msk.s32 $0xffff, v11;
	v11 =	vadd.s32 v15, v13;
	v13 =	vadd.s32 v19, v14;
	v14 =	vadd.s32 v56, v29  }
0x24b: {  	[tilespmem:s20+$0x4030] =	vst v1;
	(xrf0) =	vadd.scan.msk.s32 $0xffff, v12;
	v12 =	vadd.s32 v16, v13;
	v13 =	vadd.s32 v20, v14  }
0x24c: {  	[tilespmem:s20+$0x4070] =	vst v1;
	v14 =	vadd.s32 v58, v57;
	(xrf0) =	vadd.scan.msk.s32 $0xffff, v11;
	v13 =	vadd.s32 v17, v13  }
0x24d: {  	s31 =	simm.s32 $0x0;
	v34 =	vnsel vm0, $0x0, v34;
	[tilespmem:s20+$0x5070] =	vst v1;
	v14 =	vadd.s32 v61, v14;
	(xrf0) =	vadd.scan.msk.s32 $0xffff, v12  }
0x24e: {  	[tilespmem:s20+$0x6070] =	vst v1;
	v15 =	vmov s31;
	v16, _, _ =	vpop (xrf0);
	v12 =	vadd.s32 v63, v14;
	(xrf0) =	vadd.scan.msk.s32 $0xffff, v13  }
0x24f: {  	s21 =	simm.s32 $0x18180;
	s20 =	simm.s32 $0x8;
	v11 =	vadd.s32 v34, v27;
	(v2sf) =	vpush v16, $0xF;
	v14 =	vbroadcast v16, $0xF;
	v13, _, _ =	vpop (xrf0);
	(xrf0) =	vadd.scan.msk.s32 $0xffff, v12  }
.LBB2_19:
0x250: {  	v12 =	vld [tilespmem:s21+$0x6000];
	[tilespmem:s21+$0x6000] =	vst v1;
	vm0 =	veq.s32 v15, v0;
	v15 =	vbroadcast v13, $0xF;
	(v2sf) =	vpush v13, $0xF;
	v16, _, _ =	vpop (xrf0)  }
0x251: {  	v13 =	vld [tilespmem:s21+$0x6010];
	[tilespmem:s21+$0x6010] =	vst v1;
	v17 =	vnsel vm0, $0x0, v14;
	v18 =	vbroadcast v16, $0xF;
	(v2sf) =	vpush v16, $0xF;
	v19, _, _ =	vpop (xrf0)  }
0x252: {  	v14 =	vld [tilespmem:s21+$0x6020];
	[tilespmem:s21+$0x6020] =	vst v1;
	v11 =	vadd.s32 v11, v17;
	v16 =	vnsel vm0, $0x0, v15;
	v17 =	vbroadcast v19, $0xF;
	v20, _, _ =	vpop (xrf0)  }
0x253: {  	v15 =	vld [tilespmem:s21+$0x6030];
	[tilespmem:s21+$0x6030] =	vst v1;
	v11 =	vadd.s32 v16, v11;
	v18 =	vnsel vm0, $0x0, v18;
	v21 =	vbroadcast v20, $0xF;
	v22, _, _ =	vpop (xrf0)  }
0x254: {  	v16 =	vld [tilespmem:s21+$0x6040];
	[tilespmem:s21+$0x6040] =	vst v1;
	v11 =	vadd.s32 v18, v11;
	v18 =	vnsel vm0, $0x0, v17;
	v23 =	vbroadcast v22, $0xF;
	v26, _, _ =	vpop (xrf0)  }
0x255: {  	v17 =	vld [tilespmem:s21+$0x6050];
	[tilespmem:s21+$0x6050] =	vst v1;
	v11 =	vadd.s32 v18, v11;
	v21 =	vnsel vm0, $0x0, v21;
	v24 =	vbroadcast v26, $0xF;
	v27, _, _ =	vpop (xrf0)  }
0x256: {  	v18 =	vld [tilespmem:s21+$0x6060];
	[tilespmem:s21+$0x6060] =	vst v1;
	v11 =	vadd.s32 v21, v11;
	v21 =	vnsel vm0, $0x0, v23;
	v28 =	vbroadcast v27, $0xF  }
0x257: {  	v25 =	vld [tilespmem:s21+$0x5000];
	[tilespmem:s21+$0x5000] =	vst v1;
	v11 =	vadd.s32 v21, v11;
	v21 =	vnsel vm0, $0x0, v24;
	(v2sf) =	vpush v19, $0xF  }
0x258: {  	v23 =	vld [tilespmem:s21+$0x5010];
	[tilespmem:s21+$0x5010] =	vst v1;
	v11 =	vadd.s32 v21, v11;
	v19 =	vnsel vm0, $0x0, v28;
	(v2sf) =	vpush v20, $0xF  }
0x259: {  	v24 =	vld [tilespmem:s21+$0x5020];
	[tilespmem:s21+$0x5020] =	vst v1;
	v11 =	vadd.s32 v19, v11;
	(v2sf) =	vpush v22, $0xF  }
0x25a: {  	v22 =	vld [tilespmem:s21+$0x5030];
	[tilespmem:s21+$0x5030] =	vst v1;
	(v2sf) =	vpush v26, $0xF  }
0x25b: {  	v21 =	vld [tilespmem:s21+$0x5040];
	[tilespmem:s21+$0x5040] =	vst v1;
	(v2sf) =	vpush v27, $0xF  }
0x25c: {  	v20 =	vld [tilespmem:s21+$0x5050];
	[tilespmem:s21+$0x5050] =	vst v1  }
0x25d: {  	v19 =	vld [tilespmem:s21+$0x5060];
	[tilespmem:s21+$0x5060] =	vst v1  }
0x25e: {  	s19 =	sadd.s32 $0x8, s19;
	v27 =	vld [tilespmem:s21+$0x4000];
	[tilespmem:s21+$0x4000] =	vst v1;
	s22 =	spop (v2sf)  }
0x25f: {  	v26 =	vld [tilespmem:s21+$0x4010];
	[tilespmem:s21+$0x4010] =	vst v1;
	[smem:s19+$0xFFFFFFFC] =	sst s22;
	s22 =	spop (v2sf)  }
0x260: {  	v28 =	vld [tilespmem:s21+$0x3000];
	[tilespmem:s21+$0x3000] =	vst v1;
	[smem:s19+$0xFFFFFFFD] =	sst s22;
	s22 =	spop (v2sf)  }
0x261: {  	v29 =	vld [tilespmem:s21+$0x3010];
	[tilespmem:s21+$0x3010] =	vst v1;
	[smem:s19+$0xFFFFFFFE] =	sst s22  }
0x262: {  	v30 =	vld [tilespmem:s21+$0x3020];
	[tilespmem:s21+$0x3020] =	vst v1  }
0x263: {  	v31 =	vld [tilespmem:s21+$0x3030];
	[tilespmem:s21+$0x3030] =	vst v1  }
0x264: {  	v32 =	vld [tilespmem:s21+$0x3040];
	[tilespmem:s21+$0x3040] =	vst v1  }
0x265: {  	v33 =	vld [tilespmem:s21+$0x2000];
	[tilespmem:s21+$0x2000] =	vst v1  }
0x266: {  	v34 =	vld [tilespmem:s21+$0x2010];
	[tilespmem:s21+$0x2010] =	vst v1;
	s22 =	spop (v2sf)  }
0x267: {  	v35 =	vld [tilespmem:s21+$0x2020];
	[tilespmem:s21+$0x2020] =	vst v1;
	[smem:s19+$0xFFFFFFFF] =	sst s22;
	s22 =	spop (v2sf)  }
0x268: {  	v36 =	vld [tilespmem:s21+$0x2030];
	[tilespmem:s21+$0x2030] =	vst v1;
	[smem:s19] =	sst s22;
	s22 =	spop (v2sf)  }
0x269: {  	v37 =	vld [tilespmem:s21+$0x2040];
	[tilespmem:s21+$0x2040] =	vst v1;
	[smem:s19+$0x1] =	sst s22;
	s22 =	spop (v2sf)  }
0x26a: {  	v38 =	vld [tilespmem:s21+$0x0];
	[tilespmem:s21+$0x0] =	vst v1;
	[smem:s19+$0x2] =	sst s22;
	s22 =	spop (v2sf)  }
0x26b: {  	v39 =	vld [tilespmem:s21+$0x1000];
	[tilespmem:s21+$0x1000] =	vst v1;
	[smem:s19+$0x3] =	sst s22  }
0x26c: {  	v40 =	vld [tilespmem:s21+$0x10];
	[tilespmem:s21+$0x10] =	vst v1  }
0x26d: {  	v41 =	vld [tilespmem:s21+$0x1010];
	[tilespmem:s21+$0x1010] =	vst v1  }
0x26e: {  	v42 =	vld [tilespmem:s21+$0x20];
	[tilespmem:s21+$0x20] =	vst v1  }
0x26f: {  	v43 =	vld [tilespmem:s21+$0x1020];
	[tilespmem:s21+$0x1020] =	vst v1  }
0x270: {  	v44 =	vld [tilespmem:s21+$0x30];
	[tilespmem:s21+$0x30] =	vst v1  }
0x271: {  	v45 =	vld [tilespmem:s21+$0x1030];
	[tilespmem:s21+$0x1030] =	vst v1  }
0x272: {  	v46 =	vld [tilespmem:s21+$0x40];
	[tilespmem:s21+$0x40] =	vst v1  }
0x273: {  	v47 =	vld [tilespmem:s21+$0x1040];
	[tilespmem:s21+$0x1040] =	vst v1  }
0x274: {  	v48 =	vld [tilespmem:s21+$0x50];
	[tilespmem:s21+$0x50] =	vst v1  }
0x275: {  	v49 =	vld [tilespmem:s21+$0x1050];
	[tilespmem:s21+$0x1050] =	vst v1  }
0x276: {  	v50 =	vld [tilespmem:s21+$0x60];
	[tilespmem:s21+$0x60] =	vst v1  }
0x277: {  	v51 =	vld [tilespmem:s21+$0x1060];
	[tilespmem:s21+$0x1060] =	vst v1  }
0x278: {  	v52 =	vld [tilespmem:s21+$0x70];
	[tilespmem:s21+$0x70] =	vst v1  }
0x279: {  	v53 =	vld [tilespmem:s21+$0x1070];
	[tilespmem:s21+$0x1070] =	vst v1  }
0x27a: {  	v54 =	vld [tilespmem:s21+$0x2050];
	[tilespmem:s21+$0x2050] =	vst v1  }
0x27b: {  	v55 =	vld [tilespmem:s21+$0x2060];
	[tilespmem:s21+$0x2060] =	vst v1  }
0x27c: {  	v38 =	vadd.s32 v38, v39;
	v39 =	vadd.s32 v40, v41;
	v40 =	vadd.s32 v42, v43;
	v41 =	vld [tilespmem:s21+$0x2070];
	[tilespmem:s21+$0x2070] =	vst v1  }
0x27d: {  	v42 =	vadd.s32 v44, v45;
	v43 =	vadd.s32 v46, v47;
	v44 =	vadd.s32 v48, v49;
	v45 =	vld [tilespmem:s21+$0x3050];
	[tilespmem:s21+$0x3050] =	vst v1  }
0x27e: {  	v33 =	vadd.s32 v33, v38;
	v38 =	vadd.s32 v50, v51;
	v46 =	vld [tilespmem:s21+$0x3060];
	[tilespmem:s21+$0x3060] =	vst v1;
	v47 =	vadd.s32 v52, v53  }
0x27f: {  	v34 =	vadd.s32 v34, v39;
	v35 =	vadd.s32 v35, v40;
	v36 =	vadd.s32 v36, v42;
	v39 =	vld [tilespmem:s21+$0x3070];
	[tilespmem:s21+$0x3070] =	vst v1  }
0x280: {  	v37 =	vadd.s32 v37, v43;
	v42 =	vadd.s32 v54, v44;
	v40 =	vld [tilespmem:s21+$0x4020];
	[tilespmem:s21+$0x4020] =	vst v1;
	v38 =	vadd.s32 v55, v38  }
0x281: {  	v28 =	vadd.s32 v28, v33;
	v29 =	vadd.s32 v29, v34;
	v33 =	vld [tilespmem:s21+$0x4030];
	[tilespmem:s21+$0x4030] =	vst v1;
	v34 =	vadd.s32 v41, v47  }
0x282: {  	v30 =	vadd.s32 v30, v35;
	v31 =	vadd.s32 v31, v36;
	v32 =	vadd.s32 v32, v37;
	v35 =	vld [tilespmem:s21+$0x4040];
	[tilespmem:s21+$0x4040] =	vst v1  }
0x283: {  	v27 =	vadd.s32 v27, v28;
	v28 =	vadd.s32 v45, v42;
	v36 =	vld [tilespmem:s21+$0x4050];
	[tilespmem:s21+$0x4050] =	vst v1;
	v37 =	vadd.s32 v46, v38  }
0x284: {  	v25 =	vadd.s32 v25, v27;
	v26 =	vadd.s32 v26, v29;
	v27 =	vld [tilespmem:s21+$0x4060];
	[tilespmem:s21+$0x4060] =	vst v1;
	v29 =	vadd.s32 v39, v34  }
0x285: {  	v12 =	vadd.s32 v12, v25;
	v23 =	vadd.s32 v23, v26;
	v25 =	vadd.s32 v40, v30;
	v26 =	vld [tilespmem:s21+$0x4070];
	[tilespmem:s21+$0x4070] =	vst v1  }
0x286: {  	v13 =	vadd.s32 v13, v23;
	v23 =	vadd.s32 v24, v25;
	v24 =	vadd.s32 v33, v31;
	v25 =	vld [tilespmem:s21+$0x5070];
	(xrf0) =	vadd.scan.msk.s32 $0xffff, v12  }
0x287: {  	s20 =	sadd.s32 $0x8, s20;
	v12 =	vadd.s32 v14, v23;
	v14 =	vadd.s32 v22, v24;
	v22 =	vadd.s32 v35, v32;
	v23 =	vld [tilespmem:s21+$0x6070];
	(xrf0) =	vadd.scan.msk.s32 $0xffff, v13  }
0x288: {  	p0 =	slt.u32 s20, $0xF8;
	v13 =	vadd.s32 v15, v14;
	v14 =	vadd.s32 v21, v22;
	v15 =	vadd.s32 v36, v28;
	(xrf0) =	vadd.scan.msk.s32 $0xffff, v12  }
.Ltmp8:
0x289: {  	v12 =	vadd.s32 v16, v14;
	v14 =	vadd.s32 v20, v15;
	v15 =	vadd.s32 v27, v37;
	(xrf0) =	vadd.scan.msk.s32 $0xffff, v13;
	(pc) =	sbr.rel @p0 .LBB2_19-.Ltmp8, $4  }
0x28a: {  	v17 =	vadd.s32 v17, v14;
	v14 =	vadd.s32 v19, v15;
	v15 =	vadd.s32 v26, v29;
	(xrf0) =	vadd.scan.msk.s32 $0xffff, v12  }
0x28b: {  	v12 =	vadd.s32 v18, v14;
	v14 =	vadd.s32 v25, v15;
	[tilespmem:s21+$0x5070] =	vst v1;
	(xrf0) =	vadd.scan.msk.s32 $0xffff, v17  }
0x28c: {  	s22 =	sshrl.u32 s20, $0x4;
	v16 =	vadd.s32 v23, v14;
	[tilespmem:s21+$0x6070] =	vst v1;
	v13, _, _ =	vpop (xrf0);
	(xrf0) =	vadd.scan.msk.s32 $0xffff, v12  }
0x28d: {  	v15 =	vmov s22;
	s21 =	sadd.s32 $0x80, s21;
	v14 =	vbroadcast v13, $0xF;
	(v2sf) =	vpush v13, $0xF;
	v13, _, _ =	vpop (xrf0);
	(xrf0) =	vadd.scan.msk.s32 $0xffff, v16  }
0x28e: {  	vm0 =	veq.s32 v15, v0;
	v12 =	vbroadcast v13, $0xF;
	v48, _, _ =	vpop (xrf0)  }
0x28f: {  	v14 =	vnsel vm0, $0x0, v14;
	v16 =	vbroadcast v48, $0xF;
	v17, _, _ =	vpop (xrf0)  }
0x290: {  	v11 =	vadd.s32 v11, v14;
	v12 =	vnsel vm0, $0x0, v12;
	v49 =	vbroadcast v17, $0xF;
	v18, _, _ =	vpop (xrf0)  }
0x291: {  	v11 =	vadd.s32 v12, v11;
	v50 =	vnsel vm0, $0x0, v16;
	v51 =	vbroadcast v18, $0xF;
	v19, _, _ =	vpop (xrf0)  }
0x292: {  	v11 =	vadd.s32 v50, v11;
	v52 =	vnsel vm0, $0x0, v49;
	v53 =	vbroadcast v19, $0xF;
	v20, _, _ =	vpop (xrf0)  }
0x293: {  	v11 =	vadd.s32 v52, v11;
	v54 =	vnsel vm0, $0x0, v51;
	v55 =	vbroadcast v20, $0xF;
	v21, _, _ =	vpop (xrf0)  }
0x294: {  	v11 =	vadd.s32 v54, v11;
	v56 =	vnsel vm0, $0x0, v53;
	v57 =	vbroadcast v21, $0xF  }
0x295: {  	v11 =	vadd.s32 v56, v11;
	v58 =	vnsel vm0, $0x0, v55  }
0x296: {  	v11 =	vadd.s32 v58, v11;
	v59 =	vnsel vm0, $0x0, v57  }
0x297: {  	v11 =	vadd.s32 v59, v11  }
0x298: {  	v11 =	vperm.xlane v11, v4;
	_ =	sdelay $0x1  }
0x299: {  	(xrf0) =	vadd.scan.msk.s32 $0xffff, v11;
	_ =	sdelay $0x5  }
0x29a: {  	v60, _, _ =	vpop (xrf0)  }
0x29b: {  	vm14 =	vge.s32 v60, s18  }
0x29c: {  	v61 =	vmpcnt.ones.xlane vm14;
	_ =	sdelay $0x1  }
0x29d: {  	v62 =	vxor.u32 $0x80000000, v61  }
0x29e: {  	(v2sf) =	vpush v13, $0xF;
	(xrf0) =	vmax.scan.msk.u32 $0xffff, v62  }
0x29f: {  	(v2sf) =	vpush v48, $0xF;
	v63 =	vsub.s32 $0x10, v61  }
0x2a0: {  	(v2sf) =	vpush v17, $0xF;
	v11 =	vsub.s32 v60, v11;
	vm15 =	veq.s32 v63, v0  }
0x2a1: {  	(v2sf) =	vpush v18, $0xF;
	v11 =	vnsel vm15, $0x0, v11  }
0x2a2: {  	(v2sf) =	vpush v19, $0xF;
	(xrf0) =	vadd.scan.msk.s32 $0xffff, v11  }
0x2a3: {  	(v2sf) =	vpush v20, $0xF  }
0x2a4: {  	(v2sf) =	vpush v21, $0xF;
	v11, _, _ =	vpop (xrf0)  }
0x2a5: {  	(v2sf) =	vpush v11, $0xF;
	_ =	sdelay $0x2  }
0x2a6: {  	v11, _, _ =	vpop (xrf0)  }
0x2a7: {  	(v2sf) =	vpush v11, $0xF;
	_ =	sdelay $0x2  }
0x2a8: {  	s20 =	spop (v2sf)  }
0x2a9: {  	s21 =	spop (v2sf)  }
0x2aa: {  	s19 =	sadd.s32 $0x8, s19;
	s22 =	spop (v2sf)  }
0x2ab: {  	[smem:s19+$0xFFFFFFFC] =	sst s20;
	s29 =	spop (v2sf)  }
0x2ac: {  	[smem:s19+$0xFFFFFFFD] =	sst s21;
	s30 =	spop (v2sf)  }
0x2ad: {  	[smem:s19+$0xFFFFFFFE] =	sst s22;
	s31 =	spop (v2sf)  }
0x2ae: {  	[smem:s19+$0xFFFFFFFF] =	sst s29;
	s23 =	spop (v2sf)  }
0x2af: {  	[smem:s19] =	sst s30;
	s24 =	spop (v2sf)  }
0x2b0: {  	[smem:s19+$0x1] =	sst s31;
	s25 =	spop (v2sf)  }
0x2b1: {  	[smem:s19+$0x2] =	sst s23;
	s26 =	sshll.u32 s25, $0x6  }
0x2b2: {  	s28 =	simm.s32 $0xFFFFFFFF;
	[smem:s19+$0x3] =	sst s24;
	s20 =	sshra.s32 s26, $0x2  }
0x2b3: {  	s23 =	sld [smem:s20+s28]  }
0x2b4: {  	s29 =	spop (v2sf)  }
0x2b5: {  	s21 =	ssub.s32 s18, s29  }
0x2b6: {  	p0 =	por $0x1, $0x1;
	p1 =	sle.s32 s21, s23  }
0x2b7: {  	p1 =	por !p0, !p1  }
0x2b8: {  	s31 =	simm.s32 $0xFFFFFFFE;
	p1 =	por !p1, !p1  }
0x2b9: {  	s19 =	simm.s32 $0xFFFFFFFF;
	s30 =	sshll.u32 s25, $0x4;
	p2 =	por !p1, !p1  }
0x2ba: {  	s24 =	simm.s32 $0xFFFFFFF4;
	s22 =	sadd.s32 $0xFFFFFFFF, s30;
	p2 =	por @!p0 p1, p1  }
0x2bb: {  	s18 =	sld [smem:s20+s31];
	s19 =	smov.u32 @p1 s22;
	s23 =	simm.s32 @!p2 $0x0  }
.LBB2_21:
0x2bc: {  	s21 =	ssub.s32 s21, s23  }
0x2bd: {  	s22 =	sadd.s32 $0xFFFFFFFF, s22;
	s25 =	smov.u32 s24;
	s26 =	sadd.s32 $0xFFFFFFFC, s24  }
0x2be: {  	p0 =	sne.s32 s24, $0xFFFFFFC0;
	p1 =	slt.s32 s19, $0x0;
	p2 =	sle.s32 s21, s18  }
.Ltmp9:
0x2bf: {  	s23 =	smov.u32 s18;
	p2 =	por !p1, !p2;
	(pc) =	sbr.rel @p0 .LBB2_21-.Ltmp9, $4  }
0x2c0: {  	p2 =	por !p2, !p2  }
0x2c1: {  	s18 =	sshra.s32 s25, $0x2;
	s19 =	smov.u32 @p2 s22;
	p3 =	por !p2, !p2  }
0x2c2: {  	s18 =	sld [smem:s20+s18];
	p3 =	por @!p1 p2, p2  }
0x2c3: {  	s24 =	smov.u32 s26;
	s23 =	simm.s32 @!p3 $0x0  }
0x2c4: {  	s20 =	ssub.s32 s21, s23;
	s31 =	simm.s32 $0x100B0  }
0x2c5: {  	p0 =	slt.s32 s19, $0x0;
	p1 =	sle.s32 s20, s18;
	v12 =	vld [tilespmem:s31+$0xFFFFFFE0]  }
0x2c6: {  	v13 =	vld [tilespmem:s31+$0xFFFFFFD0];
	p1 =	por !p0, !p1  }
0x2c7: {  	s22 =	sadd.s32 $0xFFFFFFFF, s22;
	v16 =	vld [tilespmem:s31+$0xFFFFFFF0];
	p1 =	por !p1, !p1  }
0x2c8: {  	s19 =	smov.u32 @p1 s22  }
0x2c9: {  	v15 =	vld [tilespmem:s31+$0x0];
	s19 =	sshll.u32 s19, $0x10  }
0x2ca: {  	s17 =	sor.u32 s17, s19  }
0x2cb: {  	v17 =	vshrl.u32 v12, $0x10;
	v12 =	vshrl.u32 v12, $0x4;
	s19 =	sshrl.u32 s17, $0x10  }
0x2cc: {  	v14 =	vshrl.u32 v13, $0x10;
	v19 =	vshrl.u32 v16, $0x10;
	v11 =	vmov s19  }
0x2cd: {  	v16 =	vshrl.u32 v16, $0x4;
	v12 =	vand.u32 $0xFF0, v12;
	vm0 =	veq.s32 v17, v11  }
0x2ce: {  	v18 =	vld [tilespmem:s31+$0x30];
	v17 =	vshrl.u32 v13, $0x4;
	v13 =	vor.u32 v5, v12;
	v12 =	vshrl.u32 v15, $0x10  }
0x2cf: {  	vm1 =	veq.s32 v12, v11;
	v12 =	vand.u32 $0xFF0, v16;
	v16 =	vld [tilespmem:s31+$0x20]  }
0x2d0: {  	p2 =	por !p1, !p1  }
0x2d1: {  	p2 =	por @!p0 p1, p1;
	v15 =	vshrl.u32 v15, $0x4;
	v20 =	vand.u32 $0xFF0, v17;
	v17 =	vld [tilespmem:s31+$0x10]  }
0x2d2: {  	s18 =	simm.s32 @!p2 $0x0;
	vm2 =	veq.s32 v19, v11;
	v19 =	vand.u32 $0xFF0, v15;
	v12 =	vor.u32 v6, v12  }
0x2d3: {  	s18 =	ssub.s32 s20, s18;
	s20 =	simm.s32 $0x10120;
	s19 =	simm.s32 $0x0;
	v15 =	vor.u32 v0, v20;
	v20 =	vshrl.u32 v18, $0x10;
	v18 =	vshrl.u32 v18, $0x4  }
.LBB2_23:
0x2d4: {  	v21 =	vld [tilespmem:s20+$0xFFFFFFE0];
	s19 =	sadd.s32 $0x7, s19;
	v19 =	vor.u32 v7, v19;
	v22 =	vshrl.u32 v16, $0x10;
	vm5 =	veq.s32 v20, v11  }
0x2d5: {  	vm6 =	veq.s32 v14, v11;
	v14 =	vshrl.u32 v16, $0x4;
	v16 =	vand.u32 $0xFF0, v18;
	v20 =	vld [tilespmem:s20+$0xFFFFFFF0];
	p0 =	slt.u32 s19, $0x7F5  }
0x2d6: {  	v14 =	vand.u32 $0xFF0, v14;
	v16 =	vor.u32 v10, v16;
	v18 =	vld [tilespmem:s20+$0xFFFFFFD0];
	v23 =	vshrl.u32 v17, $0x10  }
0x2d7: {  	vm3 =	vmmov vm2;
	vm7 =	veq.s32 v22, v11;
	v17 =	vshrl.u32 v17, $0x4;
	v24 =	vld [tilespmem:s20+$0x0]  }
0x2d8: {  	v25 =	vor.u32 v9, v14;
	v17 =	vand.u32 $0xFF0, v17;
	v22 =	vld [tilespmem:s20+$0x30]  }
0x2d9: {  	[tilespmem:v13+s13+$0x0] =	vst.idx.add.s32.msk vm0, v3  }
0x2da: {  	vm4 =	veq.s32 v23, v11;
	[tilespmem:v19+s13+$0x0] =	vst.idx.add.s32.msk vm1, v3  }
0x2db: {  	v13 =	vshrl.u32 v21, $0x10;
	v19 =	vshrl.u32 v21, $0x4;
	v21 =	vor.u32 v8, v17;
	[tilespmem:v15+s13+$0x0] =	vst.idx.add.s32.msk vm6, v3  }
0x2dc: {  	vm0 =	veq.s32 v13, v11;
	v14 =	vshrl.u32 v18, $0x10;
	v13 =	vand.u32 $0xFF0, v19;
	[tilespmem:v16+s13+$0x0] =	vst.idx.add.s32.msk vm5, v3  }
.Ltmp10:
0x2dd: {  	v15 =	vshrl.u32 v18, $0x4;
	v13 =	vor.u32 v5, v13;
	v17 =	vshrl.u32 v24, $0x10;
	v16 =	vld [tilespmem:s20+$0x20];
	(pc) =	sbr.rel @p0 .LBB2_23-.Ltmp10, $4  }
0x2de: {  	v18 =	vshrl.u32 v20, $0x10;
	v19 =	vshrl.u32 v20, $0x4;
	vm1 =	veq.s32 v17, v11;
	[tilespmem:v25+s13+$0x0] =	vst.idx.add.s32.msk vm7, v3  }
0x2df: {  	vm2 =	veq.s32 v18, v11;
	v18 =	vand.u32 $0xFF0, v19;
	v19 =	vshrl.u32 v24, $0x4;
	v17 =	vld [tilespmem:s20+$0x10]  }
0x2e0: {  	v15 =	vand.u32 $0xFF0, v15;
	v19 =	vand.u32 $0xFF0, v19;
	[tilespmem:v12+s13+$0x0] =	vst.idx.add.s32.msk vm3, v3;
	v12 =	vor.u32 v6, v18  }
0x2e1: {  	v15 =	vor.u32 v0, v15;
	v20 =	vshrl.u32 v22, $0x10;
	s20 =	sadd.s32 $0x70, s20;
	v18 =	vshrl.u32 v22, $0x4;
	[tilespmem:v21+s13+$0x0] =	vst.idx.add.s32.msk vm4, v3  }
0x2e2: {  	_ = 	snop  }
0x2e3: {  	v19 =	vor.u32 v7, v19;
	v21 =	vshrl.u32 v16, $0x10;
	vm4 =	veq.s32 v14, v11  }
0x2e4: {  	vm3 =	veq.s32 v20, v11;
	v59 =	vshrl.u32 v16, $0x4;
	v60 =	vand.u32 $0xFF0, v18  }
0x2e5: {  	vm2 =	vmmov vm2;
	v14 =	vand.u32 $0xFF0, v59;
	v16 =	vor.u32 v10, v60  }
0x2e6: {  	vm5 =	veq.s32 v21, v11;
	v61 =	vshrl.u32 v17, $0x10;
	v62 =	vshrl.u32 v17, $0x4  }
0x2e7: {  	[tilespmem:v13+s13+$0x0] =	vst.idx.add.s32.msk vm0, v3;
	v14 =	vor.u32 v9, v14;
	v17 =	vand.u32 $0xFF0, v62;
	vm15 =	veq.s32 v61, v11  }
0x2e8: {  	v63 =	vor.u32 v8, v17;
	[tilespmem:v19+s13+$0x0] =	vst.idx.add.s32.msk vm1, v3  }
0x2e9: {  	[tilespmem:v15+s13+$0x0] =	vst.idx.add.s32.msk vm4, v3  }
0x2ea: {  	[tilespmem:v16+s13+$0x0] =	vst.idx.add.s32.msk vm3, v3  }
0x2eb: {  	[tilespmem:v12+s13+$0x0] =	vst.idx.add.s32.msk vm2, v3  }
0x2ec: {  	[tilespmem:v14+s13+$0x0] =	vst.idx.add.s32.msk vm5, v3  }
0x2ed: {  	s20 =	simm.s32 $0x7FC;
	s21 =	simm.s32 $0x18040;
	[tilespmem:v63+s13+$0x0] =	vst.idx.add.s32.msk vm15, v3  }
.LBB2_25:
0x2ee: {  	s19 =	smul.u32 $0x2493, s20;
	_ =	sdelay $0x1  }
0x2ef: {  	s19 =	sshrl.u32 s19, $0x10  }
0x2f0: {  	s22 =	ssub.s32 s20, s19  }
0x2f1: {  	s22 =	sand.u32 $0xFFFE, s22  }
0x2f2: {  	s22 =	sshrl.u32 s22, $0x1  }
0x2f3: {  	v12 =	vld [tilespmem:s21+$0x0];
	s19 =	sadd.s32 s19, s22  }
0x2f4: {  	s19 =	sshrl.u32 s19, $0x2  }
0x2f5: {  	s19 =	smul.u32 $0x7, s19;
	_ =	sdelay $0x1  }
0x2f6: {  	s19 =	ssub.s32 s20, s19  }
0x2f7: {  	v13 =	vshrl.u32 v12, $0x4;
	s19 =	sshll.u32 s19, $0xC  }
0x2f8: {  	v12 =	vshrl.u32 v12, $0x10;
	v13 =	vand.u32 $0xFF0, v13;
	s19 =	sand.u32 $0xF000, s19  }
0x2f9: {  	vm0 =	veq.s32 v12, v11;
	v63 =	vor.u32 s19, v13  }
0x2fa: {  	p0 =	sne.s32 s20, $0x7FF;
	v12 =	vor.u32 v0, v63  }
.Ltmp11:
0x2fb: {  	_ = 	snop;
	(pc) =	sbr.rel @p0 .LBB2_25-.Ltmp11, $3  }
0x2fc: {  	_ =	sdelay $0x1  }
0x2fd: {  	s19 =	simm.s32 $0x18080  }
0x2fe: {  	s21 =	sadd.s32 $0x10, s21;
	s20 =	sadd.s32 $0x1, s20;
	[tilespmem:v12+s19+$0x0] =	vst.idx.add.s32.msk vm0, v3  }
0x2ff: {  	v12 =	vld [tilespmem:s19+$0x6000]  }
0x300: {  	[tilespmem:s19+$0x6000] =	vst v1;
	v21 =	vld [tilespmem:s19+$0x6010]  }
0x301: {  	[tilespmem:s19+$0x6010] =	vst v1;
	v11 =	vld [tilespmem:s19+$0x6020]  }
0x302: {  	[tilespmem:s19+$0x6020] =	vst v1;
	v14 =	vld [tilespmem:s19+$0x6030]  }
0x303: {  	[tilespmem:s19+$0x6030] =	vst v1;
	v15 =	vld [tilespmem:s19+$0x6040]  }
0x304: {  	[tilespmem:s19+$0x6040] =	vst v1;
	v16 =	vld [tilespmem:s19+$0x6050]  }
0x305: {  	[tilespmem:s19+$0x6050] =	vst v1;
	v17 =	vld [tilespmem:s19+$0x6060]  }
0x306: {  	[tilespmem:s19+$0x6060] =	vst v1;
	v22 =	vld [tilespmem:s19+$0x5000]  }
0x307: {  	[tilespmem:s19+$0x5000] =	vst v1;
	v23 =	vld [tilespmem:s19+$0x5010]  }
0x308: {  	[tilespmem:s19+$0x5010] =	vst v1;
	v24 =	vld [tilespmem:s19+$0x5020]  }
0x309: {  	[tilespmem:s19+$0x5020] =	vst v1;
	v13 =	vld [tilespmem:s19+$0x5030]  }
0x30a: {  	[tilespmem:s19+$0x5030] =	vst v1;
	v20 =	vld [tilespmem:s19+$0x5040]  }
0x30b: {  	[tilespmem:s19+$0x5040] =	vst v1;
	v19 =	vld [tilespmem:s19+$0x5050]  }
0x30c: {  	[tilespmem:s19+$0x5050] =	vst v1;
	v18 =	vld [tilespmem:s19+$0x5060]  }
0x30d: {  	[tilespmem:s19+$0x5060] =	vst v1;
	v25 =	vld [tilespmem:s19+$0x4000]  }
0x30e: {  	[tilespmem:s19+$0x4000] =	vst v1;
	v26 =	vld [tilespmem:s19+$0x4010]  }
0x30f: {  	[tilespmem:s19+$0x4010] =	vst v1;
	v27 =	vld [tilespmem:s19+$0x3000]  }
0x310: {  	[tilespmem:s19+$0x3000] =	vst v1;
	v28 =	vld [tilespmem:s19+$0x3010]  }
0x311: {  	[tilespmem:s19+$0x3010] =	vst v1;
	v29 =	vld [tilespmem:s19+$0x3020]  }
0x312: {  	[tilespmem:s19+$0x3020] =	vst v1;
	v30 =	vld [tilespmem:s19+$0x3030]  }
0x313: {  	[tilespmem:s19+$0x3030] =	vst v1;
	v31 =	vld [tilespmem:s19+$0x3040]  }
0x314: {  	[tilespmem:s19+$0x3040] =	vst v1;
	v32 =	vld [tilespmem:s19+$0x2000]  }
0x315: {  	[tilespmem:s19+$0x2000] =	vst v1;
	v33 =	vld [tilespmem:s19+$0x2010]  }
0x316: {  	[tilespmem:s19+$0x2010] =	vst v1;
	v34 =	vld [tilespmem:s19+$0x2020]  }
0x317: {  	[tilespmem:s19+$0x2020] =	vst v1;
	v35 =	vld [tilespmem:s19+$0x2030]  }
0x318: {  	[tilespmem:s19+$0x2030] =	vst v1;
	v36 =	vld [tilespmem:s19+$0x2040]  }
0x319: {  	[tilespmem:s19+$0x2040] =	vst v1;
	v37 =	vld [tilespmem:s19+$0x0]  }
0x31a: {  	[tilespmem:s19+$0x0] =	vst v1;
	v38 =	vld [tilespmem:s19+$0x1000]  }
0x31b: {  	[tilespmem:s19+$0x1000] =	vst v1;
	v39 =	vld [tilespmem:s19+$0x10]  }
0x31c: {  	[tilespmem:s19+$0x10] =	vst v1;
	v40 =	vld [tilespmem:s19+$0x1010]  }
0x31d: {  	[tilespmem:s19+$0x1010] =	vst v1;
	v41 =	vld [tilespmem:s19+$0x20]  }
0x31e: {  	[tilespmem:s19+$0x20] =	vst v1;
	v42 =	vld [tilespmem:s19+$0x1020]  }
0x31f: {  	[tilespmem:s19+$0x1020] =	vst v1;
	v43 =	vld [tilespmem:s19+$0x30]  }
0x320: {  	[tilespmem:s19+$0x30] =	vst v1;
	v44 =	vld [tilespmem:s19+$0x1030]  }
0x321: {  	[tilespmem:s19+$0x1030] =	vst v1;
	v45 =	vld [tilespmem:s19+$0x40]  }
0x322: {  	[tilespmem:s19+$0x40] =	vst v1;
	v46 =	vld [tilespmem:s19+$0x1040]  }
0x323: {  	[tilespmem:s19+$0x1040] =	vst v1;
	v47 =	vld [tilespmem:s19+$0x50]  }
0x324: {  	[tilespmem:s19+$0x50] =	vst v1;
	v48 =	vld [tilespmem:s19+$0x1050]  }
0x325: {  	[tilespmem:s19+$0x1050] =	vst v1;
	v49 =	vld [tilespmem:s19+$0x60]  }
0x326: {  	[tilespmem:s19+$0x60] =	vst v1;
	v50 =	vld [tilespmem:s19+$0x1060]  }
0x327: {  	[tilespmem:s19+$0x1060] =	vst v1;
	v51 =	vld [tilespmem:s19+$0x70]  }
0x328: {  	[tilespmem:s19+$0x70] =	vst v1;
	v52 =	vld [tilespmem:s19+$0x1070]  }
0x329: {  	[tilespmem:s19+$0x1070] =	vst v1;
	v53 =	vld [tilespmem:s19+$0x2050];
	v37 =	vadd.s32 v37, v38  }
0x32a: {  	[tilespmem:s19+$0x2050] =	vst v1;
	v54 =	vld [tilespmem:s19+$0x2060];
	v32 =	vadd.s32 v32, v37  }
0x32b: {  	[tilespmem:s19+$0x2060] =	vst v1;
	v55 =	vld [tilespmem:s19+$0x3050];
	v27 =	vadd.s32 v27, v32  }
0x32c: {  	[tilespmem:s19+$0x3050] =	vst v1;
	v59 =	vld [tilespmem:s19+$0x4020];
	v63 =	vadd.s32 v39, v40;
	v25 =	vadd.s32 v25, v27  }
0x32d: {  	v57 =	vld [tilespmem:s19+$0x3070];
	[tilespmem:s19+$0x3070] =	vst v1;
	v33 =	vadd.s32 v33, v63;
	v22 =	vadd.s32 v22, v25  }
0x32e: {  	[tilespmem:s19+$0x4020] =	vst v1;
	v61 =	vld [tilespmem:s19+$0x4030];
	v39 =	vadd.s32 v41, v42;
	v28 =	vadd.s32 v28, v33;
	v12 =	vadd.s32 v12, v22  }
0x32f: {  	[tilespmem:s19+$0x4030] =	vst v1;
	v38 =	vld [tilespmem:s19+$0x2070];
	v26 =	vadd.s32 v26, v28;
	(xrf0) =	vadd.scan.msk.s32 $0xffff, v12;
	v12 =	vadd.s32 v34, v39  }
0x330: {  	[tilespmem:s19+$0x2070] =	vst v1;
	v40 =	vld [tilespmem:s19+$0x3060];
	v56 =	vadd.s32 v45, v46;
	v23 =	vadd.s32 v23, v26;
	v12 =	vadd.s32 v29, v12  }
0x331: {  	[tilespmem:s19+$0x3060] =	vst v1;
	v58 =	vadd.s32 v47, v48;
	v46 =	vld [tilespmem:s19+$0x4050];
	v21 =	vadd.s32 v21, v23;
	v12 =	vadd.s32 v59, v12  }
0x332: {  	v60 =	vadd.s32 v49, v50;
	[tilespmem:s19+$0x4050] =	vst v1;
	v63 =	vld [tilespmem:s19+$0x4040];
	(xrf0) =	vadd.scan.msk.s32 $0xffff, v21;
	v12 =	vadd.s32 v24, v12  }
0x333: {  	v62 =	vadd.s32 v51, v52;
	v48 =	vld [tilespmem:s19+$0x4060];
	[tilespmem:s19+$0x4060] =	vst v1;
	v32 =	vadd.s32 v43, v44;
	v11 =	vadd.s32 v11, v12  }
0x334: {  	v50 =	vld [tilespmem:s19+$0x4070];
	[tilespmem:s19+$0x4070] =	vst v1;
	v47 =	vadd.s32 v36, v56;
	v45 =	vadd.s32 v35, v32;
	(xrf0) =	vadd.scan.msk.s32 $0xffff, v11  }
0x335: {  	v52 =	vld [tilespmem:s19+$0x5070];
	[tilespmem:s19+$0x5070] =	vst v1;
	v49 =	vadd.s32 v53, v58;
	v51 =	vadd.s32 v54, v60;
	v53 =	vadd.s32 v30, v45  }
0x336: {  	[tilespmem:s19+$0x4040] =	vst v1;
	v26 =	vadd.s32 v31, v47;
	v22 =	vadd.s32 v38, v62;
	v23 =	vadd.s32 v55, v49;
	v56, _, _ =	vpop (xrf0)  }
0x337: {  	s20 =	simm.s32 $0x18100;
	v54 =	vld [tilespmem:s19+$0x6070];
	[tilespmem:s19+$0x6070] =	vst v1;
	v25 =	vadd.s32 v61, v53;
	v26 =	vadd.s32 v63, v26;
	(v2sf) =	vpush v56, $0xF  }
0x338: {  	v22 =	vadd.s32 v57, v22;
	v25 =	vadd.s32 v13, v25;
	v13 =	vld [tilespmem:s20+$0x6020];
	v23 =	vadd.s32 v46, v23;
	[tilespmem:s20+$0x6020] =	vst v1;
	v57, _, _ =	vpop (xrf0)  }
0x339: {  	v21 =	vadd.s32 v40, v51;
	v25 =	vadd.s32 v14, v25;
	v14 =	vld [tilespmem:s20+$0x6030];
	[tilespmem:s20+$0x6030] =	vst v1;
	(v2sf) =	vpush v57, $0xF  }
0x33a: {  	v20 =	vadd.s32 v20, v26;
	v19 =	vadd.s32 v19, v23;
	v23 =	vld [tilespmem:s20+$0x5010];
	[tilespmem:s20+$0x5010] =	vst v1;
	(xrf0) =	vadd.scan.msk.s32 $0xffff, v25;
	v27, _, _ =	vpop (xrf0)  }
0x33b: {  	v58 =	vadd.s32 v50, v22;
	v22 =	vld [tilespmem:s20+$0x5020];
	[tilespmem:s20+$0x5020] =	vst v1;
	v20 =	vadd.s32 v15, v20;
	(v2sf) =	vpush v27, $0xF  }
0x33c: {  	v26 =	vld [tilespmem:s20+$0x4000];
	[tilespmem:s20+$0x4000] =	vst v1;
	v21 =	vadd.s32 v48, v21;
	v19 =	vadd.s32 v16, v19;
	(xrf0) =	vadd.scan.msk.s32 $0xffff, v20  }
0x33d: {  	v15 =	vld [tilespmem:s20+$0x6040];
	[tilespmem:s20+$0x6040] =	vst v1;
	v18 =	vadd.s32 v18, v21;
	(xrf0) =	vadd.scan.msk.s32 $0xffff, v19  }
0x33e: {  	v16 =	vld [tilespmem:s20+$0x6050];
	[tilespmem:s20+$0x6050] =	vst v1;
	v59 =	vadd.s32 v52, v58;
	v18 =	vadd.s32 v17, v18  }
0x33f: {  	v24 =	vld [tilespmem:s20+$0x5000];
	v60 =	vadd.s32 v54, v59;
	[tilespmem:s20+$0x5000] =	vst v1;
	(xrf0) =	vadd.scan.msk.s32 $0xffff, v18  }
0x340: {  	v21 =	vld [tilespmem:s20+$0x5030];
	[tilespmem:s20+$0x5030] =	vst v1;
	(xrf0) =	vadd.scan.msk.s32 $0xffff, v60;
	v28, _, _ =	vpop (xrf0)  }
0x341: {  	v12 =	vld [tilespmem:s20+$0x6010];
	[tilespmem:s20+$0x6010] =	vst v1;
	(v2sf) =	vpush v28, $0xF  }
0x342: {  	v17 =	vld [tilespmem:s20+$0x6060];
	[tilespmem:s20+$0x6060] =	vst v1;
	v61, _, _ =	vpop (xrf0)  }
0x343: {  	v11 =	vld [tilespmem:s20+$0x6000];
	[tilespmem:s20+$0x6000] =	vst v1;
	v62, _, _ =	vpop (xrf0);
	(v2sf) =	vpush v61, $0xF  }
0x344: {  	v25 =	vld [tilespmem:s20+$0x4010];
	[tilespmem:s20+$0x4010] =	vst v1;
	(v2sf) =	vpush v62, $0xF  }
0x345: {  	v20 =	vld [tilespmem:s20+$0x5060];
	[tilespmem:s20+$0x5060] =	vst v1;
	v63, _, _ =	vpop (xrf0)  }
0x346: {  	v19 =	vld [tilespmem:s20+$0x5050];
	[tilespmem:s20+$0x5050] =	vst v1;
	v34, _, _ =	vpop (xrf0);
	(v2sf) =	vpush v63, $0xF;
	s28 =	spop (v2sf)  }
0x347: {  	v18 =	vld [tilespmem:s20+$0x5040];
	[tilespmem:s20+$0x5040] =	vst v1;
	(v2sf) =	vpush v34, $0xF;
	[smem:$0x0] =	sst s28  }
0x348: {  	s19 =	spop (v2sf)  }
0x349: {  	v35 =	vld [tilespmem:s20+$0x3000];
	[tilespmem:s20+$0x3000] =	vst v1;
	[smem:$0x1] =	sst s19  }
0x34a: {  	s19 =	spop (v2sf)  }
0x34b: {  	v36 =	vld [tilespmem:s20+$0x3010];
	[tilespmem:s20+$0x3010] =	vst v1;
	[smem:$0x2] =	sst s19  }
0x34c: {  	v37 =	vld [tilespmem:s20+$0x3020];
	[tilespmem:s20+$0x3020] =	vst v1  }
0x34d: {  	v38 =	vld [tilespmem:s20+$0x3030];
	[tilespmem:s20+$0x3030] =	vst v1  }
0x34e: {  	v39 =	vld [tilespmem:s20+$0x3040];
	[tilespmem:s20+$0x3040] =	vst v1  }
0x34f: {  	v40 =	vld [tilespmem:s20+$0x2000];
	[tilespmem:s20+$0x2000] =	vst v1  }
0x350: {  	v41 =	vld [tilespmem:s20+$0x2010];
	[tilespmem:s20+$0x2010] =	vst v1;
	s19 =	spop (v2sf)  }
0x351: {  	v42 =	vld [tilespmem:s20+$0x2020];
	[tilespmem:s20+$0x2020] =	vst v1;
	[smem:$0x3] =	sst s19  }
0x352: {  	s19 =	simm.s32 $0x4;
	s21 =	spop (v2sf)  }
0x353: {  	v43 =	vld [tilespmem:s20+$0x2030];
	[tilespmem:s20+$0x2030] =	vst v1;
	[smem:s19] =	sst s21;
	s29 =	spop (v2sf)  }
0x354: {  	v44 =	vld [tilespmem:s20+$0x2040];
	[tilespmem:s20+$0x2040] =	vst v1;
	[smem:$0x5] =	sst s29  }
0x355: {  	s21 =	spop (v2sf)  }
0x356: {  	v45 =	vld [tilespmem:s20+$0x0];
	[tilespmem:s20+$0x0] =	vst v1;
	[smem:$0x6] =	sst s21  }
0x357: {  	s21 =	spop (v2sf)  }
0x358: {  	v46 =	vld [tilespmem:s20+$0x1000];
	[tilespmem:s20+$0x1000] =	vst v1;
	[smem:$0x7] =	sst s21  }
0x359: {  	v47 =	vld [tilespmem:s20+$0x10]  }
0x35a: {  	v48 =	vld [tilespmem:s20+$0x1010]  }
0x35b: {  	v49 =	vld [tilespmem:s20+$0x20]  }
0x35c: {  	[tilespmem:s20+$0x10] =	vst v1;
	v50 =	vld [tilespmem:s20+$0x1020]  }
0x35d: {  	[tilespmem:s20+$0x1010] =	vst v1;
	v51 =	vld [tilespmem:s20+$0x30]  }
0x35e: {  	[tilespmem:s20+$0x20] =	vst v1;
	v52 =	vld [tilespmem:s20+$0x1030]  }
0x35f: {  	s30 =	simm.s32 $0x0;
	[tilespmem:s20+$0x1020] =	vst v1;
	v53 =	vld [tilespmem:s20+$0x40]  }
0x360: {  	v30 =	vbroadcast v56, $0xF;
	v60 =	vmov s30;
	[tilespmem:s20+$0x30] =	vst v1;
	v55 =	vld [tilespmem:s20+$0x1040]  }
0x361: {  	v31 =	vbroadcast v57, $0xF;
	vm0 =	veq.s32 v60, v0;
	[tilespmem:s20+$0x1030] =	vst v1;
	v54 =	vld [tilespmem:s20+$0x50]  }
0x362: {  	v56 =	vimm.s32 $0x0;
	v30 =	vnsel vm0, $0x0, v30;
	v27 =	vbroadcast v27, $0xF;
	[tilespmem:s20+$0x40] =	vst v1;
	v57 =	vld [tilespmem:s20+$0x1050]  }
0x363: {  	v31 =	vnsel vm0, $0x0, v31;
	v30 =	vadd.s32 v56, v30;
	v28 =	vbroadcast v28, $0xF;
	[tilespmem:s20+$0x1040] =	vst v1;
	v56 =	vld [tilespmem:s20+$0x60]  }
0x364: {  	v30 =	vadd.s32 v31, v30;
	v27 =	vnsel vm0, $0x0, v27;
	v29 =	vbroadcast v61, $0xF;
	[tilespmem:s20+$0x50] =	vst v1;
	v31 =	vld [tilespmem:s20+$0x1060]  }
0x365: {  	v27 =	vadd.s32 v27, v30;
	v28 =	vnsel vm0, $0x0, v28;
	v61 =	vbroadcast v62, $0xF;
	[tilespmem:s20+$0x1050] =	vst v1;
	v32 =	vld [tilespmem:s20+$0x70]  }
0x366: {  	v27 =	vadd.s32 v28, v27;
	v62 =	vnsel vm0, $0x0, v29;
	v63 =	vbroadcast v63, $0xF;
	[tilespmem:s20+$0x60] =	vst v1;
	v33 =	vld [tilespmem:s20+$0x1070]  }
0x367: {  	v27 =	vadd.s32 v62, v27;
	v58 =	vnsel vm0, $0x0, v61;
	v34 =	vbroadcast v34, $0xF;
	[tilespmem:s20+$0x1060] =	vst v1;
	v30 =	vld [tilespmem:s20+$0x2050]  }
0x368: {  	v27 =	vadd.s32 v58, v27;
	v59 =	vnsel vm0, $0x0, v63;
	[tilespmem:s20+$0x70] =	vst v1;
	v29 =	vld [tilespmem:s20+$0x2060];
	v60 =	vadd.s32 v45, v46  }
0x369: {  	v27 =	vadd.s32 v59, v27;
	[tilespmem:s20+$0x1070] =	vst v1;
	v59 =	vld [tilespmem:s20+$0x3060];
	v28 =	vadd.s32 v40, v60;
	v61 =	vadd.s32 v47, v48  }
0x36a: {  	[tilespmem:s20+$0x2050] =	vst v1;
	v45 =	vld [tilespmem:s20+$0x2070];
	v62 =	vadd.s32 v49, v50;
	v63 =	vadd.s32 v51, v52;
	v50 =	vadd.s32 v53, v55  }
0x36b: {  	[tilespmem:s20+$0x2060] =	vst v1;
	v60 =	vld [tilespmem:s20+$0x3070];
	v58 =	vadd.s32 v54, v57;
	v31 =	vadd.s32 v56, v31;
	v32 =	vadd.s32 v32, v33  }
0x36c: {  	[tilespmem:s20+$0x3060] =	vst v1;
	v48 =	vld [tilespmem:s20+$0x3050];
	v28 =	vadd.s32 v35, v28;
	v61 =	vadd.s32 v41, v61;
	v62 =	vadd.s32 v42, v62  }
0x36d: {  	[tilespmem:s20+$0x2070] =	vst v1;
	v49 =	vld [tilespmem:s20+$0x4020];
	v63 =	vadd.s32 v43, v63;
	v44 =	vadd.s32 v44, v50;
	v30 =	vadd.s32 v30, v58  }
0x36e: {  	[tilespmem:s20+$0x3070] =	vst v1;
	v29 =	vadd.s32 v29, v31;
	v50 =	vld [tilespmem:s20+$0x4030];
	v26 =	vadd.s32 v26, v28;
	v51 =	vadd.s32 v36, v61  }
0x36f: {  	[tilespmem:s20+$0x3050] =	vst v1;
	v53 =	vld [tilespmem:s20+$0x4040];
	v37 =	vadd.s32 v37, v62;
	v38 =	vadd.s32 v38, v63;
	v39 =	vadd.s32 v39, v44  }
0x370: {  	[tilespmem:s20+$0x4020] =	vst v1;
	v54 =	vld [tilespmem:s20+$0x4050];
	v29 =	vadd.s32 v59, v29;
	v24 =	vadd.s32 v24, v26;
	v32 =	vadd.s32 v45, v32  }
0x371: {  	[tilespmem:s20+$0x4040] =	vst v1;
	v56 =	vld [tilespmem:s20+$0x4060];
	v25 =	vadd.s32 v25, v51;
	v11 =	vadd.s32 v11, v24;
	v57 =	vadd.s32 v60, v32  }
0x372: {  	[tilespmem:s20+$0x4050] =	vst v1;
	v23 =	vadd.s32 v23, v25;
	v55 =	vadd.s32 v48, v30;
	v59 =	vadd.s32 v49, v37  }
0x373: {  	[tilespmem:s20+$0x4060] =	vst v1;
	v58 =	vld [tilespmem:s20+$0x4070];
	v12 =	vadd.s32 v12, v23;
	v22 =	vadd.s32 v22, v59;
	v60 =	vadd.s32 v50, v38  }
0x374: {  	v61 =	vld [tilespmem:s20+$0x5070];
	(xrf0) =	vadd.scan.msk.s32 $0xffff, v11;
	v62 =	vadd.s32 v53, v39;
	v11 =	vadd.s32 v13, v22;
	v13 =	vadd.s32 v21, v60  }
0x375: {  	v63 =	vld [tilespmem:s20+$0x6070];
	(xrf0) =	vadd.scan.msk.s32 $0xffff, v12;
	v12 =	vadd.s32 v14, v13;
	v13 =	vadd.s32 v18, v62;
	v14 =	vadd.s32 v54, v55  }
0x376: {  	(xrf0) =	vadd.scan.msk.s32 $0xffff, v11;
	v11 =	vadd.s32 v15, v13;
	v13 =	vadd.s32 v19, v14;
	v14 =	vadd.s32 v56, v29  }
0x377: {  	[tilespmem:s20+$0x4030] =	vst v1;
	(xrf0) =	vadd.scan.msk.s32 $0xffff, v12;
	v12 =	vadd.s32 v16, v13;
	v13 =	vadd.s32 v20, v14  }
0x378: {  	[tilespmem:s20+$0x4070] =	vst v1;
	v14 =	vadd.s32 v58, v57;
	(xrf0) =	vadd.scan.msk.s32 $0xffff, v11;
	v13 =	vadd.s32 v17, v13  }
0x379: {  	s31 =	simm.s32 $0x0;
	v34 =	vnsel vm0, $0x0, v34;
	[tilespmem:s20+$0x5070] =	vst v1;
	v14 =	vadd.s32 v61, v14;
	(xrf0) =	vadd.scan.msk.s32 $0xffff, v12  }
0x37a: {  	[tilespmem:s20+$0x6070] =	vst v1;
	v15 =	vmov s31;
	v16, _, _ =	vpop (xrf0);
	v12 =	vadd.s32 v63, v14;
	(xrf0) =	vadd.scan.msk.s32 $0xffff, v13  }
0x37b: {  	s21 =	simm.s32 $0x18180;
	s20 =	simm.s32 $0x8;
	v11 =	vadd.s32 v34, v27;
	(v2sf) =	vpush v16, $0xF;
	v14 =	vbroadcast v16, $0xF;
	v13, _, _ =	vpop (xrf0);
	(xrf0) =	vadd.scan.msk.s32 $0xffff, v12  }
.LBB2_27:
0x37c: {  	v12 =	vld [tilespmem:s21+$0x6000];
	[tilespmem:s21+$0x6000] =	vst v1;
	vm0 =	veq.s32 v15, v0;
	v15 =	vbroadcast v13, $0xF;
	(v2sf) =	vpush v13, $0xF;
	v16, _, _ =	vpop (xrf0)  }
0x37d: {  	v13 =	vld [tilespmem:s21+$0x6010];
	[tilespmem:s21+$0x6010] =	vst v1;
	v17 =	vnsel vm0, $0x0, v14;
	v18 =	vbroadcast v16, $0xF;
	(v2sf) =	vpush v16, $0xF;
	v19, _, _ =	vpop (xrf0)  }
0x37e: {  	v14 =	vld [tilespmem:s21+$0x6020];
	[tilespmem:s21+$0x6020] =	vst v1;
	v11 =	vadd.s32 v11, v17;
	v16 =	vnsel vm0, $0x0, v15;
	v17 =	vbroadcast v19, $0xF;
	v20, _, _ =	vpop (xrf0)  }
0x37f: {  	v15 =	vld [tilespmem:s21+$0x6030];
	[tilespmem:s21+$0x6030] =	vst v1;
	v11 =	vadd.s32 v16, v11;
	v18 =	vnsel vm0, $0x0, v18;
	v21 =	vbroadcast v20, $0xF;
	v22, _, _ =	vpop (xrf0)  }
0x380: {  	v16 =	vld [tilespmem:s21+$0x6040];
	[tilespmem:s21+$0x6040] =	vst v1;
	v11 =	vadd.s32 v18, v11;
	v18 =	vnsel vm0, $0x0, v17;
	v23 =	vbroadcast v22, $0xF;
	v26, _, _ =	vpop (xrf0)  }
0x381: {  	v17 =	vld [tilespmem:s21+$0x6050];
	[tilespmem:s21+$0x6050] =	vst v1;
	v11 =	vadd.s32 v18, v11;
	v21 =	vnsel vm0, $0x0, v21;
	v24 =	vbroadcast v26, $0xF;
	v27, _, _ =	vpop (xrf0)  }
0x382: {  	v18 =	vld [tilespmem:s21+$0x6060];
	[tilespmem:s21+$0x6060] =	vst v1;
	v11 =	vadd.s32 v21, v11;
	v21 =	vnsel vm0, $0x0, v23;
	v28 =	vbroadcast v27, $0xF  }
0x383: {  	v25 =	vld [tilespmem:s21+$0x5000];
	[tilespmem:s21+$0x5000] =	vst v1;
	v11 =	vadd.s32 v21, v11;
	v21 =	vnsel vm0, $0x0, v24;
	(v2sf) =	vpush v19, $0xF  }
0x384: {  	v23 =	vld [tilespmem:s21+$0x5010];
	[tilespmem:s21+$0x5010] =	vst v1;
	v11 =	vadd.s32 v21, v11;
	v19 =	vnsel vm0, $0x0, v28;
	(v2sf) =	vpush v20, $0xF  }
0x385: {  	v24 =	vld [tilespmem:s21+$0x5020];
	[tilespmem:s21+$0x5020] =	vst v1;
	v11 =	vadd.s32 v19, v11;
	(v2sf) =	vpush v22, $0xF  }
0x386: {  	v22 =	vld [tilespmem:s21+$0x5030];
	[tilespmem:s21+$0x5030] =	vst v1;
	(v2sf) =	vpush v26, $0xF  }
0x387: {  	v21 =	vld [tilespmem:s21+$0x5040];
	[tilespmem:s21+$0x5040] =	vst v1;
	(v2sf) =	vpush v27, $0xF  }
0x388: {  	v20 =	vld [tilespmem:s21+$0x5050];
	[tilespmem:s21+$0x5050] =	vst v1  }
0x389: {  	v19 =	vld [tilespmem:s21+$0x5060];
	[tilespmem:s21+$0x5060] =	vst v1  }
0x38a: {  	s19 =	sadd.s32 $0x8, s19;
	v27 =	vld [tilespmem:s21+$0x4000];
	[tilespmem:s21+$0x4000] =	vst v1;
	s22 =	spop (v2sf)  }
0x38b: {  	v26 =	vld [tilespmem:s21+$0x4010];
	[tilespmem:s21+$0x4010] =	vst v1;
	[smem:s19+$0xFFFFFFFC] =	sst s22;
	s22 =	spop (v2sf)  }
0x38c: {  	v28 =	vld [tilespmem:s21+$0x3000];
	[tilespmem:s21+$0x3000] =	vst v1;
	[smem:s19+$0xFFFFFFFD] =	sst s22;
	s22 =	spop (v2sf)  }
0x38d: {  	v29 =	vld [tilespmem:s21+$0x3010];
	[tilespmem:s21+$0x3010] =	vst v1;
	[smem:s19+$0xFFFFFFFE] =	sst s22  }
0x38e: {  	v30 =	vld [tilespmem:s21+$0x3020];
	[tilespmem:s21+$0x3020] =	vst v1  }
0x38f: {  	v31 =	vld [tilespmem:s21+$0x3030];
	[tilespmem:s21+$0x3030] =	vst v1  }
0x390: {  	v32 =	vld [tilespmem:s21+$0x3040];
	[tilespmem:s21+$0x3040] =	vst v1  }
0x391: {  	v33 =	vld [tilespmem:s21+$0x2000];
	[tilespmem:s21+$0x2000] =	vst v1  }
0x392: {  	v34 =	vld [tilespmem:s21+$0x2010];
	[tilespmem:s21+$0x2010] =	vst v1;
	s22 =	spop (v2sf)  }
0x393: {  	v35 =	vld [tilespmem:s21+$0x2020];
	[tilespmem:s21+$0x2020] =	vst v1;
	[smem:s19+$0xFFFFFFFF] =	sst s22;
	s22 =	spop (v2sf)  }
0x394: {  	v36 =	vld [tilespmem:s21+$0x2030];
	[tilespmem:s21+$0x2030] =	vst v1;
	[smem:s19] =	sst s22;
	s22 =	spop (v2sf)  }
0x395: {  	v37 =	vld [tilespmem:s21+$0x2040];
	[tilespmem:s21+$0x2040] =	vst v1;
	[smem:s19+$0x1] =	sst s22;
	s22 =	spop (v2sf)  }
0x396: {  	v38 =	vld [tilespmem:s21+$0x0];
	[tilespmem:s21+$0x0] =	vst v1;
	[smem:s19+$0x2] =	sst s22;
	s22 =	spop (v2sf)  }
0x397: {  	v39 =	vld [tilespmem:s21+$0x1000];
	[tilespmem:s21+$0x1000] =	vst v1;
	[smem:s19+$0x3] =	sst s22  }
0x398: {  	v40 =	vld [tilespmem:s21+$0x10];
	[tilespmem:s21+$0x10] =	vst v1  }
0x399: {  	v41 =	vld [tilespmem:s21+$0x1010];
	[tilespmem:s21+$0x1010] =	vst v1  }
0x39a: {  	v42 =	vld [tilespmem:s21+$0x20];
	[tilespmem:s21+$0x20] =	vst v1  }
0x39b: {  	v43 =	vld [tilespmem:s21+$0x1020];
	[tilespmem:s21+$0x1020] =	vst v1  }
0x39c: {  	v44 =	vld [tilespmem:s21+$0x30];
	[tilespmem:s21+$0x30] =	vst v1  }
0x39d: {  	v45 =	vld [tilespmem:s21+$0x1030];
	[tilespmem:s21+$0x1030] =	vst v1  }
0x39e: {  	v46 =	vld [tilespmem:s21+$0x40];
	[tilespmem:s21+$0x40] =	vst v1  }
0x39f: {  	v47 =	vld [tilespmem:s21+$0x1040];
	[tilespmem:s21+$0x1040] =	vst v1  }
0x3a0: {  	v48 =	vld [tilespmem:s21+$0x50];
	[tilespmem:s21+$0x50] =	vst v1  }
0x3a1: {  	v49 =	vld [tilespmem:s21+$0x1050];
	[tilespmem:s21+$0x1050] =	vst v1  }
0x3a2: {  	v50 =	vld [tilespmem:s21+$0x60];
	[tilespmem:s21+$0x60] =	vst v1  }
0x3a3: {  	v51 =	vld [tilespmem:s21+$0x1060];
	[tilespmem:s21+$0x1060] =	vst v1  }
0x3a4: {  	v52 =	vld [tilespmem:s21+$0x70];
	[tilespmem:s21+$0x70] =	vst v1  }
0x3a5: {  	v53 =	vld [tilespmem:s21+$0x1070];
	[tilespmem:s21+$0x1070] =	vst v1  }
0x3a6: {  	v54 =	vld [tilespmem:s21+$0x2050];
	[tilespmem:s21+$0x2050] =	vst v1  }
0x3a7: {  	v55 =	vld [tilespmem:s21+$0x2060];
	[tilespmem:s21+$0x2060] =	vst v1  }
0x3a8: {  	v38 =	vadd.s32 v38, v39;
	v39 =	vadd.s32 v40, v41;
	v40 =	vadd.s32 v42, v43;
	v41 =	vld [tilespmem:s21+$0x2070];
	[tilespmem:s21+$0x2070] =	vst v1  }
0x3a9: {  	v42 =	vadd.s32 v44, v45;
	v43 =	vadd.s32 v46, v47;
	v44 =	vadd.s32 v48, v49;
	v45 =	vld [tilespmem:s21+$0x3050];
	[tilespmem:s21+$0x3050] =	vst v1  }
0x3aa: {  	v33 =	vadd.s32 v33, v38;
	v38 =	vadd.s32 v50, v51;
	v46 =	vld [tilespmem:s21+$0x3060];
	[tilespmem:s21+$0x3060] =	vst v1;
	v47 =	vadd.s32 v52, v53  }
0x3ab: {  	v34 =	vadd.s32 v34, v39;
	v35 =	vadd.s32 v35, v40;
	v36 =	vadd.s32 v36, v42;
	v39 =	vld [tilespmem:s21+$0x3070];
	[tilespmem:s21+$0x3070] =	vst v1  }
0x3ac: {  	v37 =	vadd.s32 v37, v43;
	v42 =	vadd.s32 v54, v44;
	v40 =	vld [tilespmem:s21+$0x4020];
	[tilespmem:s21+$0x4020] =	vst v1;
	v38 =	vadd.s32 v55, v38  }
0x3ad: {  	v28 =	vadd.s32 v28, v33;
	v29 =	vadd.s32 v29, v34;
	v33 =	vld [tilespmem:s21+$0x4030];
	[tilespmem:s21+$0x4030] =	vst v1;
	v34 =	vadd.s32 v41, v47  }
0x3ae: {  	v30 =	vadd.s32 v30, v35;
	v31 =	vadd.s32 v31, v36;
	v32 =	vadd.s32 v32, v37;
	v35 =	vld [tilespmem:s21+$0x4040];
	[tilespmem:s21+$0x4040] =	vst v1  }
0x3af: {  	v27 =	vadd.s32 v27, v28;
	v28 =	vadd.s32 v45, v42;
	v36 =	vld [tilespmem:s21+$0x4050];
	[tilespmem:s21+$0x4050] =	vst v1;
	v37 =	vadd.s32 v46, v38  }
0x3b0: {  	v25 =	vadd.s32 v25, v27;
	v26 =	vadd.s32 v26, v29;
	v27 =	vld [tilespmem:s21+$0x4060];
	[tilespmem:s21+$0x4060] =	vst v1;
	v29 =	vadd.s32 v39, v34  }
0x3b1: {  	v12 =	vadd.s32 v12, v25;
	v23 =	vadd.s32 v23, v26;
	v25 =	vadd.s32 v40, v30;
	v26 =	vld [tilespmem:s21+$0x4070];
	[tilespmem:s21+$0x4070] =	vst v1  }
0x3b2: {  	v13 =	vadd.s32 v13, v23;
	v23 =	vadd.s32 v24, v25;
	v24 =	vadd.s32 v33, v31;
	v25 =	vld [tilespmem:s21+$0x5070];
	(xrf0) =	vadd.scan.msk.s32 $0xffff, v12  }
0x3b3: {  	s20 =	sadd.s32 $0x8, s20;
	v12 =	vadd.s32 v14, v23;
	v14 =	vadd.s32 v22, v24;
	v22 =	vadd.s32 v35, v32;
	v23 =	vld [tilespmem:s21+$0x6070];
	(xrf0) =	vadd.scan.msk.s32 $0xffff, v13  }
0x3b4: {  	p0 =	slt.u32 s20, $0xF8;
	v13 =	vadd.s32 v15, v14;
	v14 =	vadd.s32 v21, v22;
	v15 =	vadd.s32 v36, v28;
	(xrf0) =	vadd.scan.msk.s32 $0xffff, v12  }
.Ltmp12:
0x3b5: {  	v12 =	vadd.s32 v16, v14;
	v14 =	vadd.s32 v20, v15;
	v15 =	vadd.s32 v27, v37;
	(xrf0) =	vadd.scan.msk.s32 $0xffff, v13;
	(pc) =	sbr.rel @p0 .LBB2_27-.Ltmp12, $4  }
0x3b6: {  	v17 =	vadd.s32 v17, v14;
	v14 =	vadd.s32 v19, v15;
	v15 =	vadd.s32 v26, v29;
	(xrf0) =	vadd.scan.msk.s32 $0xffff, v12  }
0x3b7: {  	v12 =	vadd.s32 v18, v14;
	v14 =	vadd.s32 v25, v15;
	[tilespmem:s21+$0x5070] =	vst v1;
	(xrf0) =	vadd.scan.msk.s32 $0xffff, v17  }
0x3b8: {  	s22 =	sshrl.u32 s20, $0x4;
	v16 =	vadd.s32 v23, v14;
	[tilespmem:s21+$0x6070] =	vst v1;
	v13, _, _ =	vpop (xrf0);
	(xrf0) =	vadd.scan.msk.s32 $0xffff, v12  }
0x3b9: {  	v15 =	vmov s22;
	s21 =	sadd.s32 $0x80, s21;
	v14 =	vbroadcast v13, $0xF;
	(v2sf) =	vpush v13, $0xF;
	v13, _, _ =	vpop (xrf0);
	(xrf0) =	vadd.scan.msk.s32 $0xffff, v16  }
0x3ba: {  	vm0 =	veq.s32 v15, v0;
	v12 =	vbroadcast v13, $0xF;
	v48, _, _ =	vpop (xrf0)  }
0x3bb: {  	v14 =	vnsel vm0, $0x0, v14;
	v16 =	vbroadcast v48, $0xF;
	v17, _, _ =	vpop (xrf0)  }
0x3bc: {  	v11 =	vadd.s32 v11, v14;
	v12 =	vnsel vm0, $0x0, v12;
	v49 =	vbroadcast v17, $0xF;
	v18, _, _ =	vpop (xrf0)  }
0x3bd: {  	v11 =	vadd.s32 v12, v11;
	v50 =	vnsel vm0, $0x0, v16;
	v51 =	vbroadcast v18, $0xF;
	v19, _, _ =	vpop (xrf0)  }
0x3be: {  	v11 =	vadd.s32 v50, v11;
	v52 =	vnsel vm0, $0x0, v49;
	v53 =	vbroadcast v19, $0xF;
	v20, _, _ =	vpop (xrf0)  }
0x3bf: {  	v11 =	vadd.s32 v52, v11;
	v54 =	vnsel vm0, $0x0, v51;
	v55 =	vbroadcast v20, $0xF;
	v21, _, _ =	vpop (xrf0)  }
0x3c0: {  	v11 =	vadd.s32 v54, v11;
	v56 =	vnsel vm0, $0x0, v53;
	v57 =	vbroadcast v21, $0xF  }
0x3c1: {  	v11 =	vadd.s32 v56, v11;
	v58 =	vnsel vm0, $0x0, v55  }
0x3c2: {  	v11 =	vadd.s32 v58, v11;
	v59 =	vnsel vm0, $0x0, v57  }
0x3c3: {  	v11 =	vadd.s32 v59, v11  }
0x3c4: {  	v11 =	vperm.xlane v11, v4;
	_ =	sdelay $0x1  }
0x3c5: {  	(xrf0) =	vadd.scan.msk.s32 $0xffff, v11;
	_ =	sdelay $0x5  }
0x3c6: {  	v60, _, _ =	vpop (xrf0)  }
0x3c7: {  	vm14 =	vge.s32 v60, s18  }
0x3c8: {  	v61 =	vmpcnt.ones.xlane vm14;
	_ =	sdelay $0x1  }
0x3c9: {  	v62 =	vxor.u32 $0x80000000, v61  }
0x3ca: {  	(v2sf) =	vpush v13, $0xF;
	(xrf0) =	vmax.scan.msk.u32 $0xffff, v62  }
0x3cb: {  	(v2sf) =	vpush v48, $0xF;
	v63 =	vsub.s32 $0x10, v61  }
0x3cc: {  	(v2sf) =	vpush v17, $0xF;
	v11 =	vsub.s32 v60, v11;
	vm15 =	veq.s32 v63, v0  }
0x3cd: {  	(v2sf) =	vpush v18, $0xF;
	v11 =	vnsel vm15, $0x0, v11  }
0x3ce: {  	(v2sf) =	vpush v19, $0xF;
	(xrf0) =	vadd.scan.msk.s32 $0xffff, v11  }
0x3cf: {  	(v2sf) =	vpush v20, $0xF  }
0x3d0: {  	(v2sf) =	vpush v21, $0xF;
	v11, _, _ =	vpop (xrf0)  }
0x3d1: {  	(v2sf) =	vpush v11, $0xF;
	_ =	sdelay $0x2  }
0x3d2: {  	v11, _, _ =	vpop (xrf0)  }
0x3d3: {  	(v2sf) =	vpush v11, $0xF;
	_ =	sdelay $0x2  }
0x3d4: {  	s20 =	spop (v2sf)  }
0x3d5: {  	s21 =	spop (v2sf)  }
0x3d6: {  	s19 =	sadd.s32 $0x8, s19;
	s22 =	spop (v2sf)  }
0x3d7: {  	[smem:s19+$0xFFFFFFFC] =	sst s20;
	s29 =	spop (v2sf)  }
0x3d8: {  	[smem:s19+$0xFFFFFFFD] =	sst s21;
	s30 =	spop (v2sf)  }
0x3d9: {  	[smem:s19+$0xFFFFFFFE] =	sst s22;
	s31 =	spop (v2sf)  }
0x3da: {  	[smem:s19+$0xFFFFFFFF] =	sst s29;
	s23 =	spop (v2sf)  }
0x3db: {  	[smem:s19] =	sst s30;
	s24 =	spop (v2sf)  }
0x3dc: {  	[smem:s19+$0x1] =	sst s31;
	s25 =	spop (v2sf)  }
0x3dd: {  	[smem:s19+$0x2] =	sst s23;
	s26 =	sshll.u32 s25, $0x6  }
0x3de: {  	s28 =	simm.s32 $0xFFFFFFFF;
	[smem:s19+$0x3] =	sst s24;
	s20 =	sshra.s32 s26, $0x2  }
0x3df: {  	s23 =	sld [smem:s20+s28]  }
0x3e0: {  	s29 =	spop (v2sf)  }
0x3e1: {  	s21 =	ssub.s32 s18, s29  }
0x3e2: {  	p0 =	por $0x1, $0x1;
	p1 =	sle.s32 s21, s23  }
0x3e3: {  	p1 =	por !p0, !p1  }
0x3e4: {  	s31 =	simm.s32 $0xFFFFFFFE;
	p1 =	por !p1, !p1  }
0x3e5: {  	s19 =	simm.s32 $0xFFFFFFFF;
	s30 =	sshll.u32 s25, $0x4;
	p2 =	por !p1, !p1  }
0x3e6: {  	s24 =	simm.s32 $0xFFFFFFF4;
	s22 =	sadd.s32 $0xFFFFFFFF, s30;
	p2 =	por @!p0 p1, p1  }
0x3e7: {  	s18 =	sld [smem:s20+s31];
	s19 =	smov.u32 @p1 s22;
	s23 =	simm.s32 @!p2 $0x0  }
.LBB2_29:
0x3e8: {  	s21 =	ssub.s32 s21, s23  }
0x3e9: {  	s22 =	sadd.s32 $0xFFFFFFFF, s22;
	s25 =	smov.u32 s24;
	s26 =	sadd.s32 $0xFFFFFFFC, s24  }
0x3ea: {  	p0 =	sne.s32 s24, $0xFFFFFFC0;
	p1 =	slt.s32 s19, $0x0;
	p2 =	sle.s32 s21, s18  }
.Ltmp13:
0x3eb: {  	s23 =	smov.u32 s18;
	p2 =	por !p1, !p2;
	(pc) =	sbr.rel @p0 .LBB2_29-.Ltmp13, $4  }
0x3ec: {  	p2 =	por !p2, !p2  }
0x3ed: {  	s18 =	sshra.s32 s25, $0x2;
	s19 =	smov.u32 @p2 s22;
	p3 =	por !p2, !p2  }
0x3ee: {  	s18 =	sld [smem:s20+s18];
	p3 =	por @!p1 p2, p2  }
0x3ef: {  	s24 =	smov.u32 s26;
	s23 =	simm.s32 @!p3 $0x0  }
0x3f0: {  	s31 =	simm.s32 $0x100B0  }
0x3f1: {  	s20 =	ssub.s32 s21, s23;
	v12 =	vld [tilespmem:s31+$0x30]  }
0x3f2: {  	p0 =	slt.s32 s19, $0x0;
	p1 =	sle.s32 s20, s18;
	v13 =	vld [tilespmem:s31+$0xFFFFFFE0]  }
0x3f3: {  	v14 =	vld [tilespmem:s31+$0xFFFFFFF0];
	p1 =	por !p0, !p1  }
0x3f4: {  	s22 =	sadd.s32 $0xFFFFFFFF, s22;
	v16 =	vld [tilespmem:s31+$0x0];
	p1 =	por !p1, !p1  }
0x3f5: {  	v17 =	vld [tilespmem:s31+$0x10];
	s19 =	smov.u32 @p1 s22  }
0x3f6: {  	v18 =	vld [tilespmem:s31+$0x20];
	s19 =	sshll.u32 s19, $0x8  }
0x3f7: {  	v19 =	vld [tilespmem:s31+$0xFFFFFFD0];
	s17 =	sor.u32 s17, s19  }
0x3f8: {  	v15 =	vshrl.u32 v12, $0x8;
	v12 =	vshll.u32 v12, $0x4;
	v20 =	vshll.u32 v13, $0x4;
	s19 =	sshrl.u32 s17, $0x8  }
0x3f9: {  	v22 =	vshrl.u32 v13, $0x8;
	v13 =	vshrl.u32 v14, $0x8;
	v11 =	vmov s19  }
0x3fa: {  	v21 =	vshll.u32 v17, $0x4;
	v12 =	vand.u32 $0xFFF, v12;
	vm0 =	veq.s32 v15, v11  }
0x3fb: {  	v17 =	vshrl.u32 v17, $0x8;
	v24 =	vshll.u32 v18, $0x4;
	v23 =	vor.u32 v10, v12  }
0x3fc: {  	v25 =	vshrl.u32 v19, $0x8;
	v12 =	vand.u32 $0xFFF, v20;
	v20 =	vshll.u32 v16, $0x4  }
0x3fd: {  	p2 =	por !p1, !p1;
	v15 =	vshll.u32 v14, $0x4;
	v14 =	vshrl.u32 v16, $0x8;
	v16 =	vand.u32 $0xFFF, v20  }
0x3fe: {  	p2 =	por @!p0 p1, p1;
	v20 =	vshll.u32 v19, $0x4;
	v19 =	vand.u32 $0xFFF, v21;
	v21 =	vand.u32 $0xFFF, v24  }
0x3ff: {  	s18 =	simm.s32 @!p2 $0x0;
	vm1 =	veq.s32 v25, v11;
	v15 =	vand.u32 $0xFFF, v15;
	v26 =	vor.u32 v0, v20  }
0x400: {  	s18 =	ssub.s32 s20, s18;
	s20 =	simm.s32 $0x10120;
	s19 =	simm.s32 $0x0;
	v20 =	vshrl.u32 v18, $0x8;
	v18 =	vand.u32 $0xFFF, v26;
	[tilespmem:v23+s13+$0x0] =	vst.idx.add.s32.msk vm0, v3;
	vm0 =	veq.s32 v22, v11  }
.LBB2_31:
0x401: {  	v22 =	vld [tilespmem:s20+$0x30];
	s19 =	sadd.s32 $0x7, s19;
	v23 =	vor.u32 v5, v12;
	vm4 =	veq.s32 v13, v11;
	v24 =	vor.u32 v6, v15  }
0x402: {  	vm5 =	veq.s32 v14, v11;
	v25 =	vor.u32 v7, v16;
	vm3 =	veq.s32 v17, v11;
	v12 =	vld [tilespmem:s20+$0xFFFFFFE0];
	p0 =	slt.u32 s19, $0x7F5  }
0x403: {  	v26 =	vor.u32 v8, v19;
	vm2 =	veq.s32 v20, v11;
	v27 =	vor.u32 v9, v21;
	v13 =	vld [tilespmem:s20+$0xFFFFFFF0]  }
0x404: {  	v14 =	vld [tilespmem:s20+$0x0]  }
0x405: {  	v17 =	vld [tilespmem:s20+$0x10]  }
0x406: {  	v20 =	vld [tilespmem:s20+$0x20];
	v15 =	vshrl.u32 v22, $0x8;
	v16 =	vshll.u32 v22, $0x4  }
0x407: {  	v19 =	vld [tilespmem:s20+$0xFFFFFFD0];
	v21 =	vshll.u32 v12, $0x4;
	vm6 =	veq.s32 v15, v11;
	v15 =	vand.u32 $0xFFF, v16  }
0x408: {  	v22 =	vshrl.u32 v12, $0x8;
	v16 =	vshll.u32 v13, $0x4;
	v28 =	vor.u32 v10, v15;
	[tilespmem:v18+s13+$0x0] =	vst.idx.add.s32.msk vm1, v3  }
0x409: {  	v12 =	vand.u32 $0xFFF, v21;
	v13 =	vshrl.u32 v13, $0x8;
	v18 =	vshll.u32 v14, $0x4;
	[tilespmem:v23+s13+$0x0] =	vst.idx.add.s32.msk vm0, v3  }
.Ltmp14:
0x40a: {  	v15 =	vand.u32 $0xFFF, v16;
	v14 =	vshrl.u32 v14, $0x8;
	v21 =	vshll.u32 v17, $0x4;
	[tilespmem:v24+s13+$0x0] =	vst.idx.add.s32.msk vm4, v3;
	(pc) =	sbr.rel @p0 .LBB2_31-.Ltmp14, $4  }
0x40b: {  	v16 =	vand.u32 $0xFFF, v18;
	v17 =	vshrl.u32 v17, $0x8;
	v18 =	vshll.u32 v20, $0x4;
	[tilespmem:v25+s13+$0x0] =	vst.idx.add.s32.msk vm5, v3  }
0x40c: {  	v23 =	vshrl.u32 v19, $0x8;
	v24 =	vshll.u32 v19, $0x4;
	v19 =	vand.u32 $0xFFF, v21;
	[tilespmem:v26+s13+$0x0] =	vst.idx.add.s32.msk vm3, v3  }
0x40d: {  	s21 =	simm.s32 $0x7FC;
	s22 =	simm.s32 $0x18040;
	v20 =	vshrl.u32 v20, $0x8;
	v21 =	vand.u32 $0xFFF, v18;
	v24 =	vor.u32 v0, v24;
	[tilespmem:v28+s13+$0x0] =	vst.idx.add.s32.msk vm6, v3  }
0x40e: {  	s20 =	sadd.s32 $0x70, s20;
	vm0 =	veq.s32 v22, v11;
	vm1 =	veq.s32 v23, v11;
	v18 =	vand.u32 $0xFFF, v24;
	[tilespmem:v27+s13+$0x0] =	vst.idx.add.s32.msk vm2, v3  }
0x40f: {  	_ = 	snop  }
0x410: {  	v12 =	vor.u32 v5, v12;
	vm2 =	veq.s32 v13, v11  }
0x411: {  	v60 =	vor.u32 v6, v15;
	vm3 =	veq.s32 v14, v11  }
0x412: {  	v61 =	vor.u32 v7, v16;
	vm4 =	veq.s32 v17, v11  }
0x413: {  	v62 =	vor.u32 v8, v19;
	vm5 =	veq.s32 v20, v11  }
0x414: {  	v63 =	vor.u32 v9, v21;
	[tilespmem:v18+s13+$0x0] =	vst.idx.add.s32.msk vm1, v3  }
0x415: {  	[tilespmem:v12+s13+$0x0] =	vst.idx.add.s32.msk vm0, v3  }
0x416: {  	[tilespmem:v60+s13+$0x0] =	vst.idx.add.s32.msk vm2, v3  }
0x417: {  	[tilespmem:v61+s13+$0x0] =	vst.idx.add.s32.msk vm3, v3  }
0x418: {  	[tilespmem:v62+s13+$0x0] =	vst.idx.add.s32.msk vm4, v3  }
0x419: {  	[tilespmem:v63+s13+$0x0] =	vst.idx.add.s32.msk vm5, v3  }
.LBB2_33:
0x41a: {  	s19 =	smul.u32 $0x2493, s21;
	_ =	sdelay $0x1  }
0x41b: {  	s19 =	sshrl.u32 s19, $0x10  }
0x41c: {  	s20 =	ssub.s32 s21, s19  }
0x41d: {  	s20 =	sand.u32 $0xFFFE, s20  }
0x41e: {  	s20 =	sshrl.u32 s20, $0x1  }
0x41f: {  	v12 =	vld [tilespmem:s22+$0x0];
	s19 =	sadd.s32 s19, s20  }
0x420: {  	s19 =	sshrl.u32 s19, $0x2  }
0x421: {  	s19 =	smul.u32 $0x7, s19;
	_ =	sdelay $0x1  }
0x422: {  	s19 =	ssub.s32 s21, s19  }
0x423: {  	v13 =	vshll.u32 v12, $0x4;
	s19 =	sshll.u32 s19, $0xC  }
0x424: {  	v12 =	vshrl.u32 v12, $0x8;
	v14 =	vand.u32 $0xF80, v13;
	v13 =	vor.u32 v0, v13;
	s19 =	sand.u32 $0xF000, s19  }
0x425: {  	vm0 =	veq.s32 v12, v11;
	v13 =	vand.u32 $0x7F, v13;
	v63 =	vor.u32 s19, v14  }
0x426: {  	p0 =	sne.s32 s21, $0x7FF;
	v12 =	vor.u32 v13, v63  }
.Ltmp15:
0x427: {  	_ = 	snop;
	(pc) =	sbr.rel @p0 .LBB2_33-.Ltmp15, $3  }
0x428: {  	_ =	sdelay $0x1  }
0x429: {  	s19 =	simm.s32 $0x18080  }
0x42a: {  	s22 =	sadd.s32 $0x10, s22;
	s21 =	sadd.s32 $0x1, s21;
	[tilespmem:v12+s19+$0x0] =	vst.idx.add.s32.msk vm0, v3  }
0x42b: {  	v12 =	vld [tilespmem:s19+$0x6000]  }
0x42c: {  	[tilespmem:s19+$0x6000] =	vst v1;
	v21 =	vld [tilespmem:s19+$0x6010]  }
0x42d: {  	[tilespmem:s19+$0x6010] =	vst v1;
	v11 =	vld [tilespmem:s19+$0x6020]  }
0x42e: {  	[tilespmem:s19+$0x6020] =	vst v1;
	v14 =	vld [tilespmem:s19+$0x6030]  }
0x42f: {  	[tilespmem:s19+$0x6030] =	vst v1;
	v15 =	vld [tilespmem:s19+$0x6040]  }
0x430: {  	[tilespmem:s19+$0x6040] =	vst v1;
	v16 =	vld [tilespmem:s19+$0x6050]  }
0x431: {  	[tilespmem:s19+$0x6050] =	vst v1;
	v17 =	vld [tilespmem:s19+$0x6060]  }
0x432: {  	[tilespmem:s19+$0x6060] =	vst v1;
	v22 =	vld [tilespmem:s19+$0x5000]  }
0x433: {  	[tilespmem:s19+$0x5000] =	vst v1;
	v23 =	vld [tilespmem:s19+$0x5010]  }
0x434: {  	[tilespmem:s19+$0x5010] =	vst v1;
	v24 =	vld [tilespmem:s19+$0x5020]  }
0x435: {  	[tilespmem:s19+$0x5020] =	vst v1;
	v13 =	vld [tilespmem:s19+$0x5030]  }
0x436: {  	[tilespmem:s19+$0x5030] =	vst v1;
	v20 =	vld [tilespmem:s19+$0x5040]  }
0x437: {  	[tilespmem:s19+$0x5040] =	vst v1;
	v19 =	vld [tilespmem:s19+$0x5050]  }
0x438: {  	[tilespmem:s19+$0x5050] =	vst v1;
	v18 =	vld [tilespmem:s19+$0x5060]  }
0x439: {  	[tilespmem:s19+$0x5060] =	vst v1;
	v25 =	vld [tilespmem:s19+$0x4000]  }
0x43a: {  	[tilespmem:s19+$0x4000] =	vst v1;
	v26 =	vld [tilespmem:s19+$0x4010]  }
0x43b: {  	[tilespmem:s19+$0x4010] =	vst v1;
	v27 =	vld [tilespmem:s19+$0x3000]  }
0x43c: {  	[tilespmem:s19+$0x3000] =	vst v1;
	v28 =	vld [tilespmem:s19+$0x3010]  }
0x43d: {  	[tilespmem:s19+$0x3010] =	vst v1;
	v29 =	vld [tilespmem:s19+$0x3020]  }
0x43e: {  	[tilespmem:s19+$0x3020] =	vst v1;
	v30 =	vld [tilespmem:s19+$0x3030]  }
0x43f: {  	[tilespmem:s19+$0x3030] =	vst v1;
	v31 =	vld [tilespmem:s19+$0x3040]  }
0x440: {  	[tilespmem:s19+$0x3040] =	vst v1;
	v32 =	vld [tilespmem:s19+$0x2000]  }
0x441: {  	[tilespmem:s19+$0x2000] =	vst v1;
	v33 =	vld [tilespmem:s19+$0x2010]  }
0x442: {  	[tilespmem:s19+$0x2010] =	vst v1;
	v34 =	vld [tilespmem:s19+$0x2020]  }
0x443: {  	[tilespmem:s19+$0x2020] =	vst v1;
	v35 =	vld [tilespmem:s19+$0x2030]  }
0x444: {  	[tilespmem:s19+$0x2030] =	vst v1;
	v36 =	vld [tilespmem:s19+$0x2040]  }
0x445: {  	[tilespmem:s19+$0x2040] =	vst v1;
	v37 =	vld [tilespmem:s19+$0x0]  }
0x446: {  	[tilespmem:s19+$0x0] =	vst v1;
	v38 =	vld [tilespmem:s19+$0x1000]  }
0x447: {  	[tilespmem:s19+$0x1000] =	vst v1;
	v39 =	vld [tilespmem:s19+$0x10]  }
0x448: {  	[tilespmem:s19+$0x10] =	vst v1;
	v40 =	vld [tilespmem:s19+$0x1010]  }
0x449: {  	[tilespmem:s19+$0x1010] =	vst v1;
	v41 =	vld [tilespmem:s19+$0x20]  }
0x44a: {  	[tilespmem:s19+$0x20] =	vst v1;
	v42 =	vld [tilespmem:s19+$0x1020]  }
0x44b: {  	[tilespmem:s19+$0x1020] =	vst v1;
	v43 =	vld [tilespmem:s19+$0x30]  }
0x44c: {  	[tilespmem:s19+$0x30] =	vst v1;
	v44 =	vld [tilespmem:s19+$0x1030]  }
0x44d: {  	[tilespmem:s19+$0x1030] =	vst v1;
	v45 =	vld [tilespmem:s19+$0x40]  }
0x44e: {  	[tilespmem:s19+$0x40] =	vst v1;
	v46 =	vld [tilespmem:s19+$0x1040]  }
0x44f: {  	[tilespmem:s19+$0x1040] =	vst v1;
	v47 =	vld [tilespmem:s19+$0x50]  }
0x450: {  	[tilespmem:s19+$0x50] =	vst v1;
	v48 =	vld [tilespmem:s19+$0x1050]  }
0x451: {  	[tilespmem:s19+$0x1050] =	vst v1;
	v49 =	vld [tilespmem:s19+$0x60]  }
0x452: {  	[tilespmem:s19+$0x60] =	vst v1;
	v50 =	vld [tilespmem:s19+$0x1060]  }
0x453: {  	[tilespmem:s19+$0x1060] =	vst v1;
	v51 =	vld [tilespmem:s19+$0x70]  }
0x454: {  	[tilespmem:s19+$0x70] =	vst v1;
	v52 =	vld [tilespmem:s19+$0x1070]  }
0x455: {  	[tilespmem:s19+$0x1070] =	vst v1;
	v53 =	vld [tilespmem:s19+$0x2050];
	v37 =	vadd.s32 v37, v38  }
0x456: {  	[tilespmem:s19+$0x2050] =	vst v1;
	v54 =	vld [tilespmem:s19+$0x2060];
	v32 =	vadd.s32 v32, v37  }
0x457: {  	[tilespmem:s19+$0x2060] =	vst v1;
	v55 =	vld [tilespmem:s19+$0x3050];
	v27 =	vadd.s32 v27, v32  }
0x458: {  	[tilespmem:s19+$0x3050] =	vst v1;
	v59 =	vld [tilespmem:s19+$0x4020];
	v63 =	vadd.s32 v39, v40;
	v25 =	vadd.s32 v25, v27  }
0x459: {  	v57 =	vld [tilespmem:s19+$0x3070];
	[tilespmem:s19+$0x3070] =	vst v1;
	v33 =	vadd.s32 v33, v63;
	v22 =	vadd.s32 v22, v25  }
0x45a: {  	[tilespmem:s19+$0x4020] =	vst v1;
	v61 =	vld [tilespmem:s19+$0x4030];
	v39 =	vadd.s32 v41, v42;
	v28 =	vadd.s32 v28, v33;
	v12 =	vadd.s32 v12, v22  }
0x45b: {  	[tilespmem:s19+$0x4030] =	vst v1;
	v38 =	vld [tilespmem:s19+$0x2070];
	v26 =	vadd.s32 v26, v28;
	(xrf0) =	vadd.scan.msk.s32 $0xffff, v12;
	v12 =	vadd.s32 v34, v39  }
0x45c: {  	[tilespmem:s19+$0x2070] =	vst v1;
	v40 =	vld [tilespmem:s19+$0x3060];
	v56 =	vadd.s32 v45, v46;
	v23 =	vadd.s32 v23, v26;
	v12 =	vadd.s32 v29, v12  }
0x45d: {  	[tilespmem:s19+$0x3060] =	vst v1;
	v58 =	vadd.s32 v47, v48;
	v46 =	vld [tilespmem:s19+$0x4050];
	v21 =	vadd.s32 v21, v23;
	v12 =	vadd.s32 v59, v12  }
0x45e: {  	v60 =	vadd.s32 v49, v50;
	[tilespmem:s19+$0x4050] =	vst v1;
	v63 =	vld [tilespmem:s19+$0x4040];
	(xrf0) =	vadd.scan.msk.s32 $0xffff, v21;
	v12 =	vadd.s32 v24, v12  }
0x45f: {  	v62 =	vadd.s32 v51, v52;
	v48 =	vld [tilespmem:s19+$0x4060];
	[tilespmem:s19+$0x4060] =	vst v1;
	v32 =	vadd.s32 v43, v44;
	v11 =	vadd.s32 v11, v12  }
0x460: {  	v50 =	vld [tilespmem:s19+$0x4070];
	[tilespmem:s19+$0x4070] =	vst v1;
	v47 =	vadd.s32 v36, v56;
	v45 =	vadd.s32 v35, v32;
	(xrf0) =	vadd.scan.msk.s32 $0xffff, v11  }
0x461: {  	v52 =	vld [tilespmem:s19+$0x5070];
	[tilespmem:s19+$0x5070] =	vst v1;
	v49 =	vadd.s32 v53, v58;
	v51 =	vadd.s32 v54, v60;
	v53 =	vadd.s32 v30, v45  }
0x462: {  	[tilespmem:s19+$0x4040] =	vst v1;
	v26 =	vadd.s32 v31, v47;
	v22 =	vadd.s32 v38, v62;
	v23 =	vadd.s32 v55, v49;
	v56, _, _ =	vpop (xrf0)  }
0x463: {  	s20 =	simm.s32 $0x18100;
	v54 =	vld [tilespmem:s19+$0x6070];
	[tilespmem:s19+$0x6070] =	vst v1;
	v25 =	vadd.s32 v61, v53;
	v26 =	vadd.s32 v63, v26;
	(v2sf) =	vpush v56, $0xF  }
0x464: {  	v22 =	vadd.s32 v57, v22;
	v25 =	vadd.s32 v13, v25;
	v13 =	vld [tilespmem:s20+$0x6020];
	v23 =	vadd.s32 v46, v23;
	[tilespmem:s20+$0x6020] =	vst v1;
	v57, _, _ =	vpop (xrf0)  }
0x465: {  	v21 =	vadd.s32 v40, v51;
	v25 =	vadd.s32 v14, v25;
	v14 =	vld [tilespmem:s20+$0x6030];
	[tilespmem:s20+$0x6030] =	vst v1;
	(v2sf) =	vpush v57, $0xF  }
0x466: {  	v20 =	vadd.s32 v20, v26;
	v19 =	vadd.s32 v19, v23;
	v23 =	vld [tilespmem:s20+$0x5010];
	[tilespmem:s20+$0x5010] =	vst v1;
	(xrf0) =	vadd.scan.msk.s32 $0xffff, v25;
	v27, _, _ =	vpop (xrf0)  }
0x467: {  	v58 =	vadd.s32 v50, v22;
	v22 =	vld [tilespmem:s20+$0x5020];
	[tilespmem:s20+$0x5020] =	vst v1;
	v20 =	vadd.s32 v15, v20;
	(v2sf) =	vpush v27, $0xF  }
0x468: {  	v26 =	vld [tilespmem:s20+$0x4000];
	[tilespmem:s20+$0x4000] =	vst v1;
	v21 =	vadd.s32 v48, v21;
	v19 =	vadd.s32 v16, v19;
	(xrf0) =	vadd.scan.msk.s32 $0xffff, v20  }
0x469: {  	v15 =	vld [tilespmem:s20+$0x6040];
	[tilespmem:s20+$0x6040] =	vst v1;
	v18 =	vadd.s32 v18, v21;
	(xrf0) =	vadd.scan.msk.s32 $0xffff, v19  }
0x46a: {  	v16 =	vld [tilespmem:s20+$0x6050];
	[tilespmem:s20+$0x6050] =	vst v1;
	v59 =	vadd.s32 v52, v58;
	v18 =	vadd.s32 v17, v18  }
0x46b: {  	v24 =	vld [tilespmem:s20+$0x5000];
	v60 =	vadd.s32 v54, v59;
	[tilespmem:s20+$0x5000] =	vst v1;
	(xrf0) =	vadd.scan.msk.s32 $0xffff, v18  }
0x46c: {  	v21 =	vld [tilespmem:s20+$0x5030];
	[tilespmem:s20+$0x5030] =	vst v1;
	(xrf0) =	vadd.scan.msk.s32 $0xffff, v60;
	v28, _, _ =	vpop (xrf0)  }
0x46d: {  	v12 =	vld [tilespmem:s20+$0x6010];
	[tilespmem:s20+$0x6010] =	vst v1;
	(v2sf) =	vpush v28, $0xF  }
0x46e: {  	v17 =	vld [tilespmem:s20+$0x6060];
	[tilespmem:s20+$0x6060] =	vst v1;
	v61, _, _ =	vpop (xrf0)  }
0x46f: {  	v11 =	vld [tilespmem:s20+$0x6000];
	[tilespmem:s20+$0x6000] =	vst v1;
	v62, _, _ =	vpop (xrf0);
	(v2sf) =	vpush v61, $0xF  }
0x470: {  	v25 =	vld [tilespmem:s20+$0x4010];
	[tilespmem:s20+$0x4010] =	vst v1;
	(v2sf) =	vpush v62, $0xF  }
0x471: {  	v20 =	vld [tilespmem:s20+$0x5060];
	[tilespmem:s20+$0x5060] =	vst v1;
	v63, _, _ =	vpop (xrf0)  }
0x472: {  	v19 =	vld [tilespmem:s20+$0x5050];
	[tilespmem:s20+$0x5050] =	vst v1;
	v34, _, _ =	vpop (xrf0);
	(v2sf) =	vpush v63, $0xF;
	s28 =	spop (v2sf)  }
0x473: {  	v18 =	vld [tilespmem:s20+$0x5040];
	[tilespmem:s20+$0x5040] =	vst v1;
	(v2sf) =	vpush v34, $0xF;
	[smem:$0x0] =	sst s28  }
0x474: {  	s19 =	spop (v2sf)  }
0x475: {  	v35 =	vld [tilespmem:s20+$0x3000];
	[tilespmem:s20+$0x3000] =	vst v1;
	[smem:$0x1] =	sst s19  }
0x476: {  	s19 =	spop (v2sf)  }
0x477: {  	v36 =	vld [tilespmem:s20+$0x3010];
	[tilespmem:s20+$0x3010] =	vst v1;
	[smem:$0x2] =	sst s19  }
0x478: {  	v37 =	vld [tilespmem:s20+$0x3020];
	[tilespmem:s20+$0x3020] =	vst v1  }
0x479: {  	v38 =	vld [tilespmem:s20+$0x3030];
	[tilespmem:s20+$0x3030] =	vst v1  }
0x47a: {  	v39 =	vld [tilespmem:s20+$0x3040];
	[tilespmem:s20+$0x3040] =	vst v1  }
0x47b: {  	v40 =	vld [tilespmem:s20+$0x2000];
	[tilespmem:s20+$0x2000] =	vst v1  }
0x47c: {  	v41 =	vld [tilespmem:s20+$0x2010];
	[tilespmem:s20+$0x2010] =	vst v1;
	s19 =	spop (v2sf)  }
0x47d: {  	v42 =	vld [tilespmem:s20+$0x2020];
	[tilespmem:s20+$0x2020] =	vst v1;
	[smem:$0x3] =	sst s19  }
0x47e: {  	s19 =	simm.s32 $0x4;
	s21 =	spop (v2sf)  }
0x47f: {  	v43 =	vld [tilespmem:s20+$0x2030];
	[tilespmem:s20+$0x2030] =	vst v1;
	[smem:s19] =	sst s21;
	s29 =	spop (v2sf)  }
0x480: {  	v44 =	vld [tilespmem:s20+$0x2040];
	[tilespmem:s20+$0x2040] =	vst v1;
	[smem:$0x5] =	sst s29  }
0x481: {  	s21 =	spop (v2sf)  }
0x482: {  	v45 =	vld [tilespmem:s20+$0x0];
	[tilespmem:s20+$0x0] =	vst v1;
	[smem:$0x6] =	sst s21  }
0x483: {  	s21 =	spop (v2sf)  }
0x484: {  	v46 =	vld [tilespmem:s20+$0x1000];
	[tilespmem:s20+$0x1000] =	vst v1;
	[smem:$0x7] =	sst s21  }
0x485: {  	v47 =	vld [tilespmem:s20+$0x10]  }
0x486: {  	v48 =	vld [tilespmem:s20+$0x1010]  }
0x487: {  	v49 =	vld [tilespmem:s20+$0x20]  }
0x488: {  	[tilespmem:s20+$0x10] =	vst v1;
	v50 =	vld [tilespmem:s20+$0x1020]  }
0x489: {  	[tilespmem:s20+$0x1010] =	vst v1;
	v51 =	vld [tilespmem:s20+$0x30]  }
0x48a: {  	[tilespmem:s20+$0x20] =	vst v1;
	v52 =	vld [tilespmem:s20+$0x1030]  }
0x48b: {  	s30 =	simm.s32 $0x0;
	[tilespmem:s20+$0x1020] =	vst v1;
	v53 =	vld [tilespmem:s20+$0x40]  }
0x48c: {  	v30 =	vbroadcast v56, $0xF;
	v60 =	vmov s30;
	[tilespmem:s20+$0x30] =	vst v1;
	v55 =	vld [tilespmem:s20+$0x1040]  }
0x48d: {  	v31 =	vbroadcast v57, $0xF;
	vm0 =	veq.s32 v60, v0;
	[tilespmem:s20+$0x1030] =	vst v1;
	v54 =	vld [tilespmem:s20+$0x50]  }
0x48e: {  	v56 =	vimm.s32 $0x0;
	v30 =	vnsel vm0, $0x0, v30;
	v27 =	vbroadcast v27, $0xF;
	[tilespmem:s20+$0x40] =	vst v1;
	v57 =	vld [tilespmem:s20+$0x1050]  }
0x48f: {  	v31 =	vnsel vm0, $0x0, v31;
	v30 =	vadd.s32 v56, v30;
	v28 =	vbroadcast v28, $0xF;
	[tilespmem:s20+$0x1040] =	vst v1;
	v56 =	vld [tilespmem:s20+$0x60]  }
0x490: {  	v30 =	vadd.s32 v31, v30;
	v27 =	vnsel vm0, $0x0, v27;
	v29 =	vbroadcast v61, $0xF;
	[tilespmem:s20+$0x50] =	vst v1;
	v31 =	vld [tilespmem:s20+$0x1060]  }
0x491: {  	v27 =	vadd.s32 v27, v30;
	v28 =	vnsel vm0, $0x0, v28;
	v61 =	vbroadcast v62, $0xF;
	[tilespmem:s20+$0x1050] =	vst v1;
	v32 =	vld [tilespmem:s20+$0x70]  }
0x492: {  	v27 =	vadd.s32 v28, v27;
	v62 =	vnsel vm0, $0x0, v29;
	v63 =	vbroadcast v63, $0xF;
	[tilespmem:s20+$0x60] =	vst v1;
	v33 =	vld [tilespmem:s20+$0x1070]  }
0x493: {  	v27 =	vadd.s32 v62, v27;
	v58 =	vnsel vm0, $0x0, v61;
	v34 =	vbroadcast v34, $0xF;
	[tilespmem:s20+$0x1060] =	vst v1;
	v30 =	vld [tilespmem:s20+$0x2050]  }
0x494: {  	v27 =	vadd.s32 v58, v27;
	v59 =	vnsel vm0, $0x0, v63;
	[tilespmem:s20+$0x70] =	vst v1;
	v29 =	vld [tilespmem:s20+$0x2060];
	v60 =	vadd.s32 v45, v46  }
0x495: {  	v27 =	vadd.s32 v59, v27;
	[tilespmem:s20+$0x1070] =	vst v1;
	v59 =	vld [tilespmem:s20+$0x3060];
	v28 =	vadd.s32 v40, v60;
	v61 =	vadd.s32 v47, v48  }
0x496: {  	[tilespmem:s20+$0x2050] =	vst v1;
	v45 =	vld [tilespmem:s20+$0x2070];
	v62 =	vadd.s32 v49, v50;
	v63 =	vadd.s32 v51, v52;
	v50 =	vadd.s32 v53, v55  }
0x497: {  	[tilespmem:s20+$0x2060] =	vst v1;
	v60 =	vld [tilespmem:s20+$0x3070];
	v58 =	vadd.s32 v54, v57;
	v31 =	vadd.s32 v56, v31;
	v32 =	vadd.s32 v32, v33  }
0x498: {  	[tilespmem:s20+$0x3060] =	vst v1;
	v48 =	vld [tilespmem:s20+$0x3050];
	v28 =	vadd.s32 v35, v28;
	v61 =	vadd.s32 v41, v61;
	v62 =	vadd.s32 v42, v62  }
0x499: {  	[tilespmem:s20+$0x2070] =	vst v1;
	v49 =	vld [tilespmem:s20+$0x4020];
	v63 =	vadd.s32 v43, v63;
	v44 =	vadd.s32 v44, v50;
	v30 =	vadd.s32 v30, v58  }
0x49a: {  	[tilespmem:s20+$0x3070] =	vst v1;
	v29 =	vadd.s32 v29, v31;
	v50 =	vld [tilespmem:s20+$0x4030];
	v26 =	vadd.s32 v26, v28;
	v51 =	vadd.s32 v36, v61  }
0x49b: {  	[tilespmem:s20+$0x3050] =	vst v1;
	v53 =	vld [tilespmem:s20+$0x4040];
	v37 =	vadd.s32 v37, v62;
	v38 =	vadd.s32 v38, v63;
	v39 =	vadd.s32 v39, v44  }
0x49c: {  	[tilespmem:s20+$0x4020] =	vst v1;
	v54 =	vld [tilespmem:s20+$0x4050];
	v29 =	vadd.s32 v59, v29;
	v24 =	vadd.s32 v24, v26;
	v32 =	vadd.s32 v45, v32  }
0x49d: {  	[tilespmem:s20+$0x4040] =	vst v1;
	v56 =	vld [tilespmem:s20+$0x4060];
	v25 =	vadd.s32 v25, v51;
	v11 =	vadd.s32 v11, v24;
	v57 =	vadd.s32 v60, v32  }
0x49e: {  	[tilespmem:s20+$0x4050] =	vst v1;
	v23 =	vadd.s32 v23, v25;
	v55 =	vadd.s32 v48, v30;
	v59 =	vadd.s32 v49, v37  }
0x49f: {  	[tilespmem:s20+$0x4060] =	vst v1;
	v58 =	vld [tilespmem:s20+$0x4070];
	v12 =	vadd.s32 v12, v23;
	v22 =	vadd.s32 v22, v59;
	v60 =	vadd.s32 v50, v38  }
0x4a0: {  	v61 =	vld [tilespmem:s20+$0x5070];
	(xrf0) =	vadd.scan.msk.s32 $0xffff, v11;
	v62 =	vadd.s32 v53, v39;
	v11 =	vadd.s32 v13, v22;
	v13 =	vadd.s32 v21, v60  }
0x4a1: {  	v63 =	vld [tilespmem:s20+$0x6070];
	(xrf0) =	vadd.scan.msk.s32 $0xffff, v12;
	v12 =	vadd.s32 v14, v13;
	v13 =	vadd.s32 v18, v62;
	v14 =	vadd.s32 v54, v55  }
0x4a2: {  	(xrf0) =	vadd.scan.msk.s32 $0xffff, v11;
	v11 =	vadd.s32 v15, v13;
	v13 =	vadd.s32 v19, v14;
	v14 =	vadd.s32 v56, v29  }
0x4a3: {  	[tilespmem:s20+$0x4030] =	vst v1;
	(xrf0) =	vadd.scan.msk.s32 $0xffff, v12;
	v12 =	vadd.s32 v16, v13;
	v13 =	vadd.s32 v20, v14  }
0x4a4: {  	[tilespmem:s20+$0x4070] =	vst v1;
	v14 =	vadd.s32 v58, v57;
	(xrf0) =	vadd.scan.msk.s32 $0xffff, v11;
	v13 =	vadd.s32 v17, v13  }
0x4a5: {  	s31 =	simm.s32 $0x0;
	v34 =	vnsel vm0, $0x0, v34;
	[tilespmem:s20+$0x5070] =	vst v1;
	v14 =	vadd.s32 v61, v14;
	(xrf0) =	vadd.scan.msk.s32 $0xffff, v12  }
0x4a6: {  	[tilespmem:s20+$0x6070] =	vst v1;
	v15 =	vmov s31;
	v16, _, _ =	vpop (xrf0);
	v12 =	vadd.s32 v63, v14;
	(xrf0) =	vadd.scan.msk.s32 $0xffff, v13  }
0x4a7: {  	s21 =	simm.s32 $0x18180;
	s20 =	simm.s32 $0x8;
	v11 =	vadd.s32 v34, v27;
	(v2sf) =	vpush v16, $0xF;
	v14 =	vbroadcast v16, $0xF;
	v13, _, _ =	vpop (xrf0);
	(xrf0) =	vadd.scan.msk.s32 $0xffff, v12  }
.LBB2_35:
0x4a8: {  	v12 =	vld [tilespmem:s21+$0x6000];
	[tilespmem:s21+$0x6000] =	vst v1;
	vm0 =	veq.s32 v15, v0;
	v15 =	vbroadcast v13, $0xF;
	(v2sf) =	vpush v13, $0xF;
	v16, _, _ =	vpop (xrf0)  }
0x4a9: {  	v13 =	vld [tilespmem:s21+$0x6010];
	[tilespmem:s21+$0x6010] =	vst v1;
	v17 =	vnsel vm0, $0x0, v14;
	v18 =	vbroadcast v16, $0xF;
	(v2sf) =	vpush v16, $0xF;
	v19, _, _ =	vpop (xrf0)  }
0x4aa: {  	v14 =	vld [tilespmem:s21+$0x6020];
	[tilespmem:s21+$0x6020] =	vst v1;
	v11 =	vadd.s32 v11, v17;
	v16 =	vnsel vm0, $0x0, v15;
	v17 =	vbroadcast v19, $0xF;
	v20, _, _ =	vpop (xrf0)  }
0x4ab: {  	v15 =	vld [tilespmem:s21+$0x6030];
	[tilespmem:s21+$0x6030] =	vst v1;
	v11 =	vadd.s32 v16, v11;
	v18 =	vnsel vm0, $0x0, v18;
	v21 =	vbroadcast v20, $0xF;
	v22, _, _ =	vpop (xrf0)  }
0x4ac: {  	v16 =	vld [tilespmem:s21+$0x6040];
	[tilespmem:s21+$0x6040] =	vst v1;
	v11 =	vadd.s32 v18, v11;
	v18 =	vnsel vm0, $0x0, v17;
	v23 =	vbroadcast v22, $0xF;
	v26, _, _ =	vpop (xrf0)  }
0x4ad: {  	v17 =	vld [tilespmem:s21+$0x6050];
	[tilespmem:s21+$0x6050] =	vst v1;
	v11 =	vadd.s32 v18, v11;
	v21 =	vnsel vm0, $0x0, v21;
	v24 =	vbroadcast v26, $0xF;
	v27, _, _ =	vpop (xrf0)  }
0x4ae: {  	v18 =	vld [tilespmem:s21+$0x6060];
	[tilespmem:s21+$0x6060] =	vst v1;
	v11 =	vadd.s32 v21, v11;
	v21 =	vnsel vm0, $0x0, v23;
	v28 =	vbroadcast v27, $0xF  }
0x4af: {  	v25 =	vld [tilespmem:s21+$0x5000];
	[tilespmem:s21+$0x5000] =	vst v1;
	v11 =	vadd.s32 v21, v11;
	v21 =	vnsel vm0, $0x0, v24;
	(v2sf) =	vpush v19, $0xF  }
0x4b0: {  	v23 =	vld [tilespmem:s21+$0x5010];
	[tilespmem:s21+$0x5010] =	vst v1;
	v11 =	vadd.s32 v21, v11;
	v19 =	vnsel vm0, $0x0, v28;
	(v2sf) =	vpush v20, $0xF  }
0x4b1: {  	v24 =	vld [tilespmem:s21+$0x5020];
	[tilespmem:s21+$0x5020] =	vst v1;
	v11 =	vadd.s32 v19, v11;
	(v2sf) =	vpush v22, $0xF  }
0x4b2: {  	v22 =	vld [tilespmem:s21+$0x5030];
	[tilespmem:s21+$0x5030] =	vst v1;
	(v2sf) =	vpush v26, $0xF  }
0x4b3: {  	v21 =	vld [tilespmem:s21+$0x5040];
	[tilespmem:s21+$0x5040] =	vst v1;
	(v2sf) =	vpush v27, $0xF  }
0x4b4: {  	v20 =	vld [tilespmem:s21+$0x5050];
	[tilespmem:s21+$0x5050] =	vst v1  }
0x4b5: {  	v19 =	vld [tilespmem:s21+$0x5060];
	[tilespmem:s21+$0x5060] =	vst v1  }
0x4b6: {  	s19 =	sadd.s32 $0x8, s19;
	v27 =	vld [tilespmem:s21+$0x4000];
	[tilespmem:s21+$0x4000] =	vst v1;
	s22 =	spop (v2sf)  }
0x4b7: {  	v26 =	vld [tilespmem:s21+$0x4010];
	[tilespmem:s21+$0x4010] =	vst v1;
	[smem:s19+$0xFFFFFFFC] =	sst s22;
	s22 =	spop (v2sf)  }
0x4b8: {  	v28 =	vld [tilespmem:s21+$0x3000];
	[tilespmem:s21+$0x3000] =	vst v1;
	[smem:s19+$0xFFFFFFFD] =	sst s22;
	s22 =	spop (v2sf)  }
0x4b9: {  	v29 =	vld [tilespmem:s21+$0x3010];
	[tilespmem:s21+$0x3010] =	vst v1;
	[smem:s19+$0xFFFFFFFE] =	sst s22  }
0x4ba: {  	v30 =	vld [tilespmem:s21+$0x3020];
	[tilespmem:s21+$0x3020] =	vst v1  }
0x4bb: {  	v31 =	vld [tilespmem:s21+$0x3030];
	[tilespmem:s21+$0x3030] =	vst v1  }
0x4bc: {  	v32 =	vld [tilespmem:s21+$0x3040];
	[tilespmem:s21+$0x3040] =	vst v1  }
0x4bd: {  	v33 =	vld [tilespmem:s21+$0x2000];
	[tilespmem:s21+$0x2000] =	vst v1  }
0x4be: {  	v34 =	vld [tilespmem:s21+$0x2010];
	[tilespmem:s21+$0x2010] =	vst v1;
	s22 =	spop (v2sf)  }
0x4bf: {  	v35 =	vld [tilespmem:s21+$0x2020];
	[tilespmem:s21+$0x2020] =	vst v1;
	[smem:s19+$0xFFFFFFFF] =	sst s22;
	s22 =	spop (v2sf)  }
0x4c0: {  	v36 =	vld [tilespmem:s21+$0x2030];
	[tilespmem:s21+$0x2030] =	vst v1;
	[smem:s19] =	sst s22;
	s22 =	spop (v2sf)  }
0x4c1: {  	v37 =	vld [tilespmem:s21+$0x2040];
	[tilespmem:s21+$0x2040] =	vst v1;
	[smem:s19+$0x1] =	sst s22;
	s22 =	spop (v2sf)  }
0x4c2: {  	v38 =	vld [tilespmem:s21+$0x0];
	[tilespmem:s21+$0x0] =	vst v1;
	[smem:s19+$0x2] =	sst s22;
	s22 =	spop (v2sf)  }
0x4c3: {  	v39 =	vld [tilespmem:s21+$0x1000];
	[tilespmem:s21+$0x1000] =	vst v1;
	[smem:s19+$0x3] =	sst s22  }
0x4c4: {  	v40 =	vld [tilespmem:s21+$0x10];
	[tilespmem:s21+$0x10] =	vst v1  }
0x4c5: {  	v41 =	vld [tilespmem:s21+$0x1010];
	[tilespmem:s21+$0x1010] =	vst v1  }
0x4c6: {  	v42 =	vld [tilespmem:s21+$0x20];
	[tilespmem:s21+$0x20] =	vst v1  }
0x4c7: {  	v43 =	vld [tilespmem:s21+$0x1020];
	[tilespmem:s21+$0x1020] =	vst v1  }
0x4c8: {  	v44 =	vld [tilespmem:s21+$0x30];
	[tilespmem:s21+$0x30] =	vst v1  }
0x4c9: {  	v45 =	vld [tilespmem:s21+$0x1030];
	[tilespmem:s21+$0x1030] =	vst v1  }
0x4ca: {  	v46 =	vld [tilespmem:s21+$0x40];
	[tilespmem:s21+$0x40] =	vst v1  }
0x4cb: {  	v47 =	vld [tilespmem:s21+$0x1040];
	[tilespmem:s21+$0x1040] =	vst v1  }
0x4cc: {  	v48 =	vld [tilespmem:s21+$0x50];
	[tilespmem:s21+$0x50] =	vst v1  }
0x4cd: {  	v49 =	vld [tilespmem:s21+$0x1050];
	[tilespmem:s21+$0x1050] =	vst v1  }
0x4ce: {  	v50 =	vld [tilespmem:s21+$0x60];
	[tilespmem:s21+$0x60] =	vst v1  }
0x4cf: {  	v51 =	vld [tilespmem:s21+$0x1060];
	[tilespmem:s21+$0x1060] =	vst v1  }
0x4d0: {  	v52 =	vld [tilespmem:s21+$0x70];
	[tilespmem:s21+$0x70] =	vst v1  }
0x4d1: {  	v53 =	vld [tilespmem:s21+$0x1070];
	[tilespmem:s21+$0x1070] =	vst v1  }
0x4d2: {  	v54 =	vld [tilespmem:s21+$0x2050];
	[tilespmem:s21+$0x2050] =	vst v1  }
0x4d3: {  	v55 =	vld [tilespmem:s21+$0x2060];
	[tilespmem:s21+$0x2060] =	vst v1  }
0x4d4: {  	v38 =	vadd.s32 v38, v39;
	v39 =	vadd.s32 v40, v41;
	v40 =	vadd.s32 v42, v43;
	v41 =	vld [tilespmem:s21+$0x2070];
	[tilespmem:s21+$0x2070] =	vst v1  }
0x4d5: {  	v42 =	vadd.s32 v44, v45;
	v43 =	vadd.s32 v46, v47;
	v44 =	vadd.s32 v48, v49;
	v45 =	vld [tilespmem:s21+$0x3050];
	[tilespmem:s21+$0x3050] =	vst v1  }
0x4d6: {  	v33 =	vadd.s32 v33, v38;
	v38 =	vadd.s32 v50, v51;
	v46 =	vld [tilespmem:s21+$0x3060];
	[tilespmem:s21+$0x3060] =	vst v1;
	v47 =	vadd.s32 v52, v53  }
0x4d7: {  	v34 =	vadd.s32 v34, v39;
	v35 =	vadd.s32 v35, v40;
	v36 =	vadd.s32 v36, v42;
	v39 =	vld [tilespmem:s21+$0x3070];
	[tilespmem:s21+$0x3070] =	vst v1  }
0x4d8: {  	v37 =	vadd.s32 v37, v43;
	v42 =	vadd.s32 v54, v44;
	v40 =	vld [tilespmem:s21+$0x4020];
	[tilespmem:s21+$0x4020] =	vst v1;
	v38 =	vadd.s32 v55, v38  }
0x4d9: {  	v28 =	vadd.s32 v28, v33;
	v29 =	vadd.s32 v29, v34;
	v33 =	vld [tilespmem:s21+$0x4030];
	[tilespmem:s21+$0x4030] =	vst v1;
	v34 =	vadd.s32 v41, v47  }
0x4da: {  	v30 =	vadd.s32 v30, v35;
	v31 =	vadd.s32 v31, v36;
	v32 =	vadd.s32 v32, v37;
	v35 =	vld [tilespmem:s21+$0x4040];
	[tilespmem:s21+$0x4040] =	vst v1  }
0x4db: {  	v27 =	vadd.s32 v27, v28;
	v28 =	vadd.s32 v45, v42;
	v36 =	vld [tilespmem:s21+$0x4050];
	[tilespmem:s21+$0x4050] =	vst v1;
	v37 =	vadd.s32 v46, v38  }
0x4dc: {  	v25 =	vadd.s32 v25, v27;
	v26 =	vadd.s32 v26, v29;
	v27 =	vld [tilespmem:s21+$0x4060];
	[tilespmem:s21+$0x4060] =	vst v1;
	v29 =	vadd.s32 v39, v34  }
0x4dd: {  	v12 =	vadd.s32 v12, v25;
	v23 =	vadd.s32 v23, v26;
	v25 =	vadd.s32 v40, v30;
	v26 =	vld [tilespmem:s21+$0x4070];
	[tilespmem:s21+$0x4070] =	vst v1  }
0x4de: {  	v13 =	vadd.s32 v13, v23;
	v23 =	vadd.s32 v24, v25;
	v24 =	vadd.s32 v33, v31;
	v25 =	vld [tilespmem:s21+$0x5070];
	(xrf0) =	vadd.scan.msk.s32 $0xffff, v12  }
0x4df: {  	s20 =	sadd.s32 $0x8, s20;
	v12 =	vadd.s32 v14, v23;
	v14 =	vadd.s32 v22, v24;
	v22 =	vadd.s32 v35, v32;
	v23 =	vld [tilespmem:s21+$0x6070];
	(xrf0) =	vadd.scan.msk.s32 $0xffff, v13  }
0x4e0: {  	p0 =	slt.u32 s20, $0xF8;
	v13 =	vadd.s32 v15, v14;
	v14 =	vadd.s32 v21, v22;
	v15 =	vadd.s32 v36, v28;
	(xrf0) =	vadd.scan.msk.s32 $0xffff, v12  }
.Ltmp16:
0x4e1: {  	v12 =	vadd.s32 v16, v14;
	v14 =	vadd.s32 v20, v15;
	v15 =	vadd.s32 v27, v37;
	(xrf0) =	vadd.scan.msk.s32 $0xffff, v13;
	(pc) =	sbr.rel @p0 .LBB2_35-.Ltmp16, $4  }
0x4e2: {  	v17 =	vadd.s32 v17, v14;
	v14 =	vadd.s32 v19, v15;
	v15 =	vadd.s32 v26, v29;
	(xrf0) =	vadd.scan.msk.s32 $0xffff, v12  }
0x4e3: {  	v12 =	vadd.s32 v18, v14;
	v14 =	vadd.s32 v25, v15;
	[tilespmem:s21+$0x5070] =	vst v1;
	(xrf0) =	vadd.scan.msk.s32 $0xffff, v17  }
0x4e4: {  	s22 =	sshrl.u32 s20, $0x4;
	v16 =	vadd.s32 v23, v14;
	[tilespmem:s21+$0x6070] =	vst v1;
	v13, _, _ =	vpop (xrf0);
	(xrf0) =	vadd.scan.msk.s32 $0xffff, v12  }
0x4e5: {  	v15 =	vmov s22;
	s21 =	sadd.s32 $0x80, s21;
	v14 =	vbroadcast v13, $0xF;
	(v2sf) =	vpush v13, $0xF;
	v13, _, _ =	vpop (xrf0);
	(xrf0) =	vadd.scan.msk.s32 $0xffff, v16  }
0x4e6: {  	vm0 =	veq.s32 v15, v0;
	v12 =	vbroadcast v13, $0xF;
	v48, _, _ =	vpop (xrf0)  }
0x4e7: {  	v14 =	vnsel vm0, $0x0, v14;
	v16 =	vbroadcast v48, $0xF;
	v17, _, _ =	vpop (xrf0)  }
0x4e8: {  	v11 =	vadd.s32 v11, v14;
	v12 =	vnsel vm0, $0x0, v12;
	v49 =	vbroadcast v17, $0xF;
	v18, _, _ =	vpop (xrf0)  }
0x4e9: {  	v11 =	vadd.s32 v12, v11;
	v50 =	vnsel vm0, $0x0, v16;
	v51 =	vbroadcast v18, $0xF;
	v19, _, _ =	vpop (xrf0)  }
0x4ea: {  	v11 =	vadd.s32 v50, v11;
	v52 =	vnsel vm0, $0x0, v49;
	v53 =	vbroadcast v19, $0xF;
	v20, _, _ =	vpop (xrf0)  }
0x4eb: {  	v11 =	vadd.s32 v52, v11;
	v54 =	vnsel vm0, $0x0, v51;
	v55 =	vbroadcast v20, $0xF;
	v21, _, _ =	vpop (xrf0)  }
0x4ec: {  	v11 =	vadd.s32 v54, v11;
	v56 =	vnsel vm0, $0x0, v53;
	v57 =	vbroadcast v21, $0xF  }
0x4ed: {  	v11 =	vadd.s32 v56, v11;
	v58 =	vnsel vm0, $0x0, v55  }
0x4ee: {  	v11 =	vadd.s32 v58, v11;
	v59 =	vnsel vm0, $0x0, v57  }
0x4ef: {  	v11 =	vadd.s32 v59, v11  }
0x4f0: {  	v11 =	vperm.xlane v11, v4;
	_ =	sdelay $0x1  }
0x4f1: {  	(xrf0) =	vadd.scan.msk.s32 $0xffff, v11;
	_ =	sdelay $0x5  }
0x4f2: {  	v60, _, _ =	vpop (xrf0)  }
0x4f3: {  	vm14 =	vge.s32 v60, s18  }
0x4f4: {  	v61 =	vmpcnt.ones.xlane vm14;
	_ =	sdelay $0x1  }
0x4f5: {  	v62 =	vxor.u32 $0x80000000, v61  }
0x4f6: {  	(v2sf) =	vpush v13, $0xF;
	(xrf0) =	vmax.scan.msk.u32 $0xffff, v62  }
0x4f7: {  	(v2sf) =	vpush v48, $0xF;
	v63 =	vsub.s32 $0x10, v61  }
0x4f8: {  	(v2sf) =	vpush v17, $0xF;
	v11 =	vsub.s32 v60, v11;
	vm15 =	veq.s32 v63, v0  }
0x4f9: {  	(v2sf) =	vpush v18, $0xF;
	v11 =	vnsel vm15, $0x0, v11  }
0x4fa: {  	(v2sf) =	vpush v19, $0xF;
	(xrf0) =	vadd.scan.msk.s32 $0xffff, v11  }
0x4fb: {  	(v2sf) =	vpush v20, $0xF  }
0x4fc: {  	(v2sf) =	vpush v21, $0xF;
	v11, _, _ =	vpop (xrf0)  }
0x4fd: {  	(v2sf) =	vpush v11, $0xF;
	_ =	sdelay $0x2  }
0x4fe: {  	v11, _, _ =	vpop (xrf0)  }
0x4ff: {  	(v2sf) =	vpush v11, $0xF;
	_ =	sdelay $0x2  }
0x500: {  	s20 =	spop (v2sf)  }
0x501: {  	s21 =	spop (v2sf)  }
0x502: {  	s19 =	sadd.s32 $0x8, s19;
	s22 =	spop (v2sf)  }
0x503: {  	[smem:s19+$0xFFFFFFFC] =	sst s20;
	s29 =	spop (v2sf)  }
0x504: {  	[smem:s19+$0xFFFFFFFD] =	sst s21;
	s30 =	spop (v2sf)  }
0x505: {  	[smem:s19+$0xFFFFFFFE] =	sst s22;
	s31 =	spop (v2sf)  }
0x506: {  	[smem:s19+$0xFFFFFFFF] =	sst s29;
	s23 =	spop (v2sf)  }
0x507: {  	[smem:s19] =	sst s30;
	s25 =	spop (v2sf)  }
0x508: {  	[smem:s19+$0x1] =	sst s31;
	s24 =	spop (v2sf)  }
0x509: {  	[smem:s19+$0x2] =	sst s23;
	s26 =	sshll.u32 s24, $0x6  }
0x50a: {  	s28 =	simm.s32 $0xFFFFFFFF;
	[smem:s19+$0x3] =	sst s25;
	s23 =	sshra.s32 s26, $0x2  }
0x50b: {  	s22 =	sld [smem:s23+s28]  }
0x50c: {  	s29 =	spop (v2sf)  }
0x50d: {  	s21 =	ssub.s32 s18, s29  }
0x50e: {  	p0 =	por $0x1, $0x1;
	p1 =	sle.s32 s21, s22  }
0x50f: {  	p1 =	por !p0, !p1  }
0x510: {  	s31 =	simm.s32 $0xFFFFFFFE;
	p1 =	por !p1, !p1  }
0x511: {  	s19 =	simm.s32 $0xFFFFFFFF;
	s30 =	sshll.u32 s24, $0x4;
	p2 =	por !p1, !p1  }
0x512: {  	s20 =	sadd.s32 $0xFFFFFFFF, s30;
	s18 =	simm.s32 $0xFFFFFFF4;
	p2 =	por @!p0 p1, p1  }
0x513: {  	s24 =	sld [smem:s23+s31];
	s19 =	smov.u32 @p1 s20;
	s22 =	simm.s32 @!p2 $0x0  }
.LBB2_37:
0x514: {  	s21 =	ssub.s32 s21, s22  }
0x515: {  	s20 =	sadd.s32 $0xFFFFFFFF, s20;
	s25 =	smov.u32 s18;
	s26 =	sadd.s32 $0xFFFFFFFC, s18  }
0x516: {  	p0 =	sne.s32 s18, $0xFFFFFFC0;
	p1 =	slt.s32 s19, $0x0;
	p2 =	sle.s32 s21, s24  }
.Ltmp17:
0x517: {  	s22 =	smov.u32 s24;
	p2 =	por !p1, !p2;
	(pc) =	sbr.rel @p0 .LBB2_37-.Ltmp17, $4  }
0x518: {  	p2 =	por !p2, !p2  }
0x519: {  	s18 =	sshra.s32 s25, $0x2;
	s19 =	smov.u32 @p2 s20;
	p3 =	por !p2, !p2  }
0x51a: {  	s24 =	sld [smem:s23+s18];
	p3 =	por @!p1 p2, p2  }
0x51b: {  	s18 =	smov.u32 s26;
	s22 =	simm.s32 @!p3 $0x0  }
0x51c: {  	s23 =	simm.s32 $0x10100  }
0x51d: {  	s18 =	simm.s32 $0x8100;
	v12 =	vld [tilespmem:s23+$0x70]  }
0x51e: {  	v13 =	vld [tilespmem:s18+$0x70]  }
0x51f: {  	v14 =	vld [tilespmem:s23+$0xFFFFFF90]  }
0x520: {  	v15 =	vld [tilespmem:s23+$0xFFFFFFA0]  }
0x521: {  	v16 =	vld [tilespmem:s23+$0xFFFFFFB0]  }
0x522: {  	v17 =	vld [tilespmem:s23+$0xFFFFFFC0]  }
0x523: {  	v18 =	vld [tilespmem:s23+$0xFFFFFFD0]  }
0x524: {  	v19 =	vld [tilespmem:s23+$0xFFFFFFE0]  }
0x525: {  	v20 =	vld [tilespmem:s23+$0xFFFFFFF0]  }
0x526: {  	v21 =	vld [tilespmem:s23+$0x0]  }
0x527: {  	v22 =	vld [tilespmem:s23+$0x10]  }
0x528: {  	v23 =	vld [tilespmem:s23+$0x20]  }
0x529: {  	v24 =	vld [tilespmem:s23+$0x30]  }
0x52a: {  	s21 =	ssub.s32 s21, s22;
	v25 =	vld [tilespmem:s23+$0x40]  }
0x52b: {  	p1 =	slt.s32 s19, $0x0;
	p0 =	sle.s32 s21, s24;
	v26 =	vld [tilespmem:s23+$0x50]  }
0x52c: {  	v27 =	vld [tilespmem:s23+$0x60];
	p0 =	por !p1, !p0  }
0x52d: {  	s20 =	sadd.s32 $0xFFFFFFFF, s20;
	v28 =	vld [tilespmem:s23+$0xFFFFFF80];
	p0 =	por !p0, !p0  }
0x52e: {  	v29 =	vld [tilespmem:s18+$0xFFFFFF80];
	s19 =	smov.u32 @p0 s20  }
0x52f: {  	v30 =	vld [tilespmem:s18+$0xFFFFFF90];
	s17 =	sor.u32 s17, s19  }
0x530: {  	v31 =	vld [tilespmem:s18+$0xFFFFFFA0];
	v11 =	vmov s17  }
0x531: {  	vm0 =	vlt.s32 v12, v11;
	v12 =	vld [tilespmem:s18+$0xFFFFFFB0]  }
0x532: {  	v63 =	vld [tilespmem:s18+$0xFFFFFFC0];
	v13 =	vsel vm0, $0x0, v13;
	vm0 =	vlt.s32 v28, v11  }
0x533: {  	vm1 =	vlt.s32 v14, v11;
	v14 =	vld [tilespmem:s18+$0xFFFFFFD0];
	[tilespmem:s18+$0x70] =	vst v13;
	v13 =	vsel vm0, $0x0, v29  }
0x534: {  	vm0 =	vlt.s32 v15, v11;
	v15 =	vld [tilespmem:s18+$0xFFFFFFE0];
	[tilespmem:s18+$0xFFFFFF80] =	vst v13;
	v13 =	vsel vm1, $0x0, v30  }
0x535: {  	vm1 =	vlt.s32 v16, v11;
	v16 =	vld [tilespmem:s18+$0xFFFFFFF0];
	[tilespmem:s18+$0xFFFFFF90] =	vst v13;
	v13 =	vsel vm0, $0x0, v31  }
0x536: {  	vm0 =	vlt.s32 v17, v11;
	v17 =	vld [tilespmem:s18+$0x0];
	[tilespmem:s18+$0xFFFFFFA0] =	vst v13;
	v12 =	vsel vm1, $0x0, v12  }
0x537: {  	vm1 =	vlt.s32 v18, v11;
	v18 =	vld [tilespmem:s18+$0x10];
	[tilespmem:s18+$0xFFFFFFB0] =	vst v12;
	v12 =	vsel vm0, $0x0, v63  }
0x538: {  	vm0 =	vlt.s32 v19, v11;
	v13 =	vsel vm1, $0x0, v14;
	[tilespmem:s18+$0xFFFFFFC0] =	vst v12;
	v12 =	vld [tilespmem:s18+$0x20]  }
0x539: {  	vm2 =	vlt.s32 v21, v11;
	vm1 =	vlt.s32 v20, v11;
	[tilespmem:s18+$0xFFFFFFD0] =	vst v13;
	v14 =	vsel vm0, $0x0, v15;
	v13 =	vld [tilespmem:s18+$0x30]  }
0x53a: {  	vm5 =	vlt.s32 v22, v11;
	vm4 =	vlt.s32 v23, v11;
	[tilespmem:s18+$0xFFFFFFE0] =	vst v14;
	v15 =	vsel vm1, $0x0, v16;
	v14 =	vld [tilespmem:s18+$0x40]  }
0x53b: {  	vm3 =	vlt.s32 v24, v11;
	vm0 =	vlt.s32 v27, v11;
	[tilespmem:s18+$0xFFFFFFF0] =	vst v15;
	v16 =	vsel vm2, $0x0, v17;
	v15 =	vld [tilespmem:s18+$0x50]  }
0x53c: {  	s20 =	simm.s32 $0x8100;
	s19 =	simm.s32 $0x10200;
	s17 =	simm.s32 $0x0;
	vm1 =	vlt.s32 v25, v11;
	vm2 =	vlt.s32 v26, v11;
	[tilespmem:s18+$0x0] =	vst v16;
	v17 =	vsel vm5, $0x0, v18;
	v16 =	vld [tilespmem:s18+$0x60]  }
.LBB2_39:
0x53d: {  	v18 =	vld [tilespmem:s19+$0x70];
	s17 =	sadd.s32 $0x10, s17;
	[tilespmem:s18+$0x10] =	vst v17;
	v12 =	vsel vm4, $0x0, v12;
	s20 =	sadd.s32 $0x100, s20  }
0x53e: {  	v17 =	vld [tilespmem:s20+$0x70];
	p0 =	slt.u32 s17, $0x7F0;
	[tilespmem:s18+$0x20] =	vst v12;
	v12 =	vsel vm3, $0x0, v13  }
0x53f: {  	v13 =	vld [tilespmem:s19+$0xFFFFFF90];
	[tilespmem:s18+$0x30] =	vst v12;
	v12 =	vsel vm1, $0x0, v14  }
0x540: {  	v14 =	vld [tilespmem:s19+$0xFFFFFFA0];
	[tilespmem:s18+$0x40] =	vst v12;
	v12 =	vsel vm2, $0x0, v15  }
0x541: {  	v15 =	vld [tilespmem:s19+$0xFFFFFFB0];
	[tilespmem:s18+$0x50] =	vst v12;
	v12 =	vsel vm0, $0x0, v16  }
0x542: {  	v16 =	vld [tilespmem:s19+$0xFFFFFFC0];
	vm0 =	vlt.s32 v18, v11;
	[tilespmem:s18+$0x60] =	vst v12;
	s18 =	smov.u32 s20  }
0x543: {  	v12 =	vld [tilespmem:s19+$0xFFFFFFD0];
	v17 =	vsel vm0, $0x0, v17  }
0x544: {  	vm12 =	vlt.s32 v13, v11;
	v13 =	vld [tilespmem:s19+$0xFFFFFFE0];
	[tilespmem:s20+$0x70] =	vst v17  }
0x545: {  	vm13 =	vlt.s32 v14, v11;
	v14 =	vld [tilespmem:s19+$0xFFFFFFF0]  }
0x546: {  	vm11 =	vlt.s32 v15, v11;
	v15 =	vld [tilespmem:s19+$0x0]  }
0x547: {  	vm10 =	vlt.s32 v16, v11;
	v16 =	vld [tilespmem:s19+$0x10]  }
0x548: {  	vm9 =	vlt.s32 v12, v11;
	v12 =	vld [tilespmem:s19+$0x20]  }
0x549: {  	vm8 =	vlt.s32 v13, v11;
	v13 =	vld [tilespmem:s19+$0x30]  }
0x54a: {  	vm7 =	vlt.s32 v14, v11;
	v14 =	vld [tilespmem:s19+$0x40]  }
0x54b: {  	vm6 =	vlt.s32 v15, v11;
	v15 =	vld [tilespmem:s19+$0x50]  }
0x54c: {  	vm5 =	vlt.s32 v16, v11;
	v16 =	vld [tilespmem:s19+$0x60]  }
0x54d: {  	v17 =	vld [tilespmem:s19+$0xFFFFFF80];
	vm4 =	vlt.s32 v12, v11  }
0x54e: {  	v12 =	vld [tilespmem:s20+$0xFFFFFF80];
	vm3 =	vlt.s32 v13, v11  }
0x54f: {  	v13 =	vld [tilespmem:s20+$0xFFFFFF90];
	vm1 =	vlt.s32 v14, v11  }
0x550: {  	v14 =	vld [tilespmem:s20+$0xFFFFFFA0];
	vm2 =	vlt.s32 v15, v11  }
0x551: {  	v15 =	vld [tilespmem:s20+$0xFFFFFFB0];
	vm0 =	vlt.s32 v16, v11  }
0x552: {  	vm14 =	vlt.s32 v17, v11;
	v16 =	vld [tilespmem:s20+$0xFFFFFFC0]  }
0x553: {  	v12 =	vsel vm14, $0x0, v12;
	v17 =	vld [tilespmem:s20+$0xFFFFFFD0]  }
0x554: {  	[tilespmem:s20+$0xFFFFFF80] =	vst v12;
	v12 =	vsel vm12, $0x0, v13;
	v13 =	vld [tilespmem:s20+$0xFFFFFFE0]  }
0x555: {  	[tilespmem:s20+$0xFFFFFF90] =	vst v12;
	v12 =	vsel vm13, $0x0, v14;
	v14 =	vld [tilespmem:s20+$0xFFFFFFF0]  }
0x556: {  	[tilespmem:s20+$0xFFFFFFA0] =	vst v12;
	v12 =	vsel vm11, $0x0, v15;
	v15 =	vld [tilespmem:s20+$0x0]  }
0x557: {  	[tilespmem:s20+$0xFFFFFFB0] =	vst v12;
	v12 =	vsel vm10, $0x0, v16;
	v16 =	vld [tilespmem:s20+$0x10]  }
.Ltmp18:
0x558: {  	[tilespmem:s20+$0xFFFFFFC0] =	vst v12;
	v17 =	vsel vm9, $0x0, v17;
	v12 =	vld [tilespmem:s20+$0x20];
	(pc) =	sbr.rel @p0 .LBB2_39-.Ltmp18, $4  }
0x559: {  	[tilespmem:s20+$0xFFFFFFD0] =	vst v17;
	v17 =	vsel vm8, $0x0, v13;
	v13 =	vld [tilespmem:s20+$0x30]  }
0x55a: {  	[tilespmem:s20+$0xFFFFFFE0] =	vst v17;
	v17 =	vsel vm7, $0x0, v14;
	v14 =	vld [tilespmem:s20+$0x40]  }
0x55b: {  	[tilespmem:s20+$0xFFFFFFF0] =	vst v17;
	v17 =	vsel vm6, $0x0, v15;
	v15 =	vld [tilespmem:s20+$0x50]  }
0x55c: {  	s19 =	sadd.s32 $0x100, s19;
	[tilespmem:s20+$0x0] =	vst v17;
	v17 =	vsel vm5, $0x0, v16;
	v16 =	vld [tilespmem:s20+$0x60]  }
0x55d: {  	[tilespmem:s18+$0x10] =	vst v17;
	v11 =	vsel vm4, $0x0, v12  }
0x55e: {  	[tilespmem:s18+$0x20] =	vst v11;
	v11 =	vsel vm3, $0x0, v13  }
0x55f: {  	[tilespmem:s18+$0x30] =	vst v11;
	v11 =	vsel vm1, $0x0, v14  }
0x560: {  	s15 =	sadd.s32 $0x1, s15;
	[tilespmem:s18+$0x40] =	vst v11;
	v11 =	vsel vm2, $0x0, v15  }
0x561: {  	p0 =	sne.s32 s15, $0x4;
	[tilespmem:s18+$0x50] =	vst v11;
	v11 =	vsel vm0, $0x0, v16  }
.Ltmp19:
0x562: {  	s16 =	sadd.s32 s3, s16;
	[tilespmem:s18+$0x60] =	vst v11;
	(pc) =	sbr.rel @p0 .LBB2_6-.Ltmp19, $4  }
0x563: {  	[hbm4b:s16+s10] =	stream.strided.scatter [tilespmem:s12], [sflag:$0x1], $0x8000, s11, s10, $0x38;
	[tilespmem:$0x1F080] =	vst v63  }
0x564: {  	_ =	swait.ge [sflag:s9], $0x8000  }
0x565: {  	[sflag:s9] =	ssyncset.done $0x0  }
0x566: {  	[sflag:s9] =	ssyncadd.s32 $0xFFFF8000  }
0x567: {  	s14 =	sadd.s32 $0x1, s14  }
0x568: {  	p0 =	sne.s32 s14, s8  }
.Ltmp20:
0x569: {  	_ = 	snop;
	(pc) =	sbr.rel @p0 .LBB2_1-.Ltmp20, $1  }
0x56a: {  	_ =	sdelay $0x3  }
0x56b: {  	_ =	sfence.sel $0x180000  }
0x56c: {  	[bflag:$0x0] =	sbarrier.arrive $0xFFFF  }
0x56d: {  	p0 =	sne.s32 s5, $0x0;
	_ =	strace $0x90000047  }
0x56e: {  	s0 =	sadd.s32 @!p0 $0x100000, s0;
	[bflag:$0x2] =	sbarrier.arrive $0xFFFF  }
0x56f: {  	[sflag:s0] =	ssyncadd.tile.s32 @!p0 $0x1;
	_ =	shalt  }
.Lfunc_end2:
_tile_overlayer_lowered:
.L_overlay_start_2:
0x570: {  	(tag) =	ssettag $0x2  }
0x571: {  	s0 =	rddreg [dreg:$0x0];
	s2 =	stileid.u32  }
0x572: {  	s1 =	rddreg [dreg:$0x1];
	p0 =	sne.s32 s2, $0x0  }
0x573: {  	s3 =	rddreg [dreg:$0x2];
	[bflag:$0x3] =	sbarrier.arrive $0xFFFF;
	s2 =	simm.s32 @!p0 $0x1C01  }
0x574: {  	[timem:s3], [sflag:s2] =	dma.local @!p0 [hbm:s0], s1  }
0x575: {  	s0 =	simm.s32 @!p0 $0x1  }
0x576: {  	_ =	swait.ge @!p0 [sflag:s0], s1  }
0x577: {  	s1 =	ssub.s32 @!p0 $0x0, s1;
	[sflag:s0] =	ssyncset.done @!p0 $0x0  }
0x578: {  	[sflag:s0] =	ssyncadd.s32 @!p0 s1  }
0x579: {  	[bflag:$0x3] =	sbarrier.arrive $0xFFFF  }
0x57a: {  	_ =	shalt  }

</sc_bundles>
